<compile_context>
chip_gen: v7x
topology: tpu7x:2x2x1
jax: 0.10.2.dev20260603
libtpu: 0.0.44.dev20260713+nightly
codegen_flags: <defaults>
</compile_context>

<pallas_src>
import jax
import jax.numpy as jnp
from jax import lax
from jax.experimental import pallas as pl
from jax.experimental.pallas import tpu as pltpu
from jax.experimental.pallas import tpu_sc as plsc

_D = 64
_L = 16
_G = 128


def _holo_body(idx_hbm, et_hbm, r_hbm, out_hbm,
               idx_v, sg_v, og_v, slab_v, out_v,
               sem_s, sem_o, sem_r):
    cid = lax.axis_index("c")
    sid = lax.axis_index("s")

    @pl.when(jnp.logical_and(cid == 0, sid == 0))
    def _():
        pltpu.sync_copy(idx_hbm, idx_v)
        idxv = idx_v[...]
        cp_r = pltpu.async_copy(r_hbm.at[idxv[2]], slab_v, sem_r)
        s_base = pl.multiple_of((idxv[0] >> 7) * _G, _G)
        o_base = pl.multiple_of((idxv[1] >> 7) * _G, _G)
        cp_s = pltpu.async_copy(et_hbm.at[:, pl.ds(s_base, _G)], sg_v, sem_s)
        cp_o = pltpu.async_copy(et_hbm.at[:, pl.ds(o_base, _G)], og_v, sem_o)
        cp_s.wait()
        cp_o.wait()

        lanes = lax.broadcasted_iota(jnp.int32, (_L,), 0)
        s_lane = jnp.full((_L,), idxv[0] & (_G - 1))
        o_lane = jnp.full((_L,), idxv[1] & (_G - 1))
        s_chunks = [plsc.load_gather(sg_v, [lanes + k * _L, s_lane])
                    for k in range(_D // _L)]
        o_chunks = [plsc.load_gather(og_v, [lanes + k * _L, o_lane])
                    for k in range(_D // _L)]
        cp_r.wait()

        acc = jnp.zeros((_L,), jnp.float32)
        for c in range(_D // _L):
            t_c = jnp.zeros((_L,), jnp.float32)
            for i in range(_D):
                s_i = s_chunks[i // _L][i % _L]
                t_c = t_c + s_i * slab_v[i, pl.ds(c * _L, _L)]
            acc = acc + t_c * o_chunks[c]
        dnums = lax.GatherDimensionNumbers(
            offset_dims=(), collapsed_slice_dims=(0,), start_index_map=(0,))
        for sh in (8, 4, 2, 1):
            perm = lax.gather(
                acc, (lanes ^ sh)[:, None], dnums, slice_sizes=(1,),
                mode=lax.GatherScatterMode.PROMISE_IN_BOUNDS)
            acc = acc + perm
        out_v[...] = acc
        pltpu.sync_copy(out_v, out_hbm)


def kernel(x, E_tab, R_tab):
    idx = jnp.pad(x[0].astype(jnp.int32), (0, _L - 3))
    mesh = plsc.VectorSubcoreMesh(
        core_axis_name="c", subcore_axis_name="s", num_cores=1)
    out = pl.kernel(
        _holo_body,
        out_type=jax.ShapeDtypeStruct((_L,), jnp.float32),
        mesh=mesh,
        compiler_params=pltpu.CompilerParams(
            use_tc_tiling_on_sc=True, needs_layout_passes=False),
        scratch_types=[
            pltpu.VMEM((_L,), jnp.int32),
            pltpu.VMEM((_D, _G), jnp.float32),
            pltpu.VMEM((_D, _G), jnp.float32),
            pltpu.VMEM((_D, _D), jnp.float32),
            pltpu.VMEM((_L,), jnp.float32),
            pltpu.SemaphoreType.DMA,
            pltpu.SemaphoreType.DMA,
            pltpu.SemaphoreType.DMA,
        ],
    )(idx, E_tab.T, R_tab)
    return out[0]

# --- scband reference (transcript-rebuilt; emitter-appended) ---
"""Pipeline reference for scband-holographic-layer-11244224381437 (READ-ONLY COPY).

The authoritative reference and input builder live on the scoring server;
editing this copy changes nothing except your own understanding.
"""

import jax, jax.numpy as jnp
import numpy as np
import math

E_NUM = 1000000
R_NUM = 26
D = 64

def _glorot(key, shape):
    fan_in, fan_out = shape[0], int(np.prod(shape[1:]))
    std = math.sqrt(2.0 / (fan_in + fan_out))
    return jax.random.normal(key, shape, dtype=jnp.float32) * std

def setup_inputs(seed: int = 0) -> dict:
    key = jax.random.key(seed)
    kx, kE, kR = jax.random.split(key, 3)
    # triples (s, o, p); values must be valid for both E (1M) and R (26) tables,
    # so sample in [0, 26) which is in-range for both
    x = jax.random.randint(kx, (1024, 3), 0, 26, dtype=jnp.int64)
    E_tab = _glorot(kE, (E_NUM, D))
    R_tab = _glorot(kR, (R_NUM, D, D))
    return {"x": x, "E_tab": E_tab, "R_tab": R_tab}

def reference(x, E_tab, R_tab):
    # Faithful port of HolographicLayer.call: only the FIRST row of the batch is used.
    batch_placeholder = x[0].astype(jnp.int32)
    s = batch_placeholder[0]
    o = batch_placeholder[1]
    p = batch_placeholder[2]
    s2v = jnp.take(E_tab, s, axis=0)   # (d,)
    o2v = jnp.take(E_tab, o, axis=0)   # (d,)
    r2v = jnp.take(R_tab, p, axis=0)   # (d, d)
    eta = jnp.dot(jnp.dot(s2v, r2v), o2v)  # scalar
    return eta

if __name__ == "__main__":
    import jax
    _d = setup_inputs()
    print(jax.jit(kernel)(*tuple(_d.values())))

</pallas_src>

<mosaic_0001>
#map = affine_map<(d0, d1) -> (0)>
#map1 = affine_map<(d0, d1) -> (0, 0)>
#map2 = affine_map<(d0, d1) -> (0, 0, 0)>
module attributes {stable_mosaic.version = 14 : i64} {
  func.func @_holo_body(%arg0: i32, %arg1: i32, %arg2: memref<16xi32, #tpu.memory_space<hbm>>, %arg3: memref<64x1000000xf32, #tpu.memory_space<hbm>>, %arg4: memref<26x64x64xf32, #tpu.memory_space<hbm>>, %arg5: memref<16xf32, #tpu.memory_space<hbm>>, %arg6: memref<16xi32, #tpu.memory_space<vmem>>, %arg7: memref<64x128xf32, #tpu.memory_space<vmem>>, %arg8: memref<64x128xf32, #tpu.memory_space<vmem>>, %arg9: memref<64x64xf32, #tpu.memory_space<vmem>>, %arg10: memref<16xf32, #tpu.memory_space<vmem>>, %arg11: memref<!tpu.dma_semaphore, #tpu.memory_space<semaphore_mem>>, %arg12: memref<!tpu.dma_semaphore, #tpu.memory_space<semaphore_mem>>, %arg13: memref<!tpu.dma_semaphore, #tpu.memory_space<semaphore_mem>>) attributes {dimension_semantics = [#tpu.dimension_semantics<core_parallel>, #tpu.dimension_semantics<subcore_parallel>], iteration_bounds = array<i64: 1, 16>, scalar_prefetch = 0 : i64, scratch_operands = 8 : i64, tpu.core_type = #tpu.core_type<sc_vector_subcore>, window_params = [{transform_indices = #map}, {transform_indices = #map1}, {transform_indices = #map2}, {transform_indices = #map}]} {
    %eq3A = arith.constant 0 : i32
    %eq3A_0 = arith.cmpi eq, %arg0, %eq3A : i32
    %eq3A_1 = arith.constant 0 : i32
    %eq3A_2 = arith.cmpi eq, %arg1, %eq3A_1 : i32
    %and3A = arith.andi %eq3A_0, %eq3A_2 : i1
    %convert_element_type3A = arith.extui %and3A : i1 to i32
    %cond3A = arith.constant 0 : i32
    %cond3A_3 = arith.cmpi ne, %convert_element_type3A, %cond3A : i32
    scf.if %cond3A_3 {
      "tpu.region"() ({
        %run_scoped3A = tpu.sem_alloc : memref<!tpu.dma_semaphore, #tpu.memory_space<semaphore_mem>>
        tpu.enqueue_dma source(%arg2 : memref<16xi32, #tpu.memory_space<hbm>>) target(%arg6 : memref<16xi32, #tpu.memory_space<vmem>>) target_semaphore(%run_scoped3A : memref<!tpu.dma_semaphore, #tpu.memory_space<semaphore_mem>>)
        tpu.wait_dma2 semaphore(%run_scoped3A : memref<!tpu.dma_semaphore, #tpu.memory_space<semaphore_mem>>) src(%arg2 : memref<16xi32, #tpu.memory_space<hbm>>) dst(%arg6 : memref<16xi32, #tpu.memory_space<vmem>>)
        tpu.yield
      }) : () -> ()
      %get3A = arith.constant 0 : index
      %get3A_4 = tpu.vector_load %arg6[%get3A] {strides = array<i32>} : memref<16xi32, #tpu.memory_space<vmem>>, vector<16xi32>,
      %slice3A = vector.extract_strided_slice %get3A_4 {offsets = [2], sizes = [1], strides = [1]} : vector<16xi32> to vector<1xi32>
      %squeeze3A = vector.extract %slice3A[0] : i32 from vector<1xi32>
      %dma_start3A = arith.constant 0 : i32
      %dma_start3A_5 = arith.constant 0 : i32
      %dma_start3A_6 = tpu.memref_slice %arg4[%squeeze3A, %dma_start3A, %dma_start3A_5] : memref<26x64x64xf32, #tpu.memory_space<hbm>> -> memref<1x64x64xf32, #tpu.memory_space<hbm>>
      %dma_start3A_7 = tpu.memref_squeeze %dma_start3A_6 : memref<1x64x64xf32, #tpu.memory_space<hbm>> -> memref<64x64xf32, #tpu.memory_space<hbm>>
      %dma_start3A_8 = arith.constant 0 : i32
      %dma_start3A_9 = arith.constant 0 : i32
      %dma_start3A_10 = tpu.memref_slice %arg4[%squeeze3A, %dma_start3A_8, %dma_start3A_9] : memref<26x64x64xf32, #tpu.memory_space<hbm>> -> memref<1x64x64xf32, #tpu.memory_space<hbm>>
      %dma_start3A_11 = tpu.memref_squeeze %dma_start3A_10 : memref<1x64x64xf32, #tpu.memory_space<hbm>> -> memref<64x64xf32, #tpu.memory_space<hbm>>
      tpu.enqueue_dma source(%dma_start3A_11 : memref<64x64xf32, #tpu.memory_space<hbm>>) target(%arg9 : memref<64x64xf32, #tpu.memory_space<vmem>>) target_semaphore(%arg13 : memref<!tpu.dma_semaphore, #tpu.memory_space<semaphore_mem>>)
      %slice3A_12 = vector.extract_strided_slice %get3A_4 {offsets = [0], sizes = [1], strides = [1]} : vector<16xi32> to vector<1xi32>
      %squeeze3A_13 = vector.extract %slice3A_12[0] : i32 from vector<1xi32>
      %shift_right_arithmetic3A = arith.constant 7 : i32
      %shift_right_arithmetic3A_14 = arith.shrsi %squeeze3A_13, %shift_right_arithmetic3A : i32
      %mul3A = arith.constant 128 : i32
      %mul3A_15 = arith.muli %shift_right_arithmetic3A_14, %mul3A : i32
      %multiple_of3A = tpu.assume_multiple %mul3A_15, 128 : i32
      %slice3A_16 = vector.extract_strided_slice %get3A_4 {offsets = [1], sizes = [1], strides = [1]} : vector<16xi32> to vector<1xi32>
      %squeeze3A_17 = vector.extract %slice3A_16[0] : i32 from vector<1xi32>
      %shift_right_arithmetic3A_18 = arith.constant 7 : i32
      %shift_right_arithmetic3A_19 = arith.shrsi %squeeze3A_17, %shift_right_arithmetic3A_18 : i32
      %mul3A_20 = arith.constant 128 : i32
      %mul3A_21 = arith.muli %shift_right_arithmetic3A_19, %mul3A_20 : i32
      %multiple_of3A_22 = tpu.assume_multiple %mul3A_21, 128 : i32
      %dma_start3A_23 = arith.constant 0 : i32
      %dma_start3A_24 = tpu.memref_slice %arg3[%dma_start3A_23, %multiple_of3A] : memref<64x1000000xf32, #tpu.memory_space<hbm>> -> memref<64x128xf32, #tpu.memory_space<hbm>>
      %dma_start3A_25 = arith.constant 0 : i32
      %dma_start3A_26 = tpu.memref_slice %arg3[%dma_start3A_25, %multiple_of3A] : memref<64x1000000xf32, #tpu.memory_space<hbm>> -> memref<64x128xf32, #tpu.memory_space<hbm>>
      tpu.enqueue_dma source(%dma_start3A_26 : memref<64x128xf32, #tpu.memory_space<hbm>>) target(%arg7 : memref<64x128xf32, #tpu.memory_space<vmem>>) target_semaphore(%arg11 : memref<!tpu.dma_semaphore, #tpu.memory_space<semaphore_mem>>)
      %dma_start3A_27 = arith.constant 0 : i32
      %dma_start3A_28 = tpu.memref_slice %arg3[%dma_start3A_27, %multiple_of3A_22] : memref<64x1000000xf32, #tpu.memory_space<hbm>> -> memref<64x128xf32, #tpu.memory_space<hbm>>
      %dma_start3A_29 = arith.constant 0 : i32
      %dma_start3A_30 = tpu.memref_slice %arg3[%dma_start3A_29, %multiple_of3A_22] : memref<64x1000000xf32, #tpu.memory_space<hbm>> -> memref<64x128xf32, #tpu.memory_space<hbm>>
      tpu.enqueue_dma source(%dma_start3A_30 : memref<64x128xf32, #tpu.memory_space<hbm>>) target(%arg8 : memref<64x128xf32, #tpu.memory_space<vmem>>) target_semaphore(%arg12 : memref<!tpu.dma_semaphore, #tpu.memory_space<semaphore_mem>>)
      %dma_wait3A = arith.constant 0 : i32
      %dma_wait3A_31 = tpu.memref_slice %arg3[%dma_wait3A, %multiple_of3A] : memref<64x1000000xf32, #tpu.memory_space<hbm>> -> memref<64x128xf32, #tpu.memory_space<hbm>>
      %dma_wait3A_32 = arith.constant 0 : i32
      %dma_wait3A_33 = tpu.memref_slice %arg3[%dma_wait3A_32, %multiple_of3A] : memref<64x1000000xf32, #tpu.memory_space<hbm>> -> memref<64x128xf32, #tpu.memory_space<hbm>>
      tpu.wait_dma2 semaphore(%arg11 : memref<!tpu.dma_semaphore, #tpu.memory_space<semaphore_mem>>) src(%dma_wait3A_33 : memref<64x128xf32, #tpu.memory_space<hbm>>) dst(%arg7 : memref<64x128xf32, #tpu.memory_space<vmem>>)
      %dma_wait3A_34 = arith.constant 0 : i32
      %dma_wait3A_35 = tpu.memref_slice %arg3[%dma_wait3A_34, %multiple_of3A_22] : memref<64x1000000xf32, #tpu.memory_space<hbm>> -> memref<64x128xf32, #tpu.memory_space<hbm>>
      %dma_wait3A_36 = arith.constant 0 : i32
      %dma_wait3A_37 = tpu.memref_slice %arg3[%dma_wait3A_36, %multiple_of3A_22] : memref<64x1000000xf32, #tpu.memory_space<hbm>> -> memref<64x128xf32, #tpu.memory_space<hbm>>
      tpu.wait_dma2 semaphore(%arg12 : memref<!tpu.dma_semaphore, #tpu.memory_space<semaphore_mem>>) src(%dma_wait3A_37 : memref<64x128xf32, #tpu.memory_space<hbm>>) dst(%arg8 : memref<64x128xf32, #tpu.memory_space<vmem>>)
      %iota3A = tpu.iota {dimensions = array<i32: 0>} : vector<16xi32>
      %slice3A_38 = vector.extract_strided_slice %get3A_4 {offsets = [0], sizes = [1], strides = [1]} : vector<16xi32> to vector<1xi32>
      %squeeze3A_39 = vector.extract %slice3A_38[0] : i32 from vector<1xi32>
      %and3A_40 = arith.constant 127 : i32
      %and3A_41 = arith.andi %squeeze3A_39, %and3A_40 : i32
      %broadcast_in_dim3A = vector.broadcast %and3A_41 : i32 to vector<16xi32>
      %slice3A_42 = vector.extract_strided_slice %get3A_4 {offsets = [1], sizes = [1], strides = [1]} : vector<16xi32> to vector<1xi32>
      %squeeze3A_43 = vector.extract %slice3A_42[0] : i32 from vector<1xi32>
      %and3A_44 = arith.constant 127 : i32
      %and3A_45 = arith.andi %squeeze3A_43, %and3A_44 : i32
      %broadcast_in_dim3A_46 = vector.broadcast %and3A_45 : i32 to vector<16xi32>
      %add3A = arith.constant 0 : i32
      %add3A_47 = vector.broadcast %add3A : i32 to vector<16xi32>
      %add3A_48 = arith.addi %iota3A, %add3A_47 : vector<16xi32>
      %gather3A = tpu.vector_load_idx %arg7[%add3A_48, %broadcast_in_dim3A] : memref<64x128xf32, #tpu.memory_space<vmem>>[vector<16xi32>, vector<16xi32>], vector<16xf32>,
      %add3A_49 = arith.constant 16 : i32
      %add3A_50 = vector.broadcast %add3A_49 : i32 to vector<16xi32>
      %add3A_51 = arith.addi %iota3A, %add3A_50 : vector<16xi32>
      %gather3A_52 = tpu.vector_load_idx %arg7[%add3A_51, %broadcast_in_dim3A] : memref<64x128xf32, #tpu.memory_space<vmem>>[vector<16xi32>, vector<16xi32>], vector<16xf32>,
      %add3A_53 = arith.constant 32 : i32
      %add3A_54 = vector.broadcast %add3A_53 : i32 to vector<16xi32>
      %add3A_55 = arith.addi %iota3A, %add3A_54 : vector<16xi32>
      %gather3A_56 = tpu.vector_load_idx %arg7[%add3A_55, %broadcast_in_dim3A] : memref<64x128xf32, #tpu.memory_space<vmem>>[vector<16xi32>, vector<16xi32>], vector<16xf32>,
      %add3A_57 = arith.constant 48 : i32
      %add3A_58 = vector.broadcast %add3A_57 : i32 to vector<16xi32>
      %add3A_59 = arith.addi %iota3A, %add3A_58 : vector<16xi32>
      %gather3A_60 = tpu.vector_load_idx %arg7[%add3A_59, %broadcast_in_dim3A] : memref<64x128xf32, #tpu.memory_space<vmem>>[vector<16xi32>, vector<16xi32>], vector<16xf32>,
      %add3A_61 = arith.constant 0 : i32
      %add3A_62 = vector.broadcast %add3A_61 : i32 to vector<16xi32>
      %add3A_63 = arith.addi %iota3A, %add3A_62 : vector<16xi32>
      %gather3A_64 = tpu.vector_load_idx %arg8[%add3A_63, %broadcast_in_dim3A_46] : memref<64x128xf32, #tpu.memory_space<vmem>>[vector<16xi32>, vector<16xi32>], vector<16xf32>,
      %add3A_65 = arith.constant 16 : i32
      %add3A_66 = vector.broadcast %add3A_65 : i32 to vector<16xi32>
      %add3A_67 = arith.addi %iota3A, %add3A_66 : vector<16xi32>
      %gather3A_68 = tpu.vector_load_idx %arg8[%add3A_67, %broadcast_in_dim3A_46] : memref<64x128xf32, #tpu.memory_space<vmem>>[vector<16xi32>, vector<16xi32>], vector<16xf32>,
      %add3A_69 = arith.constant 32 : i32
      %add3A_70 = vector.broadcast %add3A_69 : i32 to vector<16xi32>
      %add3A_71 = arith.addi %iota3A, %add3A_70 : vector<16xi32>
      %gather3A_72 = tpu.vector_load_idx %arg8[%add3A_71, %broadcast_in_dim3A_46] : memref<64x128xf32, #tpu.memory_space<vmem>>[vector<16xi32>, vector<16xi32>], vector<16xf32>,
      %add3A_73 = arith.constant 48 : i32
      %add3A_74 = vector.broadcast %add3A_73 : i32 to vector<16xi32>
      %add3A_75 = arith.addi %iota3A, %add3A_74 : vector<16xi32>
      %gather3A_76 = tpu.vector_load_idx %arg8[%add3A_75, %broadcast_in_dim3A_46] : memref<64x128xf32, #tpu.memory_space<vmem>>[vector<16xi32>, vector<16xi32>], vector<16xf32>,
      %dma_wait3A_77 = arith.constant 0 : i32
      %dma_wait3A_78 = arith.constant 0 : i32
      %dma_wait3A_79 = tpu.memref_slice %arg4[%squeeze3A, %dma_wait3A_77, %dma_wait3A_78] : memref<26x64x64xf32, #tpu.memory_space<hbm>> -> memref<1x64x64xf32, #tpu.memory_space<hbm>>
      %dma_wait3A_80 = tpu.memref_squeeze %dma_wait3A_79 : memref<1x64x64xf32, #tpu.memory_space<hbm>> -> memref<64x64xf32, #tpu.memory_space<hbm>>
      %dma_wait3A_81 = arith.constant 0 : i32
      %dma_wait3A_82 = arith.constant 0 : i32
      %dma_wait3A_83 = tpu.memref_slice %arg4[%squeeze3A, %dma_wait3A_81, %dma_wait3A_82] : memref<26x64x64xf32, #tpu.memory_space<hbm>> -> memref<1x64x64xf32, #tpu.memory_space<hbm>>
      %dma_wait3A_84 = tpu.memref_squeeze %dma_wait3A_83 : memref<1x64x64xf32, #tpu.memory_space<hbm>> -> memref<64x64xf32, #tpu.memory_space<hbm>>
      tpu.wait_dma2 semaphore(%arg13 : memref<!tpu.dma_semaphore, #tpu.memory_space<semaphore_mem>>) src(%dma_wait3A_84 : memref<64x64xf32, #tpu.memory_space<hbm>>) dst(%arg9 : memref<64x64xf32, #tpu.memory_space<vmem>>)
      %broadcast_in_dim3A_85 = arith.constant 0.000000e+00 : f32
      %broadcast_in_dim3A_86 = vector.broadcast %broadcast_in_dim3A_85 : f32 to vector<16xf32>
      %broadcast_in_dim3A_87 = arith.constant 0.000000e+00 : f32
      %broadcast_in_dim3A_88 = vector.broadcast %broadcast_in_dim3A_87 : f32 to vector<16xf32>
      %slice3A_89 = vector.extract_strided_slice %gather3A {offsets = [0], sizes = [1], strides = [1]} : vector<16xf32> to vector<1xf32>
      %squeeze3A_90 = vector.extract %slice3A_89[0] : f32 from vector<1xf32>
      %get3A_91 = arith.constant 0 : i32
      %get3A_92 = arith.index_cast %get3A_91 : i32 to index
      %get3A_93 = arith.constant 0 : index
      %get3A_94 = tpu.vector_load %arg9[%get3A_92, %get3A_93] {strides = array<i32>} : memref<64x64xf32, #tpu.memory_space<vmem>>, vector<16xf32>,
      %mul3A_95 = vector.broadcast %squeeze3A_90 : f32 to vector<16xf32>
      %mul3A_96 = arith.mulf %mul3A_95, %get3A_94 : vector<16xf32>
      %add3A_97 = arith.addf %broadcast_in_dim3A_88, %mul3A_96 : vector<16xf32>
      %slice3A_98 = vector.extract_strided_slice %gather3A {offsets = [1], sizes = [1], strides = [1]} : vector<16xf32> to vector<1xf32>
      %squeeze3A_99 = vector.extract %slice3A_98[0] : f32 from vector<1xf32>
      %get3A_100 = arith.constant 1 : i32
      %get3A_101 = arith.index_cast %get3A_100 : i32 to index
      %get3A_102 = arith.constant 0 : index
      %get3A_103 = tpu.vector_load %arg9[%get3A_101, %get3A_102] {strides = array<i32>} : memref<64x64xf32, #tpu.memory_space<vmem>>, vector<16xf32>,
      %mul3A_104 = vector.broadcast %squeeze3A_99 : f32 to vector<16xf32>
      %mul3A_105 = arith.mulf %mul3A_104, %get3A_103 : vector<16xf32>
      %add3A_106 = arith.addf %add3A_97, %mul3A_105 : vector<16xf32>
      %slice3A_107 = vector.extract_strided_slice %gather3A {offsets = [2], sizes = [1], strides = [1]} : vector<16xf32> to vector<1xf32>
      %squeeze3A_108 = vector.extract %slice3A_107[0] : f32 from vector<1xf32>
      %get3A_109 = arith.constant 2 : i32
      %get3A_110 = arith.index_cast %get3A_109 : i32 to index
      %get3A_111 = arith.constant 0 : index
      %get3A_112 = tpu.vector_load %arg9[%get3A_110, %get3A_111] {strides = array<i32>} : memref<64x64xf32, #tpu.memory_space<vmem>>, vector<16xf32>,
      %mul3A_113 = vector.broadcast %squeeze3A_108 : f32 to vector<16xf32>
      %mul3A_114 = arith.mulf %mul3A_113, %get3A_112 : vector<16xf32>
      %add3A_115 = arith.addf %add3A_106, %mul3A_114 : vector<16xf32>
      %slice3A_116 = vector.extract_strided_slice %gather3A {offsets = [3], sizes = [1], strides = [1]} : vector<16xf32> to vector<1xf32>
      %squeeze3A_117 = vector.extract %slice3A_116[0] : f32 from vector<1xf32>
      %get3A_118 = arith.constant 3 : i32
      %get3A_119 = arith.index_cast %get3A_118 : i32 to index
      %get3A_120 = arith.constant 0 : index
      %get3A_121 = tpu.vector_load %arg9[%get3A_119, %get3A_120] {strides = array<i32>} : memref<64x64xf32, #tpu.memory_space<vmem>>, vector<16xf32>,
      %mul3A_122 = vector.broadcast %squeeze3A_117 : f32 to vector<16xf32>
      %mul3A_123 = arith.mulf %mul3A_122, %get3A_121 : vector<16xf32>
      %add3A_124 = arith.addf %add3A_115, %mul3A_123 : vector<16xf32>
      %slice3A_125 = vector.extract_strided_slice %gather3A {offsets = [4], sizes = [1], strides = [1]} : vector<16xf32> to vector<1xf32>
      %squeeze3A_126 = vector.extract %slice3A_125[0] : f32 from vector<1xf32>
      %get3A_127 = arith.constant 4 : i32
      %get3A_128 = arith.index_cast %get3A_127 : i32 to index
      %get3A_129 = arith.constant 0 : index
      %get3A_130 = tpu.vector_load %arg9[%get3A_128, %get3A_129] {strides = array<i32>} : memref<64x64xf32, #tpu.memory_space<vmem>>, vector<16xf32>,
      %mul3A_131 = vector.broadcast %squeeze3A_126 : f32 to vector<16xf32>
      %mul3A_132 = arith.mulf %mul3A_131, %get3A_130 : vector<16xf32>
      %add3A_133 = arith.addf %add3A_124, %mul3A_132 : vector<16xf32>
      %slice3A_134 = vector.extract_strided_slice %gather3A {offsets = [5], sizes = [1], strides = [1]} : vector<16xf32> to vector<1xf32>
      %squeeze3A_135 = vector.extract %slice3A_134[0] : f32 from vector<1xf32>
      %get3A_136 = arith.constant 5 : i32
      %get3A_137 = arith.index_cast %get3A_136 : i32 to index
      %get3A_138 = arith.constant 0 : index
      %get3A_139 = tpu.vector_load %arg9[%get3A_137, %get3A_138] {strides = array<i32>} : memref<64x64xf32, #tpu.memory_space<vmem>>, vector<16xf32>,
      %mul3A_140 = vector.broadcast %squeeze3A_135 : f32 to vector<16xf32>
      %mul3A_141 = arith.mulf %mul3A_140, %get3A_139 : vector<16xf32>
      %add3A_142 = arith.addf %add3A_133, %mul3A_141 : vector<16xf32>
      %slice3A_143 = vector.extract_strided_slice %gather3A {offsets = [6], sizes = [1], strides = [1]} : vector<16xf32> to vector<1xf32>
      %squeeze3A_144 = vector.extract %slice3A_143[0] : f32 from vector<1xf32>
      %get3A_145 = arith.constant 6 : i32
      %get3A_146 = arith.index_cast %get3A_145 : i32 to index
      %get3A_147 = arith.constant 0 : index
      %get3A_148 = tpu.vector_load %arg9[%get3A_146, %get3A_147] {strides = array<i32>} : memref<64x64xf32, #tpu.memory_space<vmem>>, vector<16xf32>,
      %mul3A_149 = vector.broadcast %squeeze3A_144 : f32 to vector<16xf32>
      %mul3A_150 = arith.mulf %mul3A_149, %get3A_148 : vector<16xf32>
      %add3A_151 = arith.addf %add3A_142, %mul3A_150 : vector<16xf32>
      %slice3A_152 = vector.extract_strided_slice %gather3A {offsets = [7], sizes = [1], strides = [1]} : vector<16xf32> to vector<1xf32>
      %squeeze3A_153 = vector.extract %slice3A_152[0] : f32 from vector<1xf32>
      %get3A_154 = arith.constant 7 : i32
      %get3A_155 = arith.index_cast %get3A_154 : i32 to index
      %get3A_156 = arith.constant 0 : index
      %get3A_157 = tpu.vector_load %arg9[%get3A_155, %get3A_156] {strides = array<i32>} : memref<64x64xf32, #tpu.memory_space<vmem>>, vector<16xf32>,
      %mul3A_158 = vector.broadcast %squeeze3A_153 : f32 to vector<16xf32>
      %mul3A_159 = arith.mulf %mul3A_158, %get3A_157 : vector<16xf32>
      %add3A_160 = arith.addf %add3A_151, %mul3A_159 : vector<16xf32>
      %slice3A_161 = vector.extract_strided_slice %gather3A {offsets = [8], sizes = [1], strides = [1]} : vector<16xf32> to vector<1xf32>
      %squeeze3A_162 = vector.extract %slice3A_161[0] : f32 from vector<1xf32>
      %get3A_163 = arith.constant 8 : i32
      %get3A_164 = arith.index_cast %get3A_163 : i32 to index
      %get3A_165 = arith.constant 0 : index
      %get3A_166 = tpu.vector_load %arg9[%get3A_164, %get3A_165] {strides = array<i32>} : memref<64x64xf32, #tpu.memory_space<vmem>>, vector<16xf32>,
      %mul3A_167 = vector.broadcast %squeeze3A_162 : f32 to vector<16xf32>
      %mul3A_168 = arith.mulf %mul3A_167, %get3A_166 : vector<16xf32>
      %add3A_169 = arith.addf %add3A_160, %mul3A_168 : vector<16xf32>
      %slice3A_170 = vector.extract_strided_slice %gather3A {offsets = [9], sizes = [1], strides = [1]} : vector<16xf32> to vector<1xf32>
      %squeeze3A_171 = vector.extract %slice3A_170[0] : f32 from vector<1xf32>
      %get3A_172 = arith.constant 9 : i32
      %get3A_173 = arith.index_cast %get3A_172 : i32 to index
      %get3A_174 = arith.constant 0 : index
      %get3A_175 = tpu.vector_load %arg9[%get3A_173, %get3A_174] {strides = array<i32>} : memref<64x64xf32, #tpu.memory_space<vmem>>, vector<16xf32>,
      %mul3A_176 = vector.broadcast %squeeze3A_171 : f32 to vector<16xf32>
      %mul3A_177 = arith.mulf %mul3A_176, %get3A_175 : vector<16xf32>
      %add3A_178 = arith.addf %add3A_169, %mul3A_177 : vector<16xf32>
      %slice3A_179 = vector.extract_strided_slice %gather3A {offsets = [10], sizes = [1], strides = [1]} : vector<16xf32> to vector<1xf32>
      %squeeze3A_180 = vector.extract %slice3A_179[0] : f32 from vector<1xf32>
      %get3A_181 = arith.constant 10 : i32
      %get3A_182 = arith.index_cast %get3A_181 : i32 to index
      %get3A_183 = arith.constant 0 : index
      %get3A_184 = tpu.vector_load %arg9[%get3A_182, %get3A_183] {strides = array<i32>} : memref<64x64xf32, #tpu.memory_space<vmem>>, vector<16xf32>,
      %mul3A_185 = vector.broadcast %squeeze3A_180 : f32 to vector<16xf32>
      %mul3A_186 = arith.mulf %mul3A_185, %get3A_184 : vector<16xf32>
      %add3A_187 = arith.addf %add3A_178, %mul3A_186 : vector<16xf32>
      %slice3A_188 = vector.extract_strided_slice %gather3A {offsets = [11], sizes = [1], strides = [1]} : vector<16xf32> to vector<1xf32>
      %squeeze3A_189 = vector.extract %slice3A_188[0] : f32 from vector<1xf32>
      %get3A_190 = arith.constant 11 : i32
      %get3A_191 = arith.index_cast %get3A_190 : i32 to index
      %get3A_192 = arith.constant 0 : index
      %get3A_193 = tpu.vector_load %arg9[%get3A_191, %get3A_192] {strides = array<i32>} : memref<64x64xf32, #tpu.memory_space<vmem>>, vector<16xf32>,
      %mul3A_194 = vector.broadcast %squeeze3A_189 : f32 to vector<16xf32>
      %mul3A_195 = arith.mulf %mul3A_194, %get3A_193 : vector<16xf32>
      %add3A_196 = arith.addf %add3A_187, %mul3A_195 : vector<16xf32>
      %slice3A_197 = vector.extract_strided_slice %gather3A {offsets = [12], sizes = [1], strides = [1]} : vector<16xf32> to vector<1xf32>
      %squeeze3A_198 = vector.extract %slice3A_197[0] : f32 from vector<1xf32>
      %get3A_199 = arith.constant 12 : i32
      %get3A_200 = arith.index_cast %get3A_199 : i32 to index
      %get3A_201 = arith.constant 0 : index
      %get3A_202 = tpu.vector_load %arg9[%get3A_200, %get3A_201] {strides = array<i32>} : memref<64x64xf32, #tpu.memory_space<vmem>>, vector<16xf32>,
      %mul3A_203 = vector.broadcast %squeeze3A_198 : f32 to vector<16xf32>
      %mul3A_204 = arith.mulf %mul3A_203, %get3A_202 : vector<16xf32>
      %add3A_205 = arith.addf %add3A_196, %mul3A_204 : vector<16xf32>
      %slice3A_206 = vector.extract_strided_slice %gather3A {offsets = [13], sizes = [1], strides = [1]} : vector<16xf32> to vector<1xf32>
      %squeeze3A_207 = vector.extract %slice3A_206[0] : f32 from vector<1xf32>
      %get3A_208 = arith.constant 13 : i32
      %get3A_209 = arith.index_cast %get3A_208 : i32 to index
      %get3A_210 = arith.constant 0 : index
      %get3A_211 = tpu.vector_load %arg9[%get3A_209, %get3A_210] {strides = array<i32>} : memref<64x64xf32, #tpu.memory_space<vmem>>, vector<16xf32>,
      %mul3A_212 = vector.broadcast %squeeze3A_207 : f32 to vector<16xf32>
      %mul3A_213 = arith.mulf %mul3A_212, %get3A_211 : vector<16xf32>
      %add3A_214 = arith.addf %add3A_205, %mul3A_213 : vector<16xf32>
      %slice3A_215 = vector.extract_strided_slice %gather3A {offsets = [14], sizes = [1], strides = [1]} : vector<16xf32> to vector<1xf32>
      %squeeze3A_216 = vector.extract %slice3A_215[0] : f32 from vector<1xf32>
      %get3A_217 = arith.constant 14 : i32
      %get3A_218 = arith.index_cast %get3A_217 : i32 to index
      %get3A_219 = arith.constant 0 : index
      %get3A_220 = tpu.vector_load %arg9[%get3A_218, %get3A_219] {strides = array<i32>} : memref<64x64xf32, #tpu.memory_space<vmem>>, vector<16xf32>,
      %mul3A_221 = vector.broadcast %squeeze3A_216 : f32 to vector<16xf32>
      %mul3A_222 = arith.mulf %mul3A_221, %get3A_220 : vector<16xf32>
      %add3A_223 = arith.addf %add3A_214, %mul3A_222 : vector<16xf32>
      %slice3A_224 = vector.extract_strided_slice %gather3A {offsets = [15], sizes = [1], strides = [1]} : vector<16xf32> to vector<1xf32>
      %squeeze3A_225 = vector.extract %slice3A_224[0] : f32 from vector<1xf32>
      %get3A_226 = arith.constant 15 : i32
      %get3A_227 = arith.index_cast %get3A_226 : i32 to index
      %get3A_228 = arith.constant 0 : index
      %get3A_229 = tpu.vector_load %arg9[%get3A_227, %get3A_228] {strides = array<i32>} : memref<64x64xf32, #tpu.memory_space<vmem>>, vector<16xf32>,
      %mul3A_230 = vector.broadcast %squeeze3A_225 : f32 to vector<16xf32>
      %mul3A_231 = arith.mulf %mul3A_230, %get3A_229 : vector<16xf32>
      %add3A_232 = arith.addf %add3A_223, %mul3A_231 : vector<16xf32>
      %slice3A_233 = vector.extract_strided_slice %gather3A_52 {offsets = [0], sizes = [1], strides = [1]} : vector<16xf32> to vector<1xf32>
      %squeeze3A_234 = vector.extract %slice3A_233[0] : f32 from vector<1xf32>
      %get3A_235 = arith.constant 16 : i32
      %get3A_236 = arith.index_cast %get3A_235 : i32 to index
      %get3A_237 = arith.constant 0 : index
      %get3A_238 = tpu.vector_load %arg9[%get3A_236, %get3A_237] {strides = array<i32>} : memref<64x64xf32, #tpu.memory_space<vmem>>, vector<16xf32>,
      %mul3A_239 = vector.broadcast %squeeze3A_234 : f32 to vector<16xf32>
      %mul3A_240 = arith.mulf %mul3A_239, %get3A_238 : vector<16xf32>
      %add3A_241 = arith.addf %add3A_232, %mul3A_240 : vector<16xf32>
      %slice3A_242 = vector.extract_strided_slice %gather3A_52 {offsets = [1], sizes = [1], strides = [1]} : vector<16xf32> to vector<1xf32>
      %squeeze3A_243 = vector.extract %slice3A_242[0] : f32 from vector<1xf32>
      %get3A_244 = arith.constant 17 : i32
      %get3A_245 = arith.index_cast %get3A_244 : i32 to index
      %get3A_246 = arith.constant 0 : index
      %get3A_247 = tpu.vector_load %arg9[%get3A_245, %get3A_246] {strides = array<i32>} : memref<64x64xf32, #tpu.memory_space<vmem>>, vector<16xf32>,
      %mul3A_248 = vector.broadcast %squeeze3A_243 : f32 to vector<16xf32>
      %mul3A_249 = arith.mulf %mul3A_248, %get3A_247 : vector<16xf32>
      %add3A_250 = arith.addf %add3A_241, %mul3A_249 : vector<16xf32>
      %slice3A_251 = vector.extract_strided_slice %gather3A_52 {offsets = [2], sizes = [1], strides = [1]} : vector<16xf32> to vector<1xf32>
      %squeeze3A_252 = vector.extract %slice3A_251[0] : f32 from vector<1xf32>
      %get3A_253 = arith.constant 18 : i32
      %get3A_254 = arith.index_cast %get3A_253 : i32 to index
      %get3A_255 = arith.constant 0 : index
      %get3A_256 = tpu.vector_load %arg9[%get3A_254, %get3A_255] {strides = array<i32>} : memref<64x64xf32, #tpu.memory_space<vmem>>, vector<16xf32>,
      %mul3A_257 = vector.broadcast %squeeze3A_252 : f32 to vector<16xf32>
      %mul3A_258 = arith.mulf %mul3A_257, %get3A_256 : vector<16xf32>
      %add3A_259 = arith.addf %add3A_250, %mul3A_258 : vector<16xf32>
      %slice3A_260 = vector.extract_strided_slice %gather3A_52 {offsets = [3], sizes = [1], strides = [1]} : vector<16xf32> to vector<1xf32>
      %squeeze3A_261 = vector.extract %slice3A_260[0] : f32 from vector<1xf32>
      %get3A_262 = arith.constant 19 : i32
      %get3A_263 = arith.index_cast %get3A_262 : i32 to index
      %get3A_264 = arith.constant 0 : index
      %get3A_265 = tpu.vector_load %arg9[%get3A_263, %get3A_264] {strides = array<i32>} : memref<64x64xf32, #tpu.memory_space<vmem>>, vector<16xf32>,
      %mul3A_266 = vector.broadcast %squeeze3A_261 : f32 to vector<16xf32>
      %mul3A_267 = arith.mulf %mul3A_266, %get3A_265 : vector<16xf32>
      %add3A_268 = arith.addf %add3A_259, %mul3A_267 : vector<16xf32>
      %slice3A_269 = vector.extract_strided_slice %gather3A_52 {offsets = [4], sizes = [1], strides = [1]} : vector<16xf32> to vector<1xf32>
      %squeeze3A_270 = vector.extract %slice3A_269[0] : f32 from vector<1xf32>
      %get3A_271 = arith.constant 20 : i32
      %get3A_272 = arith.index_cast %get3A_271 : i32 to index
      %get3A_273 = arith.constant 0 : index
      %get3A_274 = tpu.vector_load %arg9[%get3A_272, %get3A_273] {strides = array<i32>} : memref<64x64xf32, #tpu.memory_space<vmem>>, vector<16xf32>,
      %mul3A_275 = vector.broadcast %squeeze3A_270 : f32 to vector<16xf32>
      %mul3A_276 = arith.mulf %mul3A_275, %get3A_274 : vector<16xf32>
      %add3A_277 = arith.addf %add3A_268, %mul3A_276 : vector<16xf32>
      %slice3A_278 = vector.extract_strided_slice %gather3A_52 {offsets = [5], sizes = [1], strides = [1]} : vector<16xf32> to vector<1xf32>
      %squeeze3A_279 = vector.extract %slice3A_278[0] : f32 from vector<1xf32>
      %get3A_280 = arith.constant 21 : i32
      %get3A_281 = arith.index_cast %get3A_280 : i32 to index
      %get3A_282 = arith.constant 0 : index
      %get3A_283 = tpu.vector_load %arg9[%get3A_281, %get3A_282] {strides = array<i32>} : memref<64x64xf32, #tpu.memory_space<vmem>>, vector<16xf32>,
      %mul3A_284 = vector.broadcast %squeeze3A_279 : f32 to vector<16xf32>
      %mul3A_285 = arith.mulf %mul3A_284, %get3A_283 : vector<16xf32>
      %add3A_286 = arith.addf %add3A_277, %mul3A_285 : vector<16xf32>
      %slice3A_287 = vector.extract_strided_slice %gather3A_52 {offsets = [6], sizes = [1], strides = [1]} : vector<16xf32> to vector<1xf32>
      %squeeze3A_288 = vector.extract %slice3A_287[0] : f32 from vector<1xf32>
      %get3A_289 = arith.constant 22 : i32
      %get3A_290 = arith.index_cast %get3A_289 : i32 to index
      %get3A_291 = arith.constant 0 : index
      %get3A_292 = tpu.vector_load %arg9[%get3A_290, %get3A_291] {strides = array<i32>} : memref<64x64xf32, #tpu.memory_space<vmem>>, vector<16xf32>,
      %mul3A_293 = vector.broadcast %squeeze3A_288 : f32 to vector<16xf32>
      %mul3A_294 = arith.mulf %mul3A_293, %get3A_292 : vector<16xf32>
      %add3A_295 = arith.addf %add3A_286, %mul3A_294 : vector<16xf32>
      %slice3A_296 = vector.extract_strided_slice %gather3A_52 {offsets = [7], sizes = [1], strides = [1]} : vector<16xf32> to vector<1xf32>
      %squeeze3A_297 = vector.extract %slice3A_296[0] : f32 from vector<1xf32>
      %get3A_298 = arith.constant 23 : i32
      %get3A_299 = arith.index_cast %get3A_298 : i32 to index
      %get3A_300 = arith.constant 0 : index
      %get3A_301 = tpu.vector_load %arg9[%get3A_299, %get3A_300] {strides = array<i32>} : memref<64x64xf32, #tpu.memory_space<vmem>>, vector<16xf32>,
      %mul3A_302 = vector.broadcast %squeeze3A_297 : f32 to vector<16xf32>
      %mul3A_303 = arith.mulf %mul3A_302, %get3A_301 : vector<16xf32>
      %add3A_304 = arith.addf %add3A_295, %mul3A_303 : vector<16xf32>
      %slice3A_305 = vector.extract_strided_slice %gather3A_52 {offsets = [8], sizes = [1], strides = [1]} : vector<16xf32> to vector<1xf32>
      %squeeze3A_306 = vector.extract %slice3A_305[0] : f32 from vector<1xf32>
      %get3A_307 = arith.constant 24 : i32
      %get3A_308 = arith.index_cast %get3A_307 : i32 to index
      %get3A_309 = arith.constant 0 : index
      %get3A_310 = tpu.vector_load %arg9[%get3A_308, %get3A_309] {strides = array<i32>} : memref<64x64xf32, #tpu.memory_space<vmem>>, vector<16xf32>,
      %mul3A_311 = vector.broadcast %squeeze3A_306 : f32 to vector<16xf32>
      %mul3A_312 = arith.mulf %mul3A_311, %get3A_310 : vector<16xf32>
      %add3A_313 = arith.addf %add3A_304, %mul3A_312 : vector<16xf32>
      %slice3A_314 = vector.extract_strided_slice %gather3A_52 {offsets = [9], sizes = [1], strides = [1]} : vector<16xf32> to vector<1xf32>
      %squeeze3A_315 = vector.extract %slice3A_314[0] : f32 from vector<1xf32>
      %get3A_316 = arith.constant 25 : i32
      %get3A_317 = arith.index_cast %get3A_316 : i32 to index
      %get3A_318 = arith.constant 0 : index
      %get3A_319 = tpu.vector_load %arg9[%get3A_317, %get3A_318] {strides = array<i32>} : memref<64x64xf32, #tpu.memory_space<vmem>>, vector<16xf32>,
      %mul3A_320 = vector.broadcast %squeeze3A_315 : f32 to vector<16xf32>
      %mul3A_321 = arith.mulf %mul3A_320, %get3A_319 : vector<16xf32>
      %add3A_322 = arith.addf %add3A_313, %mul3A_321 : vector<16xf32>
      %slice3A_323 = vector.extract_strided_slice %gather3A_52 {offsets = [10], sizes = [1], strides = [1]} : vector<16xf32> to vector<1xf32>
      %squeeze3A_324 = vector.extract %slice3A_323[0] : f32 from vector<1xf32>
      %get3A_325 = arith.constant 26 : i32
      %get3A_326 = arith.index_cast %get3A_325 : i32 to index
      %get3A_327 = arith.constant 0 : index
      %get3A_328 = tpu.vector_load %arg9[%get3A_326, %get3A_327] {strides = array<i32>} : memref<64x64xf32, #tpu.memory_space<vmem>>, vector<16xf32>,
      %mul3A_329 = vector.broadcast %squeeze3A_324 : f32 to vector<16xf32>
      %mul3A_330 = arith.mulf %mul3A_329, %get3A_328 : vector<16xf32>
      %add3A_331 = arith.addf %add3A_322, %mul3A_330 : vector<16xf32>
      %slice3A_332 = vector.extract_strided_slice %gather3A_52 {offsets = [11], sizes = [1], strides = [1]} : vector<16xf32> to vector<1xf32>
      %squeeze3A_333 = vector.extract %slice3A_332[0] : f32 from vector<1xf32>
      %get3A_334 = arith.constant 27 : i32
      %get3A_335 = arith.index_cast %get3A_334 : i32 to index
      %get3A_336 = arith.constant 0 : index
      %get3A_337 = tpu.vector_load %arg9[%get3A_335, %get3A_336] {strides = array<i32>} : memref<64x64xf32, #tpu.memory_space<vmem>>, vector<16xf32>,
      %mul3A_338 = vector.broadcast %squeeze3A_333 : f32 to vector<16xf32>
      %mul3A_339 = arith.mulf %mul3A_338, %get3A_337 : vector<16xf32>
      %add3A_340 = arith.addf %add3A_331, %mul3A_339 : vector<16xf32>
      %slice3A_341 = vector.extract_strided_slice %gather3A_52 {offsets = [12], sizes = [1], strides = [1]} : vector<16xf32> to vector<1xf32>
      %squeeze3A_342 = vector.extract %slice3A_341[0] : f32 from vector<1xf32>
      %get3A_343 = arith.constant 28 : i32
      %get3A_344 = arith.index_cast %get3A_343 : i32 to index
      %get3A_345 = arith.constant 0 : index
      %get3A_346 = tpu.vector_load %arg9[%get3A_344, %get3A_345] {strides = array<i32>} : memref<64x64xf32, #tpu.memory_space<vmem>>, vector<16xf32>,
      %mul3A_347 = vector.broadcast %squeeze3A_342 : f32 to vector<16xf32>
      %mul3A_348 = arith.mulf %mul3A_347, %get3A_346 : vector<16xf32>
      %add3A_349 = arith.addf %add3A_340, %mul3A_348 : vector<16xf32>
      %slice3A_350 = vector.extract_strided_slice %gather3A_52 {offsets = [13], sizes = [1], strides = [1]} : vector<16xf32> to vector<1xf32>
      %squeeze3A_351 = vector.extract %slice3A_350[0] : f32 from vector<1xf32>
      %get3A_352 = arith.constant 29 : i32
      %get3A_353 = arith.index_cast %get3A_352 : i32 to index
      %get3A_354 = arith.constant 0 : index
      %get3A_355 = tpu.vector_load %arg9[%get3A_353, %get3A_354] {strides = array<i32>} : memref<64x64xf32, #tpu.memory_space<vmem>>, vector<16xf32>,
      %mul3A_356 = vector.broadcast %squeeze3A_351 : f32 to vector<16xf32>
      %mul3A_357 = arith.mulf %mul3A_356, %get3A_355 : vector<16xf32>
      %add3A_358 = arith.addf %add3A_349, %mul3A_357 : vector<16xf32>
      %slice3A_359 = vector.extract_strided_slice %gather3A_52 {offsets = [14], sizes = [1], strides = [1]} : vector<16xf32> to vector<1xf32>
      %squeeze3A_360 = vector.extract %slice3A_359[0] : f32 from vector<1xf32>
      %get3A_361 = arith.constant 30 : i32
      %get3A_362 = arith.index_cast %get3A_361 : i32 to index
      %get3A_363 = arith.constant 0 : index
      %get3A_364 = tpu.vector_load %arg9[%get3A_362, %get3A_363] {strides = array<i32>} : memref<64x64xf32, #tpu.memory_space<vmem>>, vector<16xf32>,
      %mul3A_365 = vector.broadcast %squeeze3A_360 : f32 to vector<16xf32>
      %mul3A_366 = arith.mulf %mul3A_365, %get3A_364 : vector<16xf32>
      %add3A_367 = arith.addf %add3A_358, %mul3A_366 : vector<16xf32>
      %slice3A_368 = vector.extract_strided_slice %gather3A_52 {offsets = [15], sizes = [1], strides = [1]} : vector<16xf32> to vector<1xf32>
      %squeeze3A_369 = vector.extract %slice3A_368[0] : f32 from vector<1xf32>
      %get3A_370 = arith.constant 31 : i32
      %get3A_371 = arith.index_cast %get3A_370 : i32 to index
      %get3A_372 = arith.constant 0 : index
      %get3A_373 = tpu.vector_load %arg9[%get3A_371, %get3A_372] {strides = array<i32>} : memref<64x64xf32, #tpu.memory_space<vmem>>, vector<16xf32>,
      %mul3A_374 = vector.broadcast %squeeze3A_369 : f32 to vector<16xf32>
      %mul3A_375 = arith.mulf %mul3A_374, %get3A_373 : vector<16xf32>
      %add3A_376 = arith.addf %add3A_367, %mul3A_375 : vector<16xf32>
      %slice3A_377 = vector.extract_strided_slice %gather3A_56 {offsets = [0], sizes = [1], strides = [1]} : vector<16xf32> to vector<1xf32>
      %squeeze3A_378 = vector.extract %slice3A_377[0] : f32 from vector<1xf32>
      %get3A_379 = arith.constant 32 : i32
      %get3A_380 = arith.index_cast %get3A_379 : i32 to index
      %get3A_381 = arith.constant 0 : index
      %get3A_382 = tpu.vector_load %arg9[%get3A_380, %get3A_381] {strides = array<i32>} : memref<64x64xf32, #tpu.memory_space<vmem>>, vector<16xf32>,
      %mul3A_383 = vector.broadcast %squeeze3A_378 : f32 to vector<16xf32>
      %mul3A_384 = arith.mulf %mul3A_383, %get3A_382 : vector<16xf32>
      %add3A_385 = arith.addf %add3A_376, %mul3A_384 : vector<16xf32>
      %slice3A_386 = vector.extract_strided_slice %gather3A_56 {offsets = [1], sizes = [1], strides = [1]} : vector<16xf32> to vector<1xf32>
      %squeeze3A_387 = vector.extract %slice3A_386[0] : f32 from vector<1xf32>
      %get3A_388 = arith.constant 33 : i32
      %get3A_389 = arith.index_cast %get3A_388 : i32 to index
      %get3A_390 = arith.constant 0 : index
      %get3A_391 = tpu.vector_load %arg9[%get3A_389, %get3A_390] {strides = array<i32>} : memref<64x64xf32, #tpu.memory_space<vmem>>, vector<16xf32>,
      %mul3A_392 = vector.broadcast %squeeze3A_387 : f32 to vector<16xf32>
      %mul3A_393 = arith.mulf %mul3A_392, %get3A_391 : vector<16xf32>
      %add3A_394 = arith.addf %add3A_385, %mul3A_393 : vector<16xf32>
      %slice3A_395 = vector.extract_strided_slice %gather3A_56 {offsets = [2], sizes = [1], strides = [1]} : vector<16xf32> to vector<1xf32>
      %squeeze3A_396 = vector.extract %slice3A_395[0] : f32 from vector<1xf32>
      %get3A_397 = arith.constant 34 : i32
      %get3A_398 = arith.index_cast %get3A_397 : i32 to index
      %get3A_399 = arith.constant 0 : index
      %get3A_400 = tpu.vector_load %arg9[%get3A_398, %get3A_399] {strides = array<i32>} : memref<64x64xf32, #tpu.memory_space<vmem>>, vector<16xf32>,
      %mul3A_401 = vector.broadcast %squeeze3A_396 : f32 to vector<16xf32>
      %mul3A_402 = arith.mulf %mul3A_401, %get3A_400 : vector<16xf32>
      %add3A_403 = arith.addf %add3A_394, %mul3A_402 : vector<16xf32>
      %slice3A_404 = vector.extract_strided_slice %gather3A_56 {offsets = [3], sizes = [1], strides = [1]} : vector<16xf32> to vector<1xf32>
      %squeeze3A_405 = vector.extract %slice3A_404[0] : f32 from vector<1xf32>
      %get3A_406 = arith.constant 35 : i32
      %get3A_407 = arith.index_cast %get3A_406 : i32 to index
      %get3A_408 = arith.constant 0 : index
      %get3A_409 = tpu.vector_load %arg9[%get3A_407, %get3A_408] {strides = array<i32>} : memref<64x64xf32, #tpu.memory_space<vmem>>, vector<16xf32>,
      %mul3A_410 = vector.broadcast %squeeze3A_405 : f32 to vector<16xf32>
      %mul3A_411 = arith.mulf %mul3A_410, %get3A_409 : vector<16xf32>
      %add3A_412 = arith.addf %add3A_403, %mul3A_411 : vector<16xf32>
      %slice3A_413 = vector.extract_strided_slice %gather3A_56 {offsets = [4], sizes = [1], strides = [1]} : vector<16xf32> to vector<1xf32>
      %squeeze3A_414 = vector.extract %slice3A_413[0] : f32 from vector<1xf32>
      %get3A_415 = arith.constant 36 : i32
      %get3A_416 = arith.index_cast %get3A_415 : i32 to index
      %get3A_417 = arith.constant 0 : index
      %get3A_418 = tpu.vector_load %arg9[%get3A_416, %get3A_417] {strides = array<i32>} : memref<64x64xf32, #tpu.memory_space<vmem>>, vector<16xf32>,
      %mul3A_419 = vector.broadcast %squeeze3A_414 : f32 to vector<16xf32>
      %mul3A_420 = arith.mulf %mul3A_419, %get3A_418 : vector<16xf32>
      %add3A_421 = arith.addf %add3A_412, %mul3A_420 : vector<16xf32>
      %slice3A_422 = vector.extract_strided_slice %gather3A_56 {offsets = [5], sizes = [1], strides = [1]} : vector<16xf32> to vector<1xf32>
      %squeeze3A_423 = vector.extract %slice3A_422[0] : f32 from vector<1xf32>
      %get3A_424 = arith.constant 37 : i32
      %get3A_425 = arith.index_cast %get3A_424 : i32 to index
      %get3A_426 = arith.constant 0 : index
      %get3A_427 = tpu.vector_load %arg9[%get3A_425, %get3A_426] {strides = array<i32>} : memref<64x64xf32, #tpu.memory_space<vmem>>, vector<16xf32>,
      %mul3A_428 = vector.broadcast %squeeze3A_423 : f32 to vector<16xf32>
      %mul3A_429 = arith.mulf %mul3A_428, %get3A_427 : vector<16xf32>
      %add3A_430 = arith.addf %add3A_421, %mul3A_429 : vector<16xf32>
      %slice3A_431 = vector.extract_strided_slice %gather3A_56 {offsets = [6], sizes = [1], strides = [1]} : vector<16xf32> to vector<1xf32>
      %squeeze3A_432 = vector.extract %slice3A_431[0] : f32 from vector<1xf32>
      %get3A_433 = arith.constant 38 : i32
      %get3A_434 = arith.index_cast %get3A_433 : i32 to index
      %get3A_435 = arith.constant 0 : index
      %get3A_436 = tpu.vector_load %arg9[%get3A_434, %get3A_435] {strides = array<i32>} : memref<64x64xf32, #tpu.memory_space<vmem>>, vector<16xf32>,
      %mul3A_437 = vector.broadcast %squeeze3A_432 : f32 to vector<16xf32>
      %mul3A_438 = arith.mulf %mul3A_437, %get3A_436 : vector<16xf32>
      %add3A_439 = arith.addf %add3A_430, %mul3A_438 : vector<16xf32>
      %slice3A_440 = vector.extract_strided_slice %gather3A_56 {offsets = [7], sizes = [1], strides = [1]} : vector<16xf32> to vector<1xf32>
      %squeeze3A_441 = vector.extract %slice3A_440[0] : f32 from vector<1xf32>
      %get3A_442 = arith.constant 39 : i32
      %get3A_443 = arith.index_cast %get3A_442 : i32 to index
      %get3A_444 = arith.constant 0 : index
      %get3A_445 = tpu.vector_load %arg9[%get3A_443, %get3A_444] {strides = array<i32>} : memref<64x64xf32, #tpu.memory_space<vmem>>, vector<16xf32>,
      %mul3A_446 = vector.broadcast %squeeze3A_441 : f32 to vector<16xf32>
      %mul3A_447 = arith.mulf %mul3A_446, %get3A_445 : vector<16xf32>
      %add3A_448 = arith.addf %add3A_439, %mul3A_447 : vector<16xf32>
      %slice3A_449 = vector.extract_strided_slice %gather3A_56 {offsets = [8], sizes = [1], strides = [1]} : vector<16xf32> to vector<1xf32>
      %squeeze3A_450 = vector.extract %slice3A_449[0] : f32 from vector<1xf32>
      %get3A_451 = arith.constant 40 : i32
      %get3A_452 = arith.index_cast %get3A_451 : i32 to index
      %get3A_453 = arith.constant 0 : index
      %get3A_454 = tpu.vector_load %arg9[%get3A_452, %get3A_453] {strides = array<i32>} : memref<64x64xf32, #tpu.memory_space<vmem>>, vector<16xf32>,
      %mul3A_455 = vector.broadcast %squeeze3A_450 : f32 to vector<16xf32>
      %mul3A_456 = arith.mulf %mul3A_455, %get3A_454 : vector<16xf32>
      %add3A_457 = arith.addf %add3A_448, %mul3A_456 : vector<16xf32>
      %slice3A_458 = vector.extract_strided_slice %gather3A_56 {offsets = [9], sizes = [1], strides = [1]} : vector<16xf32> to vector<1xf32>
      %squeeze3A_459 = vector.extract %slice3A_458[0] : f32 from vector<1xf32>
      %get3A_460 = arith.constant 41 : i32
      %get3A_461 = arith.index_cast %get3A_460 : i32 to index
      %get3A_462 = arith.constant 0 : index
      %get3A_463 = tpu.vector_load %arg9[%get3A_461, %get3A_462] {strides = array<i32>} : memref<64x64xf32, #tpu.memory_space<vmem>>, vector<16xf32>,
      %mul3A_464 = vector.broadcast %squeeze3A_459 : f32 to vector<16xf32>
      %mul3A_465 = arith.mulf %mul3A_464, %get3A_463 : vector<16xf32>
      %add3A_466 = arith.addf %add3A_457, %mul3A_465 : vector<16xf32>
      %slice3A_467 = vector.extract_strided_slice %gather3A_56 {offsets = [10], sizes = [1], strides = [1]} : vector<16xf32> to vector<1xf32>
      %squeeze3A_468 = vector.extract %slice3A_467[0] : f32 from vector<1xf32>
      %get3A_469 = arith.constant 42 : i32
      %get3A_470 = arith.index_cast %get3A_469 : i32 to index
      %get3A_471 = arith.constant 0 : index
      %get3A_472 = tpu.vector_load %arg9[%get3A_470, %get3A_471] {strides = array<i32>} : memref<64x64xf32, #tpu.memory_space<vmem>>, vector<16xf32>,
      %mul3A_473 = vector.broadcast %squeeze3A_468 : f32 to vector<16xf32>
      %mul3A_474 = arith.mulf %mul3A_473, %get3A_472 : vector<16xf32>
      %add3A_475 = arith.addf %add3A_466, %mul3A_474 : vector<16xf32>
      %slice3A_476 = vector.extract_strided_slice %gather3A_56 {offsets = [11], sizes = [1], strides = [1]} : vector<16xf32> to vector<1xf32>
      %squeeze3A_477 = vector.extract %slice3A_476[0] : f32 from vector<1xf32>
      %get3A_478 = arith.constant 43 : i32
      %get3A_479 = arith.index_cast %get3A_478 : i32 to index
      %get3A_480 = arith.constant 0 : index
      %get3A_481 = tpu.vector_load %arg9[%get3A_479, %get3A_480] {strides = array<i32>} : memref<64x64xf32, #tpu.memory_space<vmem>>, vector<16xf32>,
      %mul3A_482 = vector.broadcast %squeeze3A_477 : f32 to vector<16xf32>
      %mul3A_483 = arith.mulf %mul3A_482, %get3A_481 : vector<16xf32>
      %add3A_484 = arith.addf %add3A_475, %mul3A_483 : vector<16xf32>
      %slice3A_485 = vector.extract_strided_slice %gather3A_56 {offsets = [12], sizes = [1], strides = [1]} : vector<16xf32> to vector<1xf32>
      %squeeze3A_486 = vector.extract %slice3A_485[0] : f32 from vector<1xf32>
      %get3A_487 = arith.constant 44 : i32
      %get3A_488 = arith.index_cast %get3A_487 : i32 to index
      %get3A_489 = arith.constant 0 : index
      %get3A_490 = tpu.vector_load %arg9[%get3A_488, %get3A_489] {strides = array<i32>} : memref<64x64xf32, #tpu.memory_space<vmem>>, vector<16xf32>,
      %mul3A_491 = vector.broadcast %squeeze3A_486 : f32 to vector<16xf32>
      %mul3A_492 = arith.mulf %mul3A_491, %get3A_490 : vector<16xf32>
      %add3A_493 = arith.addf %add3A_484, %mul3A_492 : vector<16xf32>
      %slice3A_494 = vector.extract_strided_slice %gather3A_56 {offsets = [13], sizes = [1], strides = [1]} : vector<16xf32> to vector<1xf32>
      %squeeze3A_495 = vector.extract %slice3A_494[0] : f32 from vector<1xf32>
      %get3A_496 = arith.constant 45 : i32
      %get3A_497 = arith.index_cast %get3A_496 : i32 to index
      %get3A_498 = arith.constant 0 : index
      %get3A_499 = tpu.vector_load %arg9[%get3A_497, %get3A_498] {strides = array<i32>} : memref<64x64xf32, #tpu.memory_space<vmem>>, vector<16xf32>,
      %mul3A_500 = vector.broadcast %squeeze3A_495 : f32 to vector<16xf32>
      %mul3A_501 = arith.mulf %mul3A_500, %get3A_499 : vector<16xf32>
      %add3A_502 = arith.addf %add3A_493, %mul3A_501 : vector<16xf32>
      %slice3A_503 = vector.extract_strided_slice %gather3A_56 {offsets = [14], sizes = [1], strides = [1]} : vector<16xf32> to vector<1xf32>
      %squeeze3A_504 = vector.extract %slice3A_503[0] : f32 from vector<1xf32>
      %get3A_505 = arith.constant 46 : i32
      %get3A_506 = arith.index_cast %get3A_505 : i32 to index
      %get3A_507 = arith.constant 0 : index
      %get3A_508 = tpu.vector_load %arg9[%get3A_506, %get3A_507] {strides = array<i32>} : memref<64x64xf32, #tpu.memory_space<vmem>>, vector<16xf32>,
      %mul3A_509 = vector.broadcast %squeeze3A_504 : f32 to vector<16xf32>
      %mul3A_510 = arith.mulf %mul3A_509, %get3A_508 : vector<16xf32>
      %add3A_511 = arith.addf %add3A_502, %mul3A_510 : vector<16xf32>
      %slice3A_512 = vector.extract_strided_slice %gather3A_56 {offsets = [15], sizes = [1], strides = [1]} : vector<16xf32> to vector<1xf32>
      %squeeze3A_513 = vector.extract %slice3A_512[0] : f32 from vector<1xf32>
      %get3A_514 = arith.constant 47 : i32
      %get3A_515 = arith.index_cast %get3A_514 : i32 to index
      %get3A_516 = arith.constant 0 : index
      %get3A_517 = tpu.vector_load %arg9[%get3A_515, %get3A_516] {strides = array<i32>} : memref<64x64xf32, #tpu.memory_space<vmem>>, vector<16xf32>,
      %mul3A_518 = vector.broadcast %squeeze3A_513 : f32 to vector<16xf32>
      %mul3A_519 = arith.mulf %mul3A_518, %get3A_517 : vector<16xf32>
      %add3A_520 = arith.addf %add3A_511, %mul3A_519 : vector<16xf32>
      %slice3A_521 = vector.extract_strided_slice %gather3A_60 {offsets = [0], sizes = [1], strides = [1]} : vector<16xf32> to vector<1xf32>
      %squeeze3A_522 = vector.extract %slice3A_521[0] : f32 from vector<1xf32>
      %get3A_523 = arith.constant 48 : i32
      %get3A_524 = arith.index_cast %get3A_523 : i32 to index
      %get3A_525 = arith.constant 0 : index
      %get3A_526 = tpu.vector_load %arg9[%get3A_524, %get3A_525] {strides = array<i32>} : memref<64x64xf32, #tpu.memory_space<vmem>>, vector<16xf32>,
      %mul3A_527 = vector.broadcast %squeeze3A_522 : f32 to vector<16xf32>
      %mul3A_528 = arith.mulf %mul3A_527, %get3A_526 : vector<16xf32>
      %add3A_529 = arith.addf %add3A_520, %mul3A_528 : vector<16xf32>
      %slice3A_530 = vector.extract_strided_slice %gather3A_60 {offsets = [1], sizes = [1], strides = [1]} : vector<16xf32> to vector<1xf32>
      %squeeze3A_531 = vector.extract %slice3A_530[0] : f32 from vector<1xf32>
      %get3A_532 = arith.constant 49 : i32
      %get3A_533 = arith.index_cast %get3A_532 : i32 to index
      %get3A_534 = arith.constant 0 : index
      %get3A_535 = tpu.vector_load %arg9[%get3A_533, %get3A_534] {strides = array<i32>} : memref<64x64xf32, #tpu.memory_space<vmem>>, vector<16xf32>,
      %mul3A_536 = vector.broadcast %squeeze3A_531 : f32 to vector<16xf32>
      %mul3A_537 = arith.mulf %mul3A_536, %get3A_535 : vector<16xf32>
      %add3A_538 = arith.addf %add3A_529, %mul3A_537 : vector<16xf32>
      %slice3A_539 = vector.extract_strided_slice %gather3A_60 {offsets = [2], sizes = [1], strides = [1]} : vector<16xf32> to vector<1xf32>
      %squeeze3A_540 = vector.extract %slice3A_539[0] : f32 from vector<1xf32>
      %get3A_541 = arith.constant 50 : i32
      %get3A_542 = arith.index_cast %get3A_541 : i32 to index
      %get3A_543 = arith.constant 0 : index
      %get3A_544 = tpu.vector_load %arg9[%get3A_542, %get3A_543] {strides = array<i32>} : memref<64x64xf32, #tpu.memory_space<vmem>>, vector<16xf32>,
      %mul3A_545 = vector.broadcast %squeeze3A_540 : f32 to vector<16xf32>
      %mul3A_546 = arith.mulf %mul3A_545, %get3A_544 : vector<16xf32>
      %add3A_547 = arith.addf %add3A_538, %mul3A_546 : vector<16xf32>
      %slice3A_548 = vector.extract_strided_slice %gather3A_60 {offsets = [3], sizes = [1], strides = [1]} : vector<16xf32> to vector<1xf32>
      %squeeze3A_549 = vector.extract %slice3A_548[0] : f32 from vector<1xf32>
      %get3A_550 = arith.constant 51 : i32
      %get3A_551 = arith.index_cast %get3A_550 : i32 to index
      %get3A_552 = arith.constant 0 : index
      %get3A_553 = tpu.vector_load %arg9[%get3A_551, %get3A_552] {strides = array<i32>} : memref<64x64xf32, #tpu.memory_space<vmem>>, vector<16xf32>,
      %mul3A_554 = vector.broadcast %squeeze3A_549 : f32 to vector<16xf32>
      %mul3A_555 = arith.mulf %mul3A_554, %get3A_553 : vector<16xf32>
      %add3A_556 = arith.addf %add3A_547, %mul3A_555 : vector<16xf32>
      %slice3A_557 = vector.extract_strided_slice %gather3A_60 {offsets = [4], sizes = [1], strides = [1]} : vector<16xf32> to vector<1xf32>
      %squeeze3A_558 = vector.extract %slice3A_557[0] : f32 from vector<1xf32>
      %get3A_559 = arith.constant 52 : i32
      %get3A_560 = arith.index_cast %get3A_559 : i32 to index
      %get3A_561 = arith.constant 0 : index
      %get3A_562 = tpu.vector_load %arg9[%get3A_560, %get3A_561] {strides = array<i32>} : memref<64x64xf32, #tpu.memory_space<vmem>>, vector<16xf32>,
      %mul3A_563 = vector.broadcast %squeeze3A_558 : f32 to vector<16xf32>
      %mul3A_564 = arith.mulf %mul3A_563, %get3A_562 : vector<16xf32>
      %add3A_565 = arith.addf %add3A_556, %mul3A_564 : vector<16xf32>
      %slice3A_566 = vector.extract_strided_slice %gather3A_60 {offsets = [5], sizes = [1], strides = [1]} : vector<16xf32> to vector<1xf32>
      %squeeze3A_567 = vector.extract %slice3A_566[0] : f32 from vector<1xf32>
      %get3A_568 = arith.constant 53 : i32
      %get3A_569 = arith.index_cast %get3A_568 : i32 to index
      %get3A_570 = arith.constant 0 : index
      %get3A_571 = tpu.vector_load %arg9[%get3A_569, %get3A_570] {strides = array<i32>} : memref<64x64xf32, #tpu.memory_space<vmem>>, vector<16xf32>,
      %mul3A_572 = vector.broadcast %squeeze3A_567 : f32 to vector<16xf32>
      %mul3A_573 = arith.mulf %mul3A_572, %get3A_571 : vector<16xf32>
      %add3A_574 = arith.addf %add3A_565, %mul3A_573 : vector<16xf32>
      %slice3A_575 = vector.extract_strided_slice %gather3A_60 {offsets = [6], sizes = [1], strides = [1]} : vector<16xf32> to vector<1xf32>
      %squeeze3A_576 = vector.extract %slice3A_575[0] : f32 from vector<1xf32>
      %get3A_577 = arith.constant 54 : i32
      %get3A_578 = arith.index_cast %get3A_577 : i32 to index
      %get3A_579 = arith.constant 0 : index
      %get3A_580 = tpu.vector_load %arg9[%get3A_578, %get3A_579] {strides = array<i32>} : memref<64x64xf32, #tpu.memory_space<vmem>>, vector<16xf32>,
      %mul3A_581 = vector.broadcast %squeeze3A_576 : f32 to vector<16xf32>
      %mul3A_582 = arith.mulf %mul3A_581, %get3A_580 : vector<16xf32>
      %add3A_583 = arith.addf %add3A_574, %mul3A_582 : vector<16xf32>
      %slice3A_584 = vector.extract_strided_slice %gather3A_60 {offsets = [7], sizes = [1], strides = [1]} : vector<16xf32> to vector<1xf32>
      %squeeze3A_585 = vector.extract %slice3A_584[0] : f32 from vector<1xf32>
      %get3A_586 = arith.constant 55 : i32
      %get3A_587 = arith.index_cast %get3A_586 : i32 to index
      %get3A_588 = arith.constant 0 : index
      %get3A_589 = tpu.vector_load %arg9[%get3A_587, %get3A_588] {strides = array<i32>} : memref<64x64xf32, #tpu.memory_space<vmem>>, vector<16xf32>,
      %mul3A_590 = vector.broadcast %squeeze3A_585 : f32 to vector<16xf32>
      %mul3A_591 = arith.mulf %mul3A_590, %get3A_589 : vector<16xf32>
      %add3A_592 = arith.addf %add3A_583, %mul3A_591 : vector<16xf32>
      %slice3A_593 = vector.extract_strided_slice %gather3A_60 {offsets = [8], sizes = [1], strides = [1]} : vector<16xf32> to vector<1xf32>
      %squeeze3A_594 = vector.extract %slice3A_593[0] : f32 from vector<1xf32>
      %get3A_595 = arith.constant 56 : i32
      %get3A_596 = arith.index_cast %get3A_595 : i32 to index
      %get3A_597 = arith.constant 0 : index
      %get3A_598 = tpu.vector_load %arg9[%get3A_596, %get3A_597] {strides = array<i32>} : memref<64x64xf32, #tpu.memory_space<vmem>>, vector<16xf32>,
      %mul3A_599 = vector.broadcast %squeeze3A_594 : f32 to vector<16xf32>
      %mul3A_600 = arith.mulf %mul3A_599, %get3A_598 : vector<16xf32>
      %add3A_601 = arith.addf %add3A_592, %mul3A_600 : vector<16xf32>
      %slice3A_602 = vector.extract_strided_slice %gather3A_60 {offsets = [9], sizes = [1], strides = [1]} : vector<16xf32> to vector<1xf32>
      %squeeze3A_603 = vector.extract %slice3A_602[0] : f32 from vector<1xf32>
      %get3A_604 = arith.constant 57 : i32
      %get3A_605 = arith.index_cast %get3A_604 : i32 to index
      %get3A_606 = arith.constant 0 : index
      %get3A_607 = tpu.vector_load %arg9[%get3A_605, %get3A_606] {strides = array<i32>} : memref<64x64xf32, #tpu.memory_space<vmem>>, vector<16xf32>,
      %mul3A_608 = vector.broadcast %squeeze3A_603 : f32 to vector<16xf32>
      %mul3A_609 = arith.mulf %mul3A_608, %get3A_607 : vector<16xf32>
      %add3A_610 = arith.addf %add3A_601, %mul3A_609 : vector<16xf32>
      %slice3A_611 = vector.extract_strided_slice %gather3A_60 {offsets = [10], sizes = [1], strides = [1]} : vector<16xf32> to vector<1xf32>
      %squeeze3A_612 = vector.extract %slice3A_611[0] : f32 from vector<1xf32>
      %get3A_613 = arith.constant 58 : i32
      %get3A_614 = arith.index_cast %get3A_613 : i32 to index
      %get3A_615 = arith.constant 0 : index
      %get3A_616 = tpu.vector_load %arg9[%get3A_614, %get3A_615] {strides = array<i32>} : memref<64x64xf32, #tpu.memory_space<vmem>>, vector<16xf32>,
      %mul3A_617 = vector.broadcast %squeeze3A_612 : f32 to vector<16xf32>
      %mul3A_618 = arith.mulf %mul3A_617, %get3A_616 : vector<16xf32>
      %add3A_619 = arith.addf %add3A_610, %mul3A_618 : vector<16xf32>
      %slice3A_620 = vector.extract_strided_slice %gather3A_60 {offsets = [11], sizes = [1], strides = [1]} : vector<16xf32> to vector<1xf32>
      %squeeze3A_621 = vector.extract %slice3A_620[0] : f32 from vector<1xf32>
      %get3A_622 = arith.constant 59 : i32
      %get3A_623 = arith.index_cast %get3A_622 : i32 to index
      %get3A_624 = arith.constant 0 : index
      %get3A_625 = tpu.vector_load %arg9[%get3A_623, %get3A_624] {strides = array<i32>} : memref<64x64xf32, #tpu.memory_space<vmem>>, vector<16xf32>,
      %mul3A_626 = vector.broadcast %squeeze3A_621 : f32 to vector<16xf32>
      %mul3A_627 = arith.mulf %mul3A_626, %get3A_625 : vector<16xf32>
      %add3A_628 = arith.addf %add3A_619, %mul3A_627 : vector<16xf32>
      %slice3A_629 = vector.extract_strided_slice %gather3A_60 {offsets = [12], sizes = [1], strides = [1]} : vector<16xf32> to vector<1xf32>
      %squeeze3A_630 = vector.extract %slice3A_629[0] : f32 from vector<1xf32>
      %get3A_631 = arith.constant 60 : i32
      %get3A_632 = arith.index_cast %get3A_631 : i32 to index
      %get3A_633 = arith.constant 0 : index
      %get3A_634 = tpu.vector_load %arg9[%get3A_632, %get3A_633] {strides = array<i32>} : memref<64x64xf32, #tpu.memory_space<vmem>>, vector<16xf32>,
      %mul3A_635 = vector.broadcast %squeeze3A_630 : f32 to vector<16xf32>
      %mul3A_636 = arith.mulf %mul3A_635, %get3A_634 : vector<16xf32>
      %add3A_637 = arith.addf %add3A_628, %mul3A_636 : vector<16xf32>
      %slice3A_638 = vector.extract_strided_slice %gather3A_60 {offsets = [13], sizes = [1], strides = [1]} : vector<16xf32> to vector<1xf32>
      %squeeze3A_639 = vector.extract %slice3A_638[0] : f32 from vector<1xf32>
      %get3A_640 = arith.constant 61 : i32
      %get3A_641 = arith.index_cast %get3A_640 : i32 to index
      %get3A_642 = arith.constant 0 : index
      %get3A_643 = tpu.vector_load %arg9[%get3A_641, %get3A_642] {strides = array<i32>} : memref<64x64xf32, #tpu.memory_space<vmem>>, vector<16xf32>,
      %mul3A_644 = vector.broadcast %squeeze3A_639 : f32 to vector<16xf32>
      %mul3A_645 = arith.mulf %mul3A_644, %get3A_643 : vector<16xf32>
      %add3A_646 = arith.addf %add3A_637, %mul3A_645 : vector<16xf32>
      %slice3A_647 = vector.extract_strided_slice %gather3A_60 {offsets = [14], sizes = [1], strides = [1]} : vector<16xf32> to vector<1xf32>
      %squeeze3A_648 = vector.extract %slice3A_647[0] : f32 from vector<1xf32>
      %get3A_649 = arith.constant 62 : i32
      %get3A_650 = arith.index_cast %get3A_649 : i32 to index
      %get3A_651 = arith.constant 0 : index
      %get3A_652 = tpu.vector_load %arg9[%get3A_650, %get3A_651] {strides = array<i32>} : memref<64x64xf32, #tpu.memory_space<vmem>>, vector<16xf32>,
      %mul3A_653 = vector.broadcast %squeeze3A_648 : f32 to vector<16xf32>
      %mul3A_654 = arith.mulf %mul3A_653, %get3A_652 : vector<16xf32>
      %add3A_655 = arith.addf %add3A_646, %mul3A_654 : vector<16xf32>
      %slice3A_656 = vector.extract_strided_slice %gather3A_60 {offsets = [15], sizes = [1], strides = [1]} : vector<16xf32> to vector<1xf32>
      %squeeze3A_657 = vector.extract %slice3A_656[0] : f32 from vector<1xf32>
      %get3A_658 = arith.constant 63 : i32
      %get3A_659 = arith.index_cast %get3A_658 : i32 to index
      %get3A_660 = arith.constant 0 : index
      %get3A_661 = tpu.vector_load %arg9[%get3A_659, %get3A_660] {strides = array<i32>} : memref<64x64xf32, #tpu.memory_space<vmem>>, vector<16xf32>,
      %mul3A_662 = vector.broadcast %squeeze3A_657 : f32 to vector<16xf32>
      %mul3A_663 = arith.mulf %mul3A_662, %get3A_661 : vector<16xf32>
      %add3A_664 = arith.addf %add3A_655, %mul3A_663 : vector<16xf32>
      %mul3A_665 = arith.mulf %add3A_664, %gather3A_64 : vector<16xf32>
      %add3A_666 = arith.addf %broadcast_in_dim3A_86, %mul3A_665 : vector<16xf32>
      %broadcast_in_dim3A_667 = arith.constant 0.000000e+00 : f32
      %broadcast_in_dim3A_668 = vector.broadcast %broadcast_in_dim3A_667 : f32 to vector<16xf32>
      %slice3A_669 = vector.extract_strided_slice %gather3A {offsets = [0], sizes = [1], strides = [1]} : vector<16xf32> to vector<1xf32>
      %squeeze3A_670 = vector.extract %slice3A_669[0] : f32 from vector<1xf32>
      %get3A_671 = arith.constant 0 : i32
      %get3A_672 = arith.index_cast %get3A_671 : i32 to index
      %get3A_673 = arith.constant 16 : index
      %get3A_674 = tpu.vector_load %arg9[%get3A_672, %get3A_673] {strides = array<i32>} : memref<64x64xf32, #tpu.memory_space<vmem>>, vector<16xf32>,
      %mul3A_675 = vector.broadcast %squeeze3A_670 : f32 to vector<16xf32>
      %mul3A_676 = arith.mulf %mul3A_675, %get3A_674 : vector<16xf32>
      %add3A_677 = arith.addf %broadcast_in_dim3A_668, %mul3A_676 : vector<16xf32>
      %slice3A_678 = vector.extract_strided_slice %gather3A {offsets = [1], sizes = [1], strides = [1]} : vector<16xf32> to vector<1xf32>
      %squeeze3A_679 = vector.extract %slice3A_678[0] : f32 from vector<1xf32>
      %get3A_680 = arith.constant 1 : i32
      %get3A_681 = arith.index_cast %get3A_680 : i32 to index
      %get3A_682 = arith.constant 16 : index
      %get3A_683 = tpu.vector_load %arg9[%get3A_681, %get3A_682] {strides = array<i32>} : memref<64x64xf32, #tpu.memory_space<vmem>>, vector<16xf32>,
      %mul3A_684 = vector.broadcast %squeeze3A_679 : f32 to vector<16xf32>
      %mul3A_685 = arith.mulf %mul3A_684, %get3A_683 : vector<16xf32>
      %add3A_686 = arith.addf %add3A_677, %mul3A_685 : vector<16xf32>
      %slice3A_687 = vector.extract_strided_slice %gather3A {offsets = [2], sizes = [1], strides = [1]} : vector<16xf32> to vector<1xf32>
      %squeeze3A_688 = vector.extract %slice3A_687[0] : f32 from vector<1xf32>
      %get3A_689 = arith.constant 2 : i32
      %get3A_690 = arith.index_cast %get3A_689 : i32 to index
      %get3A_691 = arith.constant 16 : index
      %get3A_692 = tpu.vector_load %arg9[%get3A_690, %get3A_691] {strides = array<i32>} : memref<64x64xf32, #tpu.memory_space<vmem>>, vector<16xf32>,
      %mul3A_693 = vector.broadcast %squeeze3A_688 : f32 to vector<16xf32>
      %mul3A_694 = arith.mulf %mul3A_693, %get3A_692 : vector<16xf32>
      %add3A_695 = arith.addf %add3A_686, %mul3A_694 : vector<16xf32>
      %slice3A_696 = vector.extract_strided_slice %gather3A {offsets = [3], sizes = [1], strides = [1]} : vector<16xf32> to vector<1xf32>
      %squeeze3A_697 = vector.extract %slice3A_696[0] : f32 from vector<1xf32>
      %get3A_698 = arith.constant 3 : i32
      %get3A_699 = arith.index_cast %get3A_698 : i32 to index
      %get3A_700 = arith.constant 16 : index
      %get3A_701 = tpu.vector_load %arg9[%get3A_699, %get3A_700] {strides = array<i32>} : memref<64x64xf32, #tpu.memory_space<vmem>>, vector<16xf32>,
      %mul3A_702 = vector.broadcast %squeeze3A_697 : f32 to vector<16xf32>
      %mul3A_703 = arith.mulf %mul3A_702, %get3A_701 : vector<16xf32>
      %add3A_704 = arith.addf %add3A_695, %mul3A_703 : vector<16xf32>
      %slice3A_705 = vector.extract_strided_slice %gather3A {offsets = [4], sizes = [1], strides = [1]} : vector<16xf32> to vector<1xf32>
      %squeeze3A_706 = vector.extract %slice3A_705[0] : f32 from vector<1xf32>
      %get3A_707 = arith.constant 4 : i32
      %get3A_708 = arith.index_cast %get3A_707 : i32 to index
      %get3A_709 = arith.constant 16 : index
      %get3A_710 = tpu.vector_load %arg9[%get3A_708, %get3A_709] {strides = array<i32>} : memref<64x64xf32, #tpu.memory_space<vmem>>, vector<16xf32>,
      %mul3A_711 = vector.broadcast %squeeze3A_706 : f32 to vector<16xf32>
      %mul3A_712 = arith.mulf %mul3A_711, %get3A_710 : vector<16xf32>
      %add3A_713 = arith.addf %add3A_704, %mul3A_712 : vector<16xf32>
      %slice3A_714 = vector.extract_strided_slice %gather3A {offsets = [5], sizes = [1], strides = [1]} : vector<16xf32> to vector<1xf32>
      %squeeze3A_715 = vector.extract %slice3A_714[0] : f32 from vector<1xf32>
      %get3A_716 = arith.constant 5 : i32
      %get3A_717 = arith.index_cast %get3A_716 : i32 to index
      %get3A_718 = arith.constant 16 : index
      %get3A_719 = tpu.vector_load %arg9[%get3A_717, %get3A_718] {strides = array<i32>} : memref<64x64xf32, #tpu.memory_space<vmem>>, vector<16xf32>,
      %mul3A_720 = vector.broadcast %squeeze3A_715 : f32 to vector<16xf32>
      %mul3A_721 = arith.mulf %mul3A_720, %get3A_719 : vector<16xf32>
      %add3A_722 = arith.addf %add3A_713, %mul3A_721 : vector<16xf32>
      %slice3A_723 = vector.extract_strided_slice %gather3A {offsets = [6], sizes = [1], strides = [1]} : vector<16xf32> to vector<1xf32>
      %squeeze3A_724 = vector.extract %slice3A_723[0] : f32 from vector<1xf32>
      %get3A_725 = arith.constant 6 : i32
      %get3A_726 = arith.index_cast %get3A_725 : i32 to index
      %get3A_727 = arith.constant 16 : index
      %get3A_728 = tpu.vector_load %arg9[%get3A_726, %get3A_727] {strides = array<i32>} : memref<64x64xf32, #tpu.memory_space<vmem>>, vector<16xf32>,
      %mul3A_729 = vector.broadcast %squeeze3A_724 : f32 to vector<16xf32>
      %mul3A_730 = arith.mulf %mul3A_729, %get3A_728 : vector<16xf32>
      %add3A_731 = arith.addf %add3A_722, %mul3A_730 : vector<16xf32>
      %slice3A_732 = vector.extract_strided_slice %gather3A {offsets = [7], sizes = [1], strides = [1]} : vector<16xf32> to vector<1xf32>
      %squeeze3A_733 = vector.extract %slice3A_732[0] : f32 from vector<1xf32>
      %get3A_734 = arith.constant 7 : i32
      %get3A_735 = arith.index_cast %get3A_734 : i32 to index
      %get3A_736 = arith.constant 16 : index
      %get3A_737 = tpu.vector_load %arg9[%get3A_735, %get3A_736] {strides = array<i32>} : memref<64x64xf32, #tpu.memory_space<vmem>>, vector<16xf32>,
      %mul3A_738 = vector.broadcast %squeeze3A_733 : f32 to vector<16xf32>
      %mul3A_739 = arith.mulf %mul3A_738, %get3A_737 : vector<16xf32>
      %add3A_740 = arith.addf %add3A_731, %mul3A_739 : vector<16xf32>
      %slice3A_741 = vector.extract_strided_slice %gather3A {offsets = [8], sizes = [1], strides = [1]} : vector<16xf32> to vector<1xf32>
      %squeeze3A_742 = vector.extract %slice3A_741[0] : f32 from vector<1xf32>
      %get3A_743 = arith.constant 8 : i32
      %get3A_744 = arith.index_cast %get3A_743 : i32 to index
      %get3A_745 = arith.constant 16 : index
      %get3A_746 = tpu.vector_load %arg9[%get3A_744, %get3A_745] {strides = array<i32>} : memref<64x64xf32, #tpu.memory_space<vmem>>, vector<16xf32>,
      %mul3A_747 = vector.broadcast %squeeze3A_742 : f32 to vector<16xf32>
      %mul3A_748 = arith.mulf %mul3A_747, %get3A_746 : vector<16xf32>
      %add3A_749 = arith.addf %add3A_740, %mul3A_748 : vector<16xf32>
      %slice3A_750 = vector.extract_strided_slice %gather3A {offsets = [9], sizes = [1], strides = [1]} : vector<16xf32> to vector<1xf32>
      %squeeze3A_751 = vector.extract %slice3A_750[0] : f32 from vector<1xf32>
      %get3A_752 = arith.constant 9 : i32
      %get3A_753 = arith.index_cast %get3A_752 : i32 to index
      %get3A_754 = arith.constant 16 : index
      %get3A_755 = tpu.vector_load %arg9[%get3A_753, %get3A_754] {strides = array<i32>} : memref<64x64xf32, #tpu.memory_space<vmem>>, vector<16xf32>,
      %mul3A_756 = vector.broadcast %squeeze3A_751 : f32 to vector<16xf32>
      %mul3A_757 = arith.mulf %mul3A_756, %get3A_755 : vector<16xf32>
      %add3A_758 = arith.addf %add3A_749, %mul3A_757 : vector<16xf32>
      %slice3A_759 = vector.extract_strided_slice %gather3A {offsets = [10], sizes = [1], strides = [1]} : vector<16xf32> to vector<1xf32>
      %squeeze3A_760 = vector.extract %slice3A_759[0] : f32 from vector<1xf32>
      %get3A_761 = arith.constant 10 : i32
      %get3A_762 = arith.index_cast %get3A_761 : i32 to index
      %get3A_763 = arith.constant 16 : index
      %get3A_764 = tpu.vector_load %arg9[%get3A_762, %get3A_763] {strides = array<i32>} : memref<64x64xf32, #tpu.memory_space<vmem>>, vector<16xf32>,
      %mul3A_765 = vector.broadcast %squeeze3A_760 : f32 to vector<16xf32>
      %mul3A_766 = arith.mulf %mul3A_765, %get3A_764 : vector<16xf32>
      %add3A_767 = arith.addf %add3A_758, %mul3A_766 : vector<16xf32>
      %slice3A_768 = vector.extract_strided_slice %gather3A {offsets = [11], sizes = [1], strides = [1]} : vector<16xf32> to vector<1xf32>
      %squeeze3A_769 = vector.extract %slice3A_768[0] : f32 from vector<1xf32>
      %get3A_770 = arith.constant 11 : i32
      %get3A_771 = arith.index_cast %get3A_770 : i32 to index
      %get3A_772 = arith.constant 16 : index
      %get3A_773 = tpu.vector_load %arg9[%get3A_771, %get3A_772] {strides = array<i32>} : memref<64x64xf32, #tpu.memory_space<vmem>>, vector<16xf32>,
      %mul3A_774 = vector.broadcast %squeeze3A_769 : f32 to vector<16xf32>
      %mul3A_775 = arith.mulf %mul3A_774, %get3A_773 : vector<16xf32>
      %add3A_776 = arith.addf %add3A_767, %mul3A_775 : vector<16xf32>
      %slice3A_777 = vector.extract_strided_slice %gather3A {offsets = [12], sizes = [1], strides = [1]} : vector<16xf32> to vector<1xf32>
      %squeeze3A_778 = vector.extract %slice3A_777[0] : f32 from vector<1xf32>
      %get3A_779 = arith.constant 12 : i32
      %get3A_780 = arith.index_cast %get3A_779 : i32 to index
      %get3A_781 = arith.constant 16 : index
      %get3A_782 = tpu.vector_load %arg9[%get3A_780, %get3A_781] {strides = array<i32>} : memref<64x64xf32, #tpu.memory_space<vmem>>, vector<16xf32>,
      %mul3A_783 = vector.broadcast %squeeze3A_778 : f32 to vector<16xf32>
      %mul3A_784 = arith.mulf %mul3A_783, %get3A_782 : vector<16xf32>
      %add3A_785 = arith.addf %add3A_776, %mul3A_784 : vector<16xf32>
      %slice3A_786 = vector.extract_strided_slice %gather3A {offsets = [13], sizes = [1], strides = [1]} : vector<16xf32> to vector<1xf32>
      %squeeze3A_787 = vector.extract %slice3A_786[0] : f32 from vector<1xf32>
      %get3A_788 = arith.constant 13 : i32
      %get3A_789 = arith.index_cast %get3A_788 : i32 to index
      %get3A_790 = arith.constant 16 : index
      %get3A_791 = tpu.vector_load %arg9[%get3A_789, %get3A_790] {strides = array<i32>} : memref<64x64xf32, #tpu.memory_space<vmem>>, vector<16xf32>,
      %mul3A_792 = vector.broadcast %squeeze3A_787 : f32 to vector<16xf32>
      %mul3A_793 = arith.mulf %mul3A_792, %get3A_791 : vector<16xf32>
      %add3A_794 = arith.addf %add3A_785, %mul3A_793 : vector<16xf32>
      %slice3A_795 = vector.extract_strided_slice %gather3A {offsets = [14], sizes = [1], strides = [1]} : vector<16xf32> to vector<1xf32>
      %squeeze3A_796 = vector.extract %slice3A_795[0] : f32 from vector<1xf32>
      %get3A_797 = arith.constant 14 : i32
      %get3A_798 = arith.index_cast %get3A_797 : i32 to index
      %get3A_799 = arith.constant 16 : index
      %get3A_800 = tpu.vector_load %arg9[%get3A_798, %get3A_799] {strides = array<i32>} : memref<64x64xf32, #tpu.memory_space<vmem>>, vector<16xf32>,
      %mul3A_801 = vector.broadcast %squeeze3A_796 : f32 to vector<16xf32>
      %mul3A_802 = arith.mulf %mul3A_801, %get3A_800 : vector<16xf32>
      %add3A_803 = arith.addf %add3A_794, %mul3A_802 : vector<16xf32>
      %slice3A_804 = vector.extract_strided_slice %gather3A {offsets = [15], sizes = [1], strides = [1]} : vector<16xf32> to vector<1xf32>
      %squeeze3A_805 = vector.extract %slice3A_804[0] : f32 from vector<1xf32>
      %get3A_806 = arith.constant 15 : i32
      %get3A_807 = arith.index_cast %get3A_806 : i32 to index
      %get3A_808 = arith.constant 16 : index
      %get3A_809 = tpu.vector_load %arg9[%get3A_807, %get3A_808] {strides = array<i32>} : memref<64x64xf32, #tpu.memory_space<vmem>>, vector<16xf32>,
      %mul3A_810 = vector.broadcast %squeeze3A_805 : f32 to vector<16xf32>
      %mul3A_811 = arith.mulf %mul3A_810, %get3A_809 : vector<16xf32>
      %add3A_812 = arith.addf %add3A_803, %mul3A_811 : vector<16xf32>
      %slice3A_813 = vector.extract_strided_slice %gather3A_52 {offsets = [0], sizes = [1], strides = [1]} : vector<16xf32> to vector<1xf32>
      %squeeze3A_814 = vector.extract %slice3A_813[0] : f32 from vector<1xf32>
      %get3A_815 = arith.constant 16 : i32
      %get3A_816 = arith.index_cast %get3A_815 : i32 to index
      %get3A_817 = arith.constant 16 : index
      %get3A_818 = tpu.vector_load %arg9[%get3A_816, %get3A_817] {strides = array<i32>} : memref<64x64xf32, #tpu.memory_space<vmem>>, vector<16xf32>,
      %mul3A_819 = vector.broadcast %squeeze3A_814 : f32 to vector<16xf32>
      %mul3A_820 = arith.mulf %mul3A_819, %get3A_818 : vector<16xf32>
      %add3A_821 = arith.addf %add3A_812, %mul3A_820 : vector<16xf32>
      %slice3A_822 = vector.extract_strided_slice %gather3A_52 {offsets = [1], sizes = [1], strides = [1]} : vector<16xf32> to vector<1xf32>
      %squeeze3A_823 = vector.extract %slice3A_822[0] : f32 from vector<1xf32>
      %get3A_824 = arith.constant 17 : i32
      %get3A_825 = arith.index_cast %get3A_824 : i32 to index
      %get3A_826 = arith.constant 16 : index
      %get3A_827 = tpu.vector_load %arg9[%get3A_825, %get3A_826] {strides = array<i32>} : memref<64x64xf32, #tpu.memory_space<vmem>>, vector<16xf32>,
      %mul3A_828 = vector.broadcast %squeeze3A_823 : f32 to vector<16xf32>
      %mul3A_829 = arith.mulf %mul3A_828, %get3A_827 : vector<16xf32>
      %add3A_830 = arith.addf %add3A_821, %mul3A_829 : vector<16xf32>
      %slice3A_831 = vector.extract_strided_slice %gather3A_52 {offsets = [2], sizes = [1], strides = [1]} : vector<16xf32> to vector<1xf32>
      %squeeze3A_832 = vector.extract %slice3A_831[0] : f32 from vector<1xf32>
      %get3A_833 = arith.constant 18 : i32
      %get3A_834 = arith.index_cast %get3A_833 : i32 to index
      %get3A_835 = arith.constant 16 : index
      %get3A_836 = tpu.vector_load %arg9[%get3A_834, %get3A_835] {strides = array<i32>} : memref<64x64xf32, #tpu.memory_space<vmem>>, vector<16xf32>,
      %mul3A_837 = vector.broadcast %squeeze3A_832 : f32 to vector<16xf32>
      %mul3A_838 = arith.mulf %mul3A_837, %get3A_836 : vector<16xf32>
      %add3A_839 = arith.addf %add3A_830, %mul3A_838 : vector<16xf32>
      %slice3A_840 = vector.extract_strided_slice %gather3A_52 {offsets = [3], sizes = [1], strides = [1]} : vector<16xf32> to vector<1xf32>
      %squeeze3A_841 = vector.extract %slice3A_840[0] : f32 from vector<1xf32>
      %get3A_842 = arith.constant 19 : i32
      %get3A_843 = arith.index_cast %get3A_842 : i32 to index
      %get3A_844 = arith.constant 16 : index
      %get3A_845 = tpu.vector_load %arg9[%get3A_843, %get3A_844] {strides = array<i32>} : memref<64x64xf32, #tpu.memory_space<vmem>>, vector<16xf32>,
      %mul3A_846 = vector.broadcast %squeeze3A_841 : f32 to vector<16xf32>
      %mul3A_847 = arith.mulf %mul3A_846, %get3A_845 : vector<16xf32>
      %add3A_848 = arith.addf %add3A_839, %mul3A_847 : vector<16xf32>
      %slice3A_849 = vector.extract_strided_slice %gather3A_52 {offsets = [4], sizes = [1], strides = [1]} : vector<16xf32> to vector<1xf32>
      %squeeze3A_850 = vector.extract %slice3A_849[0] : f32 from vector<1xf32>
      %get3A_851 = arith.constant 20 : i32
      %get3A_852 = arith.index_cast %get3A_851 : i32 to index
      %get3A_853 = arith.constant 16 : index
      %get3A_854 = tpu.vector_load %arg9[%get3A_852, %get3A_853] {strides = array<i32>} : memref<64x64xf32, #tpu.memory_space<vmem>>, vector<16xf32>,
      %mul3A_855 = vector.broadcast %squeeze3A_850 : f32 to vector<16xf32>
      %mul3A_856 = arith.mulf %mul3A_855, %get3A_854 : vector<16xf32>
      %add3A_857 = arith.addf %add3A_848, %mul3A_856 : vector<16xf32>
      %slice3A_858 = vector.extract_strided_slice %gather3A_52 {offsets = [5], sizes = [1], strides = [1]} : vector<16xf32> to vector<1xf32>
      %squeeze3A_859 = vector.extract %slice3A_858[0] : f32 from vector<1xf32>
      %get3A_860 = arith.constant 21 : i32
      %get3A_861 = arith.index_cast %get3A_860 : i32 to index
      %get3A_862 = arith.constant 16 : index
      %get3A_863 = tpu.vector_load %arg9[%get3A_861, %get3A_862] {strides = array<i32>} : memref<64x64xf32, #tpu.memory_space<vmem>>, vector<16xf32>,
      %mul3A_864 = vector.broadcast %squeeze3A_859 : f32 to vector<16xf32>
      %mul3A_865 = arith.mulf %mul3A_864, %get3A_863 : vector<16xf32>
      %add3A_866 = arith.addf %add3A_857, %mul3A_865 : vector<16xf32>
      %slice3A_867 = vector.extract_strided_slice %gather3A_52 {offsets = [6], sizes = [1], strides = [1]} : vector<16xf32> to vector<1xf32>
      %squeeze3A_868 = vector.extract %slice3A_867[0] : f32 from vector<1xf32>
      %get3A_869 = arith.constant 22 : i32
      %get3A_870 = arith.index_cast %get3A_869 : i32 to index
      %get3A_871 = arith.constant 16 : index
      %get3A_872 = tpu.vector_load %arg9[%get3A_870, %get3A_871] {strides = array<i32>} : memref<64x64xf32, #tpu.memory_space<vmem>>, vector<16xf32>,
      %mul3A_873 = vector.broadcast %squeeze3A_868 : f32 to vector<16xf32>
      %mul3A_874 = arith.mulf %mul3A_873, %get3A_872 : vector<16xf32>
      %add3A_875 = arith.addf %add3A_866, %mul3A_874 : vector<16xf32>
      %slice3A_876 = vector.extract_strided_slice %gather3A_52 {offsets = [7], sizes = [1], strides = [1]} : vector<16xf32> to vector<1xf32>
      %squeeze3A_877 = vector.extract %slice3A_876[0] : f32 from vector<1xf32>
      %get3A_878 = arith.constant 23 : i32
      %get3A_879 = arith.index_cast %get3A_878 : i32 to index
      %get3A_880 = arith.constant 16 : index
      %get3A_881 = tpu.vector_load %arg9[%get3A_879, %get3A_880] {strides = array<i32>} : memref<64x64xf32, #tpu.memory_space<vmem>>, vector<16xf32>,
      %mul3A_882 = vector.broadcast %squeeze3A_877 : f32 to vector<16xf32>
      %mul3A_883 = arith.mulf %mul3A_882, %get3A_881 : vector<16xf32>
      %add3A_884 = arith.addf %add3A_875, %mul3A_883 : vector<16xf32>
      %slice3A_885 = vector.extract_strided_slice %gather3A_52 {offsets = [8], sizes = [1], strides = [1]} : vector<16xf32> to vector<1xf32>
      %squeeze3A_886 = vector.extract %slice3A_885[0] : f32 from vector<1xf32>
      %get3A_887 = arith.constant 24 : i32
      %get3A_888 = arith.index_cast %get3A_887 : i32 to index
      %get3A_889 = arith.constant 16 : index
      %get3A_890 = tpu.vector_load %arg9[%get3A_888, %get3A_889] {strides = array<i32>} : memref<64x64xf32, #tpu.memory_space<vmem>>, vector<16xf32>,
      %mul3A_891 = vector.broadcast %squeeze3A_886 : f32 to vector<16xf32>
      %mul3A_892 = arith.mulf %mul3A_891, %get3A_890 : vector<16xf32>
      %add3A_893 = arith.addf %add3A_884, %mul3A_892 : vector<16xf32>
      %slice3A_894 = vector.extract_strided_slice %gather3A_52 {offsets = [9], sizes = [1], strides = [1]} : vector<16xf32> to vector<1xf32>
      %squeeze3A_895 = vector.extract %slice3A_894[0] : f32 from vector<1xf32>
      %get3A_896 = arith.constant 25 : i32
      %get3A_897 = arith.index_cast %get3A_896 : i32 to index
      %get3A_898 = arith.constant 16 : index
      %get3A_899 = tpu.vector_load %arg9[%get3A_897, %get3A_898] {strides = array<i32>} : memref<64x64xf32, #tpu.memory_space<vmem>>, vector<16xf32>,
      %mul3A_900 = vector.broadcast %squeeze3A_895 : f32 to vector<16xf32>
      %mul3A_901 = arith.mulf %mul3A_900, %get3A_899 : vector<16xf32>
      %add3A_902 = arith.addf %add3A_893, %mul3A_901 : vector<16xf32>
      %slice3A_903 = vector.extract_strided_slice %gather3A_52 {offsets = [10], sizes = [1], strides = [1]} : vector<16xf32> to vector<1xf32>
      %squeeze3A_904 = vector.extract %slice3A_903[0] : f32 from vector<1xf32>
      %get3A_905 = arith.constant 26 : i32
      %get3A_906 = arith.index_cast %get3A_905 : i32 to index
      %get3A_907 = arith.constant 16 : index
      %get3A_908 = tpu.vector_load %arg9[%get3A_906, %get3A_907] {strides = array<i32>} : memref<64x64xf32, #tpu.memory_space<vmem>>, vector<16xf32>,
      %mul3A_909 = vector.broadcast %squeeze3A_904 : f32 to vector<16xf32>
      %mul3A_910 = arith.mulf %mul3A_909, %get3A_908 : vector<16xf32>
      %add3A_911 = arith.addf %add3A_902, %mul3A_910 : vector<16xf32>
      %slice3A_912 = vector.extract_strided_slice %gather3A_52 {offsets = [11], sizes = [1], strides = [1]} : vector<16xf32> to vector<1xf32>
      %squeeze3A_913 = vector.extract %slice3A_912[0] : f32 from vector<1xf32>
      %get3A_914 = arith.constant 27 : i32
      %get3A_915 = arith.index_cast %get3A_914 : i32 to index
      %get3A_916 = arith.constant 16 : index
      %get3A_917 = tpu.vector_load %arg9[%get3A_915, %get3A_916] {strides = array<i32>} : memref<64x64xf32, #tpu.memory_space<vmem>>, vector<16xf32>,
      %mul3A_918 = vector.broadcast %squeeze3A_913 : f32 to vector<16xf32>
      %mul3A_919 = arith.mulf %mul3A_918, %get3A_917 : vector<16xf32>
      %add3A_920 = arith.addf %add3A_911, %mul3A_919 : vector<16xf32>
      %slice3A_921 = vector.extract_strided_slice %gather3A_52 {offsets = [12], sizes = [1], strides = [1]} : vector<16xf32> to vector<1xf32>
      %squeeze3A_922 = vector.extract %slice3A_921[0] : f32 from vector<1xf32>
      %get3A_923 = arith.constant 28 : i32
      %get3A_924 = arith.index_cast %get3A_923 : i32 to index
      %get3A_925 = arith.constant 16 : index
      %get3A_926 = tpu.vector_load %arg9[%get3A_924, %get3A_925] {strides = array<i32>} : memref<64x64xf32, #tpu.memory_space<vmem>>, vector<16xf32>,
      %mul3A_927 = vector.broadcast %squeeze3A_922 : f32 to vector<16xf32>
      %mul3A_928 = arith.mulf %mul3A_927, %get3A_926 : vector<16xf32>
      %add3A_929 = arith.addf %add3A_920, %mul3A_928 : vector<16xf32>
      %slice3A_930 = vector.extract_strided_slice %gather3A_52 {offsets = [13], sizes = [1], strides = [1]} : vector<16xf32> to vector<1xf32>
      %squeeze3A_931 = vector.extract %slice3A_930[0] : f32 from vector<1xf32>
      %get3A_932 = arith.constant 29 : i32
      %get3A_933 = arith.index_cast %get3A_932 : i32 to index
      %get3A_934 = arith.constant 16 : index
      %get3A_935 = tpu.vector_load %arg9[%get3A_933, %get3A_934] {strides = array<i32>} : memref<64x64xf32, #tpu.memory_space<vmem>>, vector<16xf32>,
      %mul3A_936 = vector.broadcast %squeeze3A_931 : f32 to vector<16xf32>
      %mul3A_937 = arith.mulf %mul3A_936, %get3A_935 : vector<16xf32>
      %add3A_938 = arith.addf %add3A_929, %mul3A_937 : vector<16xf32>
      %slice3A_939 = vector.extract_strided_slice %gather3A_52 {offsets = [14], sizes = [1], strides = [1]} : vector<16xf32> to vector<1xf32>
      %squeeze3A_940 = vector.extract %slice3A_939[0] : f32 from vector<1xf32>
      %get3A_941 = arith.constant 30 : i32
      %get3A_942 = arith.index_cast %get3A_941 : i32 to index
      %get3A_943 = arith.constant 16 : index
      %get3A_944 = tpu.vector_load %arg9[%get3A_942, %get3A_943] {strides = array<i32>} : memref<64x64xf32, #tpu.memory_space<vmem>>, vector<16xf32>,
      %mul3A_945 = vector.broadcast %squeeze3A_940 : f32 to vector<16xf32>
      %mul3A_946 = arith.mulf %mul3A_945, %get3A_944 : vector<16xf32>
      %add3A_947 = arith.addf %add3A_938, %mul3A_946 : vector<16xf32>
      %slice3A_948 = vector.extract_strided_slice %gather3A_52 {offsets = [15], sizes = [1], strides = [1]} : vector<16xf32> to vector<1xf32>
      %squeeze3A_949 = vector.extract %slice3A_948[0] : f32 from vector<1xf32>
      %get3A_950 = arith.constant 31 : i32
      %get3A_951 = arith.index_cast %get3A_950 : i32 to index
      %get3A_952 = arith.constant 16 : index
      %get3A_953 = tpu.vector_load %arg9[%get3A_951, %get3A_952] {strides = array<i32>} : memref<64x64xf32, #tpu.memory_space<vmem>>, vector<16xf32>,
      %mul3A_954 = vector.broadcast %squeeze3A_949 : f32 to vector<16xf32>
      %mul3A_955 = arith.mulf %mul3A_954, %get3A_953 : vector<16xf32>
      %add3A_956 = arith.addf %add3A_947, %mul3A_955 : vector<16xf32>
      %slice3A_957 = vector.extract_strided_slice %gather3A_56 {offsets = [0], sizes = [1], strides = [1]} : vector<16xf32> to vector<1xf32>
      %squeeze3A_958 = vector.extract %slice3A_957[0] : f32 from vector<1xf32>
      %get3A_959 = arith.constant 32 : i32
      %get3A_960 = arith.index_cast %get3A_959 : i32 to index
      %get3A_961 = arith.constant 16 : index
      %get3A_962 = tpu.vector_load %arg9[%get3A_960, %get3A_961] {strides = array<i32>} : memref<64x64xf32, #tpu.memory_space<vmem>>, vector<16xf32>,
      %mul3A_963 = vector.broadcast %squeeze3A_958 : f32 to vector<16xf32>
      %mul3A_964 = arith.mulf %mul3A_963, %get3A_962 : vector<16xf32>
      %add3A_965 = arith.addf %add3A_956, %mul3A_964 : vector<16xf32>
      %slice3A_966 = vector.extract_strided_slice %gather3A_56 {offsets = [1], sizes = [1], strides = [1]} : vector<16xf32> to vector<1xf32>
      %squeeze3A_967 = vector.extract %slice3A_966[0] : f32 from vector<1xf32>
      %get3A_968 = arith.constant 33 : i32
      %get3A_969 = arith.index_cast %get3A_968 : i32 to index
      %get3A_970 = arith.constant 16 : index
      %get3A_971 = tpu.vector_load %arg9[%get3A_969, %get3A_970] {strides = array<i32>} : memref<64x64xf32, #tpu.memory_space<vmem>>, vector<16xf32>,
      %mul3A_972 = vector.broadcast %squeeze3A_967 : f32 to vector<16xf32>
      %mul3A_973 = arith.mulf %mul3A_972, %get3A_971 : vector<16xf32>
      %add3A_974 = arith.addf %add3A_965, %mul3A_973 : vector<16xf32>
      %slice3A_975 = vector.extract_strided_slice %gather3A_56 {offsets = [2], sizes = [1], strides = [1]} : vector<16xf32> to vector<1xf32>
      %squeeze3A_976 = vector.extract %slice3A_975[0] : f32 from vector<1xf32>
      %get3A_977 = arith.constant 34 : i32
      %get3A_978 = arith.index_cast %get3A_977 : i32 to index
      %get3A_979 = arith.constant 16 : index
      %get3A_980 = tpu.vector_load %arg9[%get3A_978, %get3A_979] {strides = array<i32>} : memref<64x64xf32, #tpu.memory_space<vmem>>, vector<16xf32>,
      %mul3A_981 = vector.broadcast %squeeze3A_976 : f32 to vector<16xf32>
      %mul3A_982 = arith.mulf %mul3A_981, %get3A_980 : vector<16xf32>
      %add3A_983 = arith.addf %add3A_974, %mul3A_982 : vector<16xf32>
      %slice3A_984 = vector.extract_strided_slice %gather3A_56 {offsets = [3], sizes = [1], strides = [1]} : vector<16xf32> to vector<1xf32>
      %squeeze3A_985 = vector.extract %slice3A_984[0] : f32 from vector<1xf32>
      %get3A_986 = arith.constant 35 : i32
      %get3A_987 = arith.index_cast %get3A_986 : i32 to index
      %get3A_988 = arith.constant 16 : index
      %get3A_989 = tpu.vector_load %arg9[%get3A_987, %get3A_988] {strides = array<i32>} : memref<64x64xf32, #tpu.memory_space<vmem>>, vector<16xf32>,
      %mul3A_990 = vector.broadcast %squeeze3A_985 : f32 to vector<16xf32>
      %mul3A_991 = arith.mulf %mul3A_990, %get3A_989 : vector<16xf32>
      %add3A_992 = arith.addf %add3A_983, %mul3A_991 : vector<16xf32>
      %slice3A_993 = vector.extract_strided_slice %gather3A_56 {offsets = [4], sizes = [1], strides = [1]} : vector<16xf32> to vector<1xf32>
      %squeeze3A_994 = vector.extract %slice3A_993[0] : f32 from vector<1xf32>
      %get3A_995 = arith.constant 36 : i32
      %get3A_996 = arith.index_cast %get3A_995 : i32 to index
      %get3A_997 = arith.constant 16 : index
      %get3A_998 = tpu.vector_load %arg9[%get3A_996, %get3A_997] {strides = array<i32>} : memref<64x64xf32, #tpu.memory_space<vmem>>, vector<16xf32>,
      %mul3A_999 = vector.broadcast %squeeze3A_994 : f32 to vector<16xf32>
      %mul3A_1000 = arith.mulf %mul3A_999, %get3A_998 : vector<16xf32>
      %add3A_1001 = arith.addf %add3A_992, %mul3A_1000 : vector<16xf32>
      %slice3A_1002 = vector.extract_strided_slice %gather3A_56 {offsets = [5], sizes = [1], strides = [1]} : vector<16xf32> to vector<1xf32>
      %squeeze3A_1003 = vector.extract %slice3A_1002[0] : f32 from vector<1xf32>
      %get3A_1004 = arith.constant 37 : i32
      %get3A_1005 = arith.index_cast %get3A_1004 : i32 to index
      %get3A_1006 = arith.constant 16 : index
      %get3A_1007 = tpu.vector_load %arg9[%get3A_1005, %get3A_1006] {strides = array<i32>} : memref<64x64xf32, #tpu.memory_space<vmem>>, vector<16xf32>,
      %mul3A_1008 = vector.broadcast %squeeze3A_1003 : f32 to vector<16xf32>
      %mul3A_1009 = arith.mulf %mul3A_1008, %get3A_1007 : vector<16xf32>
      %add3A_1010 = arith.addf %add3A_1001, %mul3A_1009 : vector<16xf32>
      %slice3A_1011 = vector.extract_strided_slice %gather3A_56 {offsets = [6], sizes = [1], strides = [1]} : vector<16xf32> to vector<1xf32>
      %squeeze3A_1012 = vector.extract %slice3A_1011[0] : f32 from vector<1xf32>
      %get3A_1013 = arith.constant 38 : i32
      %get3A_1014 = arith.index_cast %get3A_1013 : i32 to index
      %get3A_1015 = arith.constant 16 : index
      %get3A_1016 = tpu.vector_load %arg9[%get3A_1014, %get3A_1015] {strides = array<i32>} : memref<64x64xf32, #tpu.memory_space<vmem>>, vector<16xf32>,
      %mul3A_1017 = vector.broadcast %squeeze3A_1012 : f32 to vector<16xf32>
      %mul3A_1018 = arith.mulf %mul3A_1017, %get3A_1016 : vector<16xf32>
      %add3A_1019 = arith.addf %add3A_1010, %mul3A_1018 : vector<16xf32>
      %slice3A_1020 = vector.extract_strided_slice %gather3A_56 {offsets = [7], sizes = [1], strides = [1]} : vector<16xf32> to vector<1xf32>
      %squeeze3A_1021 = vector.extract %slice3A_1020[0] : f32 from vector<1xf32>
      %get3A_1022 = arith.constant 39 : i32
      %get3A_1023 = arith.index_cast %get3A_1022 : i32 to index
      %get3A_1024 = arith.constant 16 : index
      %get3A_1025 = tpu.vector_load %arg9[%get3A_1023, %get3A_1024] {strides = array<i32>} : memref<64x64xf32, #tpu.memory_space<vmem>>, vector<16xf32>,
      %mul3A_1026 = vector.broadcast %squeeze3A_1021 : f32 to vector<16xf32>
      %mul3A_1027 = arith.mulf %mul3A_1026, %get3A_1025 : vector<16xf32>
      %add3A_1028 = arith.addf %add3A_1019, %mul3A_1027 : vector<16xf32>
      %slice3A_1029 = vector.extract_strided_slice %gather3A_56 {offsets = [8], sizes = [1], strides = [1]} : vector<16xf32> to vector<1xf32>
      %squeeze3A_1030 = vector.extract %slice3A_1029[0] : f32 from vector<1xf32>
      %get3A_1031 = arith.constant 40 : i32
      %get3A_1032 = arith.index_cast %get3A_1031 : i32 to index
      %get3A_1033 = arith.constant 16 : index
      %get3A_1034 = tpu.vector_load %arg9[%get3A_1032, %get3A_1033] {strides = array<i32>} : memref<64x64xf32, #tpu.memory_space<vmem>>, vector<16xf32>,
      %mul3A_1035 = vector.broadcast %squeeze3A_1030 : f32 to vector<16xf32>
      %mul3A_1036 = arith.mulf %mul3A_1035, %get3A_1034 : vector<16xf32>
      %add3A_1037 = arith.addf %add3A_1028, %mul3A_1036 : vector<16xf32>
      %slice3A_1038 = vector.extract_strided_slice %gather3A_56 {offsets = [9], sizes = [1], strides = [1]} : vector<16xf32> to vector<1xf32>
      %squeeze3A_1039 = vector.extract %slice3A_1038[0] : f32 from vector<1xf32>
      %get3A_1040 = arith.constant 41 : i32
      %get3A_1041 = arith.index_cast %get3A_1040 : i32 to index
      %get3A_1042 = arith.constant 16 : index
      %get3A_1043 = tpu.vector_load %arg9[%get3A_1041, %get3A_1042] {strides = array<i32>} : memref<64x64xf32, #tpu.memory_space<vmem>>, vector<16xf32>,
      %mul3A_1044 = vector.broadcast %squeeze3A_1039 : f32 to vector<16xf32>
      %mul3A_1045 = arith.mulf %mul3A_1044, %get3A_1043 : vector<16xf32>
      %add3A_1046 = arith.addf %add3A_1037, %mul3A_1045 : vector<16xf32>
      %slice3A_1047 = vector.extract_strided_slice %gather3A_56 {offsets = [10], sizes = [1], strides = [1]} : vector<16xf32> to vector<1xf32>
      %squeeze3A_1048 = vector.extract %slice3A_1047[0] : f32 from vector<1xf32>
      %get3A_1049 = arith.constant 42 : i32
      %get3A_1050 = arith.index_cast %get3A_1049 : i32 to index
      %get3A_1051 = arith.constant 16 : index
      %get3A_1052 = tpu.vector_load %arg9[%get3A_1050, %get3A_1051] {strides = array<i32>} : memref<64x64xf32, #tpu.memory_space<vmem>>, vector<16xf32>,
      %mul3A_1053 = vector.broadcast %squeeze3A_1048 : f32 to vector<16xf32>
      %mul3A_1054 = arith.mulf %mul3A_1053, %get3A_1052 : vector<16xf32>
      %add3A_1055 = arith.addf %add3A_1046, %mul3A_1054 : vector<16xf32>
      %slice3A_1056 = vector.extract_strided_slice %gather3A_56 {offsets = [11], sizes = [1], strides = [1]} : vector<16xf32> to vector<1xf32>
      %squeeze3A_1057 = vector.extract %slice3A_1056[0] : f32 from vector<1xf32>
      %get3A_1058 = arith.constant 43 : i32
      %get3A_1059 = arith.index_cast %get3A_1058 : i32 to index
      %get3A_1060 = arith.constant 16 : index
      %get3A_1061 = tpu.vector_load %arg9[%get3A_1059, %get3A_1060] {strides = array<i32>} : memref<64x64xf32, #tpu.memory_space<vmem>>, vector<16xf32>,
      %mul3A_1062 = vector.broadcast %squeeze3A_1057 : f32 to vector<16xf32>
      %mul3A_1063 = arith.mulf %mul3A_1062, %get3A_1061 : vector<16xf32>
      %add3A_1064 = arith.addf %add3A_1055, %mul3A_1063 : vector<16xf32>
      %slice3A_1065 = vector.extract_strided_slice %gather3A_56 {offsets = [12], sizes = [1], strides = [1]} : vector<16xf32> to vector<1xf32>
      %squeeze3A_1066 = vector.extract %slice3A_1065[0] : f32 from vector<1xf32>
      %get3A_1067 = arith.constant 44 : i32
      %get3A_1068 = arith.index_cast %get3A_1067 : i32 to index
      %get3A_1069 = arith.constant 16 : index
      %get3A_1070 = tpu.vector_load %arg9[%get3A_1068, %get3A_1069] {strides = array<i32>} : memref<64x64xf32, #tpu.memory_space<vmem>>, vector<16xf32>,
      %mul3A_1071 = vector.broadcast %squeeze3A_1066 : f32 to vector<16xf32>
      %mul3A_1072 = arith.mulf %mul3A_1071, %get3A_1070 : vector<16xf32>
      %add3A_1073 = arith.addf %add3A_1064, %mul3A_1072 : vector<16xf32>
      %slice3A_1074 = vector.extract_strided_slice %gather3A_56 {offsets = [13], sizes = [1], strides = [1]} : vector<16xf32> to vector<1xf32>
      %squeeze3A_1075 = vector.extract %slice3A_1074[0] : f32 from vector<1xf32>
      %get3A_1076 = arith.constant 45 : i32
      %get3A_1077 = arith.index_cast %get3A_1076 : i32 to index
      %get3A_1078 = arith.constant 16 : index
      %get3A_1079 = tpu.vector_load %arg9[%get3A_1077, %get3A_1078] {strides = array<i32>} : memref<64x64xf32, #tpu.memory_space<vmem>>, vector<16xf32>,
      %mul3A_1080 = vector.broadcast %squeeze3A_1075 : f32 to vector<16xf32>
      %mul3A_1081 = arith.mulf %mul3A_1080, %get3A_1079 : vector<16xf32>
      %add3A_1082 = arith.addf %add3A_1073, %mul3A_1081 : vector<16xf32>
      %slice3A_1083 = vector.extract_strided_slice %gather3A_56 {offsets = [14], sizes = [1], strides = [1]} : vector<16xf32> to vector<1xf32>
      %squeeze3A_1084 = vector.extract %slice3A_1083[0] : f32 from vector<1xf32>
      %get3A_1085 = arith.constant 46 : i32
      %get3A_1086 = arith.index_cast %get3A_1085 : i32 to index
      %get3A_1087 = arith.constant 16 : index
      %get3A_1088 = tpu.vector_load %arg9[%get3A_1086, %get3A_1087] {strides = array<i32>} : memref<64x64xf32, #tpu.memory_space<vmem>>, vector<16xf32>,
      %mul3A_1089 = vector.broadcast %squeeze3A_1084 : f32 to vector<16xf32>
      %mul3A_1090 = arith.mulf %mul3A_1089, %get3A_1088 : vector<16xf32>
      %add3A_1091 = arith.addf %add3A_1082, %mul3A_1090 : vector<16xf32>
      %slice3A_1092 = vector.extract_strided_slice %gather3A_56 {offsets = [15], sizes = [1], strides = [1]} : vector<16xf32> to vector<1xf32>
      %squeeze3A_1093 = vector.extract %slice3A_1092[0] : f32 from vector<1xf32>
      %get3A_1094 = arith.constant 47 : i32
      %get3A_1095 = arith.index_cast %get3A_1094 : i32 to index
      %get3A_1096 = arith.constant 16 : index
      %get3A_1097 = tpu.vector_load %arg9[%get3A_1095, %get3A_1096] {strides = array<i32>} : memref<64x64xf32, #tpu.memory_space<vmem>>, vector<16xf32>,
      %mul3A_1098 = vector.broadcast %squeeze3A_1093 : f32 to vector<16xf32>
      %mul3A_1099 = arith.mulf %mul3A_1098, %get3A_1097 : vector<16xf32>
      %add3A_1100 = arith.addf %add3A_1091, %mul3A_1099 : vector<16xf32>
      %slice3A_1101 = vector.extract_strided_slice %gather3A_60 {offsets = [0], sizes = [1], strides = [1]} : vector<16xf32> to vector<1xf32>
      %squeeze3A_1102 = vector.extract %slice3A_1101[0] : f32 from vector<1xf32>
      %get3A_1103 = arith.constant 48 : i32
      %get3A_1104 = arith.index_cast %get3A_1103 : i32 to index
      %get3A_1105 = arith.constant 16 : index
      %get3A_1106 = tpu.vector_load %arg9[%get3A_1104, %get3A_1105] {strides = array<i32>} : memref<64x64xf32, #tpu.memory_space<vmem>>, vector<16xf32>,
      %mul3A_1107 = vector.broadcast %squeeze3A_1102 : f32 to vector<16xf32>
      %mul3A_1108 = arith.mulf %mul3A_1107, %get3A_1106 : vector<16xf32>
      %add3A_1109 = arith.addf %add3A_1100, %mul3A_1108 : vector<16xf32>
      %slice3A_1110 = vector.extract_strided_slice %gather3A_60 {offsets = [1], sizes = [1], strides = [1]} : vector<16xf32> to vector<1xf32>
      %squeeze3A_1111 = vector.extract %slice3A_1110[0] : f32 from vector<1xf32>
      %get3A_1112 = arith.constant 49 : i32
      %get3A_1113 = arith.index_cast %get3A_1112 : i32 to index
      %get3A_1114 = arith.constant 16 : index
      %get3A_1115 = tpu.vector_load %arg9[%get3A_1113, %get3A_1114] {strides = array<i32>} : memref<64x64xf32, #tpu.memory_space<vmem>>, vector<16xf32>,
      %mul3A_1116 = vector.broadcast %squeeze3A_1111 : f32 to vector<16xf32>
      %mul3A_1117 = arith.mulf %mul3A_1116, %get3A_1115 : vector<16xf32>
      %add3A_1118 = arith.addf %add3A_1109, %mul3A_1117 : vector<16xf32>
      %slice3A_1119 = vector.extract_strided_slice %gather3A_60 {offsets = [2], sizes = [1], strides = [1]} : vector<16xf32> to vector<1xf32>
      %squeeze3A_1120 = vector.extract %slice3A_1119[0] : f32 from vector<1xf32>
      %get3A_1121 = arith.constant 50 : i32
      %get3A_1122 = arith.index_cast %get3A_1121 : i32 to index
      %get3A_1123 = arith.constant 16 : index
      %get3A_1124 = tpu.vector_load %arg9[%get3A_1122, %get3A_1123] {strides = array<i32>} : memref<64x64xf32, #tpu.memory_space<vmem>>, vector<16xf32>,
      %mul3A_1125 = vector.broadcast %squeeze3A_1120 : f32 to vector<16xf32>
      %mul3A_1126 = arith.mulf %mul3A_1125, %get3A_1124 : vector<16xf32>
      %add3A_1127 = arith.addf %add3A_1118, %mul3A_1126 : vector<16xf32>
      %slice3A_1128 = vector.extract_strided_slice %gather3A_60 {offsets = [3], sizes = [1], strides = [1]} : vector<16xf32> to vector<1xf32>
      %squeeze3A_1129 = vector.extract %slice3A_1128[0] : f32 from vector<1xf32>
      %get3A_1130 = arith.constant 51 : i32
      %get3A_1131 = arith.index_cast %get3A_1130 : i32 to index
      %get3A_1132 = arith.constant 16 : index
      %get3A_1133 = tpu.vector_load %arg9[%get3A_1131, %get3A_1132] {strides = array<i32>} : memref<64x64xf32, #tpu.memory_space<vmem>>, vector<16xf32>,
      %mul3A_1134 = vector.broadcast %squeeze3A_1129 : f32 to vector<16xf32>
      %mul3A_1135 = arith.mulf %mul3A_1134, %get3A_1133 : vector<16xf32>
      %add3A_1136 = arith.addf %add3A_1127, %mul3A_1135 : vector<16xf32>
      %slice3A_1137 = vector.extract_strided_slice %gather3A_60 {offsets = [4], sizes = [1], strides = [1]} : vector<16xf32> to vector<1xf32>
      %squeeze3A_1138 = vector.extract %slice3A_1137[0] : f32 from vector<1xf32>
      %get3A_1139 = arith.constant 52 : i32
      %get3A_1140 = arith.index_cast %get3A_1139 : i32 to index
      %get3A_1141 = arith.constant 16 : index
      %get3A_1142 = tpu.vector_load %arg9[%get3A_1140, %get3A_1141] {strides = array<i32>} : memref<64x64xf32, #tpu.memory_space<vmem>>, vector<16xf32>,
      %mul3A_1143 = vector.broadcast %squeeze3A_1138 : f32 to vector<16xf32>
      %mul3A_1144 = arith.mulf %mul3A_1143, %get3A_1142 : vector<16xf32>
      %add3A_1145 = arith.addf %add3A_1136, %mul3A_1144 : vector<16xf32>
      %slice3A_1146 = vector.extract_strided_slice %gather3A_60 {offsets = [5], sizes = [1], strides = [1]} : vector<16xf32> to vector<1xf32>
      %squeeze3A_1147 = vector.extract %slice3A_1146[0] : f32 from vector<1xf32>
      %get3A_1148 = arith.constant 53 : i32
      %get3A_1149 = arith.index_cast %get3A_1148 : i32 to index
      %get3A_1150 = arith.constant 16 : index
      %get3A_1151 = tpu.vector_load %arg9[%get3A_1149, %get3A_1150] {strides = array<i32>} : memref<64x64xf32, #tpu.memory_space<vmem>>, vector<16xf32>,
      %mul3A_1152 = vector.broadcast %squeeze3A_1147 : f32 to vector<16xf32>
      %mul3A_1153 = arith.mulf %mul3A_1152, %get3A_1151 : vector<16xf32>
      %add3A_1154 = arith.addf %add3A_1145, %mul3A_1153 : vector<16xf32>
      %slice3A_1155 = vector.extract_strided_slice %gather3A_60 {offsets = [6], sizes = [1], strides = [1]} : vector<16xf32> to vector<1xf32>
      %squeeze3A_1156 = vector.extract %slice3A_1155[0] : f32 from vector<1xf32>
      %get3A_1157 = arith.constant 54 : i32
      %get3A_1158 = arith.index_cast %get3A_1157 : i32 to index
      %get3A_1159 = arith.constant 16 : index
      %get3A_1160 = tpu.vector_load %arg9[%get3A_1158, %get3A_1159] {strides = array<i32>} : memref<64x64xf32, #tpu.memory_space<vmem>>, vector<16xf32>,
      %mul3A_1161 = vector.broadcast %squeeze3A_1156 : f32 to vector<16xf32>
      %mul3A_1162 = arith.mulf %mul3A_1161, %get3A_1160 : vector<16xf32>
      %add3A_1163 = arith.addf %add3A_1154, %mul3A_1162 : vector<16xf32>
      %slice3A_1164 = vector.extract_strided_slice %gather3A_60 {offsets = [7], sizes = [1], strides = [1]} : vector<16xf32> to vector<1xf32>
      %squeeze3A_1165 = vector.extract %slice3A_1164[0] : f32 from vector<1xf32>
      %get3A_1166 = arith.constant 55 : i32
      %get3A_1167 = arith.index_cast %get3A_1166 : i32 to index
      %get3A_1168 = arith.constant 16 : index
      %get3A_1169 = tpu.vector_load %arg9[%get3A_1167, %get3A_1168] {strides = array<i32>} : memref<64x64xf32, #tpu.memory_space<vmem>>, vector<16xf32>,
      %mul3A_1170 = vector.broadcast %squeeze3A_1165 : f32 to vector<16xf32>
      %mul3A_1171 = arith.mulf %mul3A_1170, %get3A_1169 : vector<16xf32>
      %add3A_1172 = arith.addf %add3A_1163, %mul3A_1171 : vector<16xf32>
      %slice3A_1173 = vector.extract_strided_slice %gather3A_60 {offsets = [8], sizes = [1], strides = [1]} : vector<16xf32> to vector<1xf32>
      %squeeze3A_1174 = vector.extract %slice3A_1173[0] : f32 from vector<1xf32>
      %get3A_1175 = arith.constant 56 : i32
      %get3A_1176 = arith.index_cast %get3A_1175 : i32 to index
      %get3A_1177 = arith.constant 16 : index
      %get3A_1178 = tpu.vector_load %arg9[%get3A_1176, %get3A_1177] {strides = array<i32>} : memref<64x64xf32, #tpu.memory_space<vmem>>, vector<16xf32>,
      %mul3A_1179 = vector.broadcast %squeeze3A_1174 : f32 to vector<16xf32>
      %mul3A_1180 = arith.mulf %mul3A_1179, %get3A_1178 : vector<16xf32>
      %add3A_1181 = arith.addf %add3A_1172, %mul3A_1180 : vector<16xf32>
      %slice3A_1182 = vector.extract_strided_slice %gather3A_60 {offsets = [9], sizes = [1], strides = [1]} : vector<16xf32> to vector<1xf32>
      %squeeze3A_1183 = vector.extract %slice3A_1182[0] : f32 from vector<1xf32>
      %get3A_1184 = arith.constant 57 : i32
      %get3A_1185 = arith.index_cast %get3A_1184 : i32 to index
      %get3A_1186 = arith.constant 16 : index
      %get3A_1187 = tpu.vector_load %arg9[%get3A_1185, %get3A_1186] {strides = array<i32>} : memref<64x64xf32, #tpu.memory_space<vmem>>, vector<16xf32>,
      %mul3A_1188 = vector.broadcast %squeeze3A_1183 : f32 to vector<16xf32>
      %mul3A_1189 = arith.mulf %mul3A_1188, %get3A_1187 : vector<16xf32>
      %add3A_1190 = arith.addf %add3A_1181, %mul3A_1189 : vector<16xf32>
      %slice3A_1191 = vector.extract_strided_slice %gather3A_60 {offsets = [10], sizes = [1], strides = [1]} : vector<16xf32> to vector<1xf32>
      %squeeze3A_1192 = vector.extract %slice3A_1191[0] : f32 from vector<1xf32>
      %get3A_1193 = arith.constant 58 : i32
      %get3A_1194 = arith.index_cast %get3A_1193 : i32 to index
      %get3A_1195 = arith.constant 16 : index
      %get3A_1196 = tpu.vector_load %arg9[%get3A_1194, %get3A_1195] {strides = array<i32>} : memref<64x64xf32, #tpu.memory_space<vmem>>, vector<16xf32>,
      %mul3A_1197 = vector.broadcast %squeeze3A_1192 : f32 to vector<16xf32>
      %mul3A_1198 = arith.mulf %mul3A_1197, %get3A_1196 : vector<16xf32>
      %add3A_1199 = arith.addf %add3A_1190, %mul3A_1198 : vector<16xf32>
      %slice3A_1200 = vector.extract_strided_slice %gather3A_60 {offsets = [11], sizes = [1], strides = [1]} : vector<16xf32> to vector<1xf32>
      %squeeze3A_1201 = vector.extract %slice3A_1200[0] : f32 from vector<1xf32>
      %get3A_1202 = arith.constant 59 : i32
      %get3A_1203 = arith.index_cast %get3A_1202 : i32 to index
      %get3A_1204 = arith.constant 16 : index
      %get3A_1205 = tpu.vector_load %arg9[%get3A_1203, %get3A_1204] {strides = array<i32>} : memref<64x64xf32, #tpu.memory_space<vmem>>, vector<16xf32>,
      %mul3A_1206 = vector.broadcast %squeeze3A_1201 : f32 to vector<16xf32>
      %mul3A_1207 = arith.mulf %mul3A_1206, %get3A_1205 : vector<16xf32>
      %add3A_1208 = arith.addf %add3A_1199, %mul3A_1207 : vector<16xf32>
      %slice3A_1209 = vector.extract_strided_slice %gather3A_60 {offsets = [12], sizes = [1], strides = [1]} : vector<16xf32> to vector<1xf32>
      %squeeze3A_1210 = vector.extract %slice3A_1209[0] : f32 from vector<1xf32>
      %get3A_1211 = arith.constant 60 : i32
      %get3A_1212 = arith.index_cast %get3A_1211 : i32 to index
      %get3A_1213 = arith.constant 16 : index
      %get3A_1214 = tpu.vector_load %arg9[%get3A_1212, %get3A_1213] {strides = array<i32>} : memref<64x64xf32, #tpu.memory_space<vmem>>, vector<16xf32>,
      %mul3A_1215 = vector.broadcast %squeeze3A_1210 : f32 to vector<16xf32>
      %mul3A_1216 = arith.mulf %mul3A_1215, %get3A_1214 : vector<16xf32>
      %add3A_1217 = arith.addf %add3A_1208, %mul3A_1216 : vector<16xf32>
      %slice3A_1218 = vector.extract_strided_slice %gather3A_60 {offsets = [13], sizes = [1], strides = [1]} : vector<16xf32> to vector<1xf32>
      %squeeze3A_1219 = vector.extract %slice3A_1218[0] : f32 from vector<1xf32>
      %get3A_1220 = arith.constant 61 : i32
      %get3A_1221 = arith.index_cast %get3A_1220 : i32 to index
      %get3A_1222 = arith.constant 16 : index
      %get3A_1223 = tpu.vector_load %arg9[%get3A_1221, %get3A_1222] {strides = array<i32>} : memref<64x64xf32, #tpu.memory_space<vmem>>, vector<16xf32>,
      %mul3A_1224 = vector.broadcast %squeeze3A_1219 : f32 to vector<16xf32>
      %mul3A_1225 = arith.mulf %mul3A_1224, %get3A_1223 : vector<16xf32>
      %add3A_1226 = arith.addf %add3A_1217, %mul3A_1225 : vector<16xf32>
      %slice3A_1227 = vector.extract_strided_slice %gather3A_60 {offsets = [14], sizes = [1], strides = [1]} : vector<16xf32> to vector<1xf32>
      %squeeze3A_1228 = vector.extract %slice3A_1227[0] : f32 from vector<1xf32>
      %get3A_1229 = arith.constant 62 : i32
      %get3A_1230 = arith.index_cast %get3A_1229 : i32 to index
      %get3A_1231 = arith.constant 16 : index
      %get3A_1232 = tpu.vector_load %arg9[%get3A_1230, %get3A_1231] {strides = array<i32>} : memref<64x64xf32, #tpu.memory_space<vmem>>, vector<16xf32>,
      %mul3A_1233 = vector.broadcast %squeeze3A_1228 : f32 to vector<16xf32>
      %mul3A_1234 = arith.mulf %mul3A_1233, %get3A_1232 : vector<16xf32>
      %add3A_1235 = arith.addf %add3A_1226, %mul3A_1234 : vector<16xf32>
      %slice3A_1236 = vector.extract_strided_slice %gather3A_60 {offsets = [15], sizes = [1], strides = [1]} : vector<16xf32> to vector<1xf32>
      %squeeze3A_1237 = vector.extract %slice3A_1236[0] : f32 from vector<1xf32>
      %get3A_1238 = arith.constant 63 : i32
      %get3A_1239 = arith.index_cast %get3A_1238 : i32 to index
      %get3A_1240 = arith.constant 16 : index
      %get3A_1241 = tpu.vector_load %arg9[%get3A_1239, %get3A_1240] {strides = array<i32>} : memref<64x64xf32, #tpu.memory_space<vmem>>, vector<16xf32>,
      %mul3A_1242 = vector.broadcast %squeeze3A_1237 : f32 to vector<16xf32>
      %mul3A_1243 = arith.mulf %mul3A_1242, %get3A_1241 : vector<16xf32>
      %add3A_1244 = arith.addf %add3A_1235, %mul3A_1243 : vector<16xf32>
      %mul3A_1245 = arith.mulf %add3A_1244, %gather3A_68 : vector<16xf32>
      %add3A_1246 = arith.addf %add3A_666, %mul3A_1245 : vector<16xf32>
      %broadcast_in_dim3A_1247 = arith.constant 0.000000e+00 : f32
      %broadcast_in_dim3A_1248 = vector.broadcast %broadcast_in_dim3A_1247 : f32 to vector<16xf32>
      %slice3A_1249 = vector.extract_strided_slice %gather3A {offsets = [0], sizes = [1], strides = [1]} : vector<16xf32> to vector<1xf32>
      %squeeze3A_1250 = vector.extract %slice3A_1249[0] : f32 from vector<1xf32>
      %get3A_1251 = arith.constant 0 : i32
      %get3A_1252 = arith.index_cast %get3A_1251 : i32 to index
      %get3A_1253 = arith.constant 32 : index
      %get3A_1254 = tpu.vector_load %arg9[%get3A_1252, %get3A_1253] {strides = array<i32>} : memref<64x64xf32, #tpu.memory_space<vmem>>, vector<16xf32>,
      %mul3A_1255 = vector.broadcast %squeeze3A_1250 : f32 to vector<16xf32>
      %mul3A_1256 = arith.mulf %mul3A_1255, %get3A_1254 : vector<16xf32>
      %add3A_1257 = arith.addf %broadcast_in_dim3A_1248, %mul3A_1256 : vector<16xf32>
      %slice3A_1258 = vector.extract_strided_slice %gather3A {offsets = [1], sizes = [1], strides = [1]} : vector<16xf32> to vector<1xf32>
      %squeeze3A_1259 = vector.extract %slice3A_1258[0] : f32 from vector<1xf32>
      %get3A_1260 = arith.constant 1 : i32
      %get3A_1261 = arith.index_cast %get3A_1260 : i32 to index
      %get3A_1262 = arith.constant 32 : index
      %get3A_1263 = tpu.vector_load %arg9[%get3A_1261, %get3A_1262] {strides = array<i32>} : memref<64x64xf32, #tpu.memory_space<vmem>>, vector<16xf32>,
      %mul3A_1264 = vector.broadcast %squeeze3A_1259 : f32 to vector<16xf32>
      %mul3A_1265 = arith.mulf %mul3A_1264, %get3A_1263 : vector<16xf32>
      %add3A_1266 = arith.addf %add3A_1257, %mul3A_1265 : vector<16xf32>
      %slice3A_1267 = vector.extract_strided_slice %gather3A {offsets = [2], sizes = [1], strides = [1]} : vector<16xf32> to vector<1xf32>
      %squeeze3A_1268 = vector.extract %slice3A_1267[0] : f32 from vector<1xf32>
      %get3A_1269 = arith.constant 2 : i32
      %get3A_1270 = arith.index_cast %get3A_1269 : i32 to index
      %get3A_1271 = arith.constant 32 : index
      %get3A_1272 = tpu.vector_load %arg9[%get3A_1270, %get3A_1271] {strides = array<i32>} : memref<64x64xf32, #tpu.memory_space<vmem>>, vector<16xf32>,
      %mul3A_1273 = vector.broadcast %squeeze3A_1268 : f32 to vector<16xf32>
      %mul3A_1274 = arith.mulf %mul3A_1273, %get3A_1272 : vector<16xf32>
      %add3A_1275 = arith.addf %add3A_1266, %mul3A_1274 : vector<16xf32>
      %slice3A_1276 = vector.extract_strided_slice %gather3A {offsets = [3], sizes = [1], strides = [1]} : vector<16xf32> to vector<1xf32>
      %squeeze3A_1277 = vector.extract %slice3A_1276[0] : f32 from vector<1xf32>
      %get3A_1278 = arith.constant 3 : i32
      %get3A_1279 = arith.index_cast %get3A_1278 : i32 to index
      %get3A_1280 = arith.constant 32 : index
      %get3A_1281 = tpu.vector_load %arg9[%get3A_1279, %get3A_1280] {strides = array<i32>} : memref<64x64xf32, #tpu.memory_space<vmem>>, vector<16xf32>,
      %mul3A_1282 = vector.broadcast %squeeze3A_1277 : f32 to vector<16xf32>
      %mul3A_1283 = arith.mulf %mul3A_1282, %get3A_1281 : vector<16xf32>
      %add3A_1284 = arith.addf %add3A_1275, %mul3A_1283 : vector<16xf32>
      %slice3A_1285 = vector.extract_strided_slice %gather3A {offsets = [4], sizes = [1], strides = [1]} : vector<16xf32> to vector<1xf32>
      %squeeze3A_1286 = vector.extract %slice3A_1285[0] : f32 from vector<1xf32>
      %get3A_1287 = arith.constant 4 : i32
      %get3A_1288 = arith.index_cast %get3A_1287 : i32 to index
      %get3A_1289 = arith.constant 32 : index
      %get3A_1290 = tpu.vector_load %arg9[%get3A_1288, %get3A_1289] {strides = array<i32>} : memref<64x64xf32, #tpu.memory_space<vmem>>, vector<16xf32>,
      %mul3A_1291 = vector.broadcast %squeeze3A_1286 : f32 to vector<16xf32>
      %mul3A_1292 = arith.mulf %mul3A_1291, %get3A_1290 : vector<16xf32>
      %add3A_1293 = arith.addf %add3A_1284, %mul3A_1292 : vector<16xf32>
      %slice3A_1294 = vector.extract_strided_slice %gather3A {offsets = [5], sizes = [1], strides = [1]} : vector<16xf32> to vector<1xf32>
      %squeeze3A_1295 = vector.extract %slice3A_1294[0] : f32 from vector<1xf32>
      %get3A_1296 = arith.constant 5 : i32
      %get3A_1297 = arith.index_cast %get3A_1296 : i32 to index
      %get3A_1298 = arith.constant 32 : index
      %get3A_1299 = tpu.vector_load %arg9[%get3A_1297, %get3A_1298] {strides = array<i32>} : memref<64x64xf32, #tpu.memory_space<vmem>>, vector<16xf32>,
      %mul3A_1300 = vector.broadcast %squeeze3A_1295 : f32 to vector<16xf32>
      %mul3A_1301 = arith.mulf %mul3A_1300, %get3A_1299 : vector<16xf32>
      %add3A_1302 = arith.addf %add3A_1293, %mul3A_1301 : vector<16xf32>
      %slice3A_1303 = vector.extract_strided_slice %gather3A {offsets = [6], sizes = [1], strides = [1]} : vector<16xf32> to vector<1xf32>
      %squeeze3A_1304 = vector.extract %slice3A_1303[0] : f32 from vector<1xf32>
      %get3A_1305 = arith.constant 6 : i32
      %get3A_1306 = arith.index_cast %get3A_1305 : i32 to index
      %get3A_1307 = arith.constant 32 : index
      %get3A_1308 = tpu.vector_load %arg9[%get3A_1306, %get3A_1307] {strides = array<i32>} : memref<64x64xf32, #tpu.memory_space<vmem>>, vector<16xf32>,
      %mul3A_1309 = vector.broadcast %squeeze3A_1304 : f32 to vector<16xf32>
      %mul3A_1310 = arith.mulf %mul3A_1309, %get3A_1308 : vector<16xf32>
      %add3A_1311 = arith.addf %add3A_1302, %mul3A_1310 : vector<16xf32>
      %slice3A_1312 = vector.extract_strided_slice %gather3A {offsets = [7], sizes = [1], strides = [1]} : vector<16xf32> to vector<1xf32>
      %squeeze3A_1313 = vector.extract %slice3A_1312[0] : f32 from vector<1xf32>
      %get3A_1314 = arith.constant 7 : i32
      %get3A_1315 = arith.index_cast %get3A_1314 : i32 to index
      %get3A_1316 = arith.constant 32 : index
      %get3A_1317 = tpu.vector_load %arg9[%get3A_1315, %get3A_1316] {strides = array<i32>} : memref<64x64xf32, #tpu.memory_space<vmem>>, vector<16xf32>,
      %mul3A_1318 = vector.broadcast %squeeze3A_1313 : f32 to vector<16xf32>
      %mul3A_1319 = arith.mulf %mul3A_1318, %get3A_1317 : vector<16xf32>
      %add3A_1320 = arith.addf %add3A_1311, %mul3A_1319 : vector<16xf32>
      %slice3A_1321 = vector.extract_strided_slice %gather3A {offsets = [8], sizes = [1], strides = [1]} : vector<16xf32> to vector<1xf32>
      %squeeze3A_1322 = vector.extract %slice3A_1321[0] : f32 from vector<1xf32>
      %get3A_1323 = arith.constant 8 : i32
      %get3A_1324 = arith.index_cast %get3A_1323 : i32 to index
      %get3A_1325 = arith.constant 32 : index
      %get3A_1326 = tpu.vector_load %arg9[%get3A_1324, %get3A_1325] {strides = array<i32>} : memref<64x64xf32, #tpu.memory_space<vmem>>, vector<16xf32>,
      %mul3A_1327 = vector.broadcast %squeeze3A_1322 : f32 to vector<16xf32>
      %mul3A_1328 = arith.mulf %mul3A_1327, %get3A_1326 : vector<16xf32>
      %add3A_1329 = arith.addf %add3A_1320, %mul3A_1328 : vector<16xf32>
      %slice3A_1330 = vector.extract_strided_slice %gather3A {offsets = [9], sizes = [1], strides = [1]} : vector<16xf32> to vector<1xf32>
      %squeeze3A_1331 = vector.extract %slice3A_1330[0] : f32 from vector<1xf32>
      %get3A_1332 = arith.constant 9 : i32
      %get3A_1333 = arith.index_cast %get3A_1332 : i32 to index
      %get3A_1334 = arith.constant 32 : index
      %get3A_1335 = tpu.vector_load %arg9[%get3A_1333, %get3A_1334] {strides = array<i32>} : memref<64x64xf32, #tpu.memory_space<vmem>>, vector<16xf32>,
      %mul3A_1336 = vector.broadcast %squeeze3A_1331 : f32 to vector<16xf32>
      %mul3A_1337 = arith.mulf %mul3A_1336, %get3A_1335 : vector<16xf32>
      %add3A_1338 = arith.addf %add3A_1329, %mul3A_1337 : vector<16xf32>
      %slice3A_1339 = vector.extract_strided_slice %gather3A {offsets = [10], sizes = [1], strides = [1]} : vector<16xf32> to vector<1xf32>
      %squeeze3A_1340 = vector.extract %slice3A_1339[0] : f32 from vector<1xf32>
      %get3A_1341 = arith.constant 10 : i32
      %get3A_1342 = arith.index_cast %get3A_1341 : i32 to index
      %get3A_1343 = arith.constant 32 : index
      %get3A_1344 = tpu.vector_load %arg9[%get3A_1342, %get3A_1343] {strides = array<i32>} : memref<64x64xf32, #tpu.memory_space<vmem>>, vector<16xf32>,
      %mul3A_1345 = vector.broadcast %squeeze3A_1340 : f32 to vector<16xf32>
      %mul3A_1346 = arith.mulf %mul3A_1345, %get3A_1344 : vector<16xf32>
      %add3A_1347 = arith.addf %add3A_1338, %mul3A_1346 : vector<16xf32>
      %slice3A_1348 = vector.extract_strided_slice %gather3A {offsets = [11], sizes = [1], strides = [1]} : vector<16xf32> to vector<1xf32>
      %squeeze3A_1349 = vector.extract %slice3A_1348[0] : f32 from vector<1xf32>
      %get3A_1350 = arith.constant 11 : i32
      %get3A_1351 = arith.index_cast %get3A_1350 : i32 to index
      %get3A_1352 = arith.constant 32 : index
      %get3A_1353 = tpu.vector_load %arg9[%get3A_1351, %get3A_1352] {strides = array<i32>} : memref<64x64xf32, #tpu.memory_space<vmem>>, vector<16xf32>,
      %mul3A_1354 = vector.broadcast %squeeze3A_1349 : f32 to vector<16xf32>
      %mul3A_1355 = arith.mulf %mul3A_1354, %get3A_1353 : vector<16xf32>
      %add3A_1356 = arith.addf %add3A_1347, %mul3A_1355 : vector<16xf32>
      %slice3A_1357 = vector.extract_strided_slice %gather3A {offsets = [12], sizes = [1], strides = [1]} : vector<16xf32> to vector<1xf32>
      %squeeze3A_1358 = vector.extract %slice3A_1357[0] : f32 from vector<1xf32>
      %get3A_1359 = arith.constant 12 : i32
      %get3A_1360 = arith.index_cast %get3A_1359 : i32 to index
      %get3A_1361 = arith.constant 32 : index
      %get3A_1362 = tpu.vector_load %arg9[%get3A_1360, %get3A_1361] {strides = array<i32>} : memref<64x64xf32, #tpu.memory_space<vmem>>, vector<16xf32>,
      %mul3A_1363 = vector.broadcast %squeeze3A_1358 : f32 to vector<16xf32>
      %mul3A_1364 = arith.mulf %mul3A_1363, %get3A_1362 : vector<16xf32>
      %add3A_1365 = arith.addf %add3A_1356, %mul3A_1364 : vector<16xf32>
      %slice3A_1366 = vector.extract_strided_slice %gather3A {offsets = [13], sizes = [1], strides = [1]} : vector<16xf32> to vector<1xf32>
      %squeeze3A_1367 = vector.extract %slice3A_1366[0] : f32 from vector<1xf32>
      %get3A_1368 = arith.constant 13 : i32
      %get3A_1369 = arith.index_cast %get3A_1368 : i32 to index
      %get3A_1370 = arith.constant 32 : index
      %get3A_1371 = tpu.vector_load %arg9[%get3A_1369, %get3A_1370] {strides = array<i32>} : memref<64x64xf32, #tpu.memory_space<vmem>>, vector<16xf32>,
      %mul3A_1372 = vector.broadcast %squeeze3A_1367 : f32 to vector<16xf32>
      %mul3A_1373 = arith.mulf %mul3A_1372, %get3A_1371 : vector<16xf32>
      %add3A_1374 = arith.addf %add3A_1365, %mul3A_1373 : vector<16xf32>
      %slice3A_1375 = vector.extract_strided_slice %gather3A {offsets = [14], sizes = [1], strides = [1]} : vector<16xf32> to vector<1xf32>
      %squeeze3A_1376 = vector.extract %slice3A_1375[0] : f32 from vector<1xf32>
      %get3A_1377 = arith.constant 14 : i32
      %get3A_1378 = arith.index_cast %get3A_1377 : i32 to index
      %get3A_1379 = arith.constant 32 : index
      %get3A_1380 = tpu.vector_load %arg9[%get3A_1378, %get3A_1379] {strides = array<i32>} : memref<64x64xf32, #tpu.memory_space<vmem>>, vector<16xf32>,
      %mul3A_1381 = vector.broadcast %squeeze3A_1376 : f32 to vector<16xf32>
      %mul3A_1382 = arith.mulf %mul3A_1381, %get3A_1380 : vector<16xf32>
      %add3A_1383 = arith.addf %add3A_1374, %mul3A_1382 : vector<16xf32>
      %slice3A_1384 = vector.extract_strided_slice %gather3A {offsets = [15], sizes = [1], strides = [1]} : vector<16xf32> to vector<1xf32>
      %squeeze3A_1385 = vector.extract %slice3A_1384[0] : f32 from vector<1xf32>
      %get3A_1386 = arith.constant 15 : i32
      %get3A_1387 = arith.index_cast %get3A_1386 : i32 to index
      %get3A_1388 = arith.constant 32 : index
      %get3A_1389 = tpu.vector_load %arg9[%get3A_1387, %get3A_1388] {strides = array<i32>} : memref<64x64xf32, #tpu.memory_space<vmem>>, vector<16xf32>,
      %mul3A_1390 = vector.broadcast %squeeze3A_1385 : f32 to vector<16xf32>
      %mul3A_1391 = arith.mulf %mul3A_1390, %get3A_1389 : vector<16xf32>
      %add3A_1392 = arith.addf %add3A_1383, %mul3A_1391 : vector<16xf32>
      %slice3A_1393 = vector.extract_strided_slice %gather3A_52 {offsets = [0], sizes = [1], strides = [1]} : vector<16xf32> to vector<1xf32>
      %squeeze3A_1394 = vector.extract %slice3A_1393[0] : f32 from vector<1xf32>
      %get3A_1395 = arith.constant 16 : i32
      %get3A_1396 = arith.index_cast %get3A_1395 : i32 to index
      %get3A_1397 = arith.constant 32 : index
      %get3A_1398 = tpu.vector_load %arg9[%get3A_1396, %get3A_1397] {strides = array<i32>} : memref<64x64xf32, #tpu.memory_space<vmem>>, vector<16xf32>,
      %mul3A_1399 = vector.broadcast %squeeze3A_1394 : f32 to vector<16xf32>
      %mul3A_1400 = arith.mulf %mul3A_1399, %get3A_1398 : vector<16xf32>
      %add3A_1401 = arith.addf %add3A_1392, %mul3A_1400 : vector<16xf32>
      %slice3A_1402 = vector.extract_strided_slice %gather3A_52 {offsets = [1], sizes = [1], strides = [1]} : vector<16xf32> to vector<1xf32>
      %squeeze3A_1403 = vector.extract %slice3A_1402[0] : f32 from vector<1xf32>
      %get3A_1404 = arith.constant 17 : i32
      %get3A_1405 = arith.index_cast %get3A_1404 : i32 to index
      %get3A_1406 = arith.constant 32 : index
      %get3A_1407 = tpu.vector_load %arg9[%get3A_1405, %get3A_1406] {strides = array<i32>} : memref<64x64xf32, #tpu.memory_space<vmem>>, vector<16xf32>,
      %mul3A_1408 = vector.broadcast %squeeze3A_1403 : f32 to vector<16xf32>
      %mul3A_1409 = arith.mulf %mul3A_1408, %get3A_1407 : vector<16xf32>
      %add3A_1410 = arith.addf %add3A_1401, %mul3A_1409 : vector<16xf32>
      %slice3A_1411 = vector.extract_strided_slice %gather3A_52 {offsets = [2], sizes = [1], strides = [1]} : vector<16xf32> to vector<1xf32>
      %squeeze3A_1412 = vector.extract %slice3A_1411[0] : f32 from vector<1xf32>
      %get3A_1413 = arith.constant 18 : i32
      %get3A_1414 = arith.index_cast %get3A_1413 : i32 to index
      %get3A_1415 = arith.constant 32 : index
      %get3A_1416 = tpu.vector_load %arg9[%get3A_1414, %get3A_1415] {strides = array<i32>} : memref<64x64xf32, #tpu.memory_space<vmem>>, vector<16xf32>,
      %mul3A_1417 = vector.broadcast %squeeze3A_1412 : f32 to vector<16xf32>
      %mul3A_1418 = arith.mulf %mul3A_1417, %get3A_1416 : vector<16xf32>
      %add3A_1419 = arith.addf %add3A_1410, %mul3A_1418 : vector<16xf32>
      %slice3A_1420 = vector.extract_strided_slice %gather3A_52 {offsets = [3], sizes = [1], strides = [1]} : vector<16xf32> to vector<1xf32>
      %squeeze3A_1421 = vector.extract %slice3A_1420[0] : f32 from vector<1xf32>
      %get3A_1422 = arith.constant 19 : i32
      %get3A_1423 = arith.index_cast %get3A_1422 : i32 to index
      %get3A_1424 = arith.constant 32 : index
      %get3A_1425 = tpu.vector_load %arg9[%get3A_1423, %get3A_1424] {strides = array<i32>} : memref<64x64xf32, #tpu.memory_space<vmem>>, vector<16xf32>,
      %mul3A_1426 = vector.broadcast %squeeze3A_1421 : f32 to vector<16xf32>
      %mul3A_1427 = arith.mulf %mul3A_1426, %get3A_1425 : vector<16xf32>
      %add3A_1428 = arith.addf %add3A_1419, %mul3A_1427 : vector<16xf32>
      %slice3A_1429 = vector.extract_strided_slice %gather3A_52 {offsets = [4], sizes = [1], strides = [1]} : vector<16xf32> to vector<1xf32>
      %squeeze3A_1430 = vector.extract %slice3A_1429[0] : f32 from vector<1xf32>
      %get3A_1431 = arith.constant 20 : i32
      %get3A_1432 = arith.index_cast %get3A_1431 : i32 to index
      %get3A_1433 = arith.constant 32 : index
      %get3A_1434 = tpu.vector_load %arg9[%get3A_1432, %get3A_1433] {strides = array<i32>} : memref<64x64xf32, #tpu.memory_space<vmem>>, vector<16xf32>,
      %mul3A_1435 = vector.broadcast %squeeze3A_1430 : f32 to vector<16xf32>
      %mul3A_1436 = arith.mulf %mul3A_1435, %get3A_1434 : vector<16xf32>
      %add3A_1437 = arith.addf %add3A_1428, %mul3A_1436 : vector<16xf32>
      %slice3A_1438 = vector.extract_strided_slice %gather3A_52 {offsets = [5], sizes = [1], strides = [1]} : vector<16xf32> to vector<1xf32>
      %squeeze3A_1439 = vector.extract %slice3A_1438[0] : f32 from vector<1xf32>
      %get3A_1440 = arith.constant 21 : i32
      %get3A_1441 = arith.index_cast %get3A_1440 : i32 to index
      %get3A_1442 = arith.constant 32 : index
      %get3A_1443 = tpu.vector_load %arg9[%get3A_1441, %get3A_1442] {strides = array<i32>} : memref<64x64xf32, #tpu.memory_space<vmem>>, vector<16xf32>,
      %mul3A_1444 = vector.broadcast %squeeze3A_1439 : f32 to vector<16xf32>
      %mul3A_1445 = arith.mulf %mul3A_1444, %get3A_1443 : vector<16xf32>
      %add3A_1446 = arith.addf %add3A_1437, %mul3A_1445 : vector<16xf32>
      %slice3A_1447 = vector.extract_strided_slice %gather3A_52 {offsets = [6], sizes = [1], strides = [1]} : vector<16xf32> to vector<1xf32>
      %squeeze3A_1448 = vector.extract %slice3A_1447[0] : f32 from vector<1xf32>
      %get3A_1449 = arith.constant 22 : i32
      %get3A_1450 = arith.index_cast %get3A_1449 : i32 to index
      %get3A_1451 = arith.constant 32 : index
      %get3A_1452 = tpu.vector_load %arg9[%get3A_1450, %get3A_1451] {strides = array<i32>} : memref<64x64xf32, #tpu.memory_space<vmem>>, vector<16xf32>,
      %mul3A_1453 = vector.broadcast %squeeze3A_1448 : f32 to vector<16xf32>
      %mul3A_1454 = arith.mulf %mul3A_1453, %get3A_1452 : vector<16xf32>
      %add3A_1455 = arith.addf %add3A_1446, %mul3A_1454 : vector<16xf32>
      %slice3A_1456 = vector.extract_strided_slice %gather3A_52 {offsets = [7], sizes = [1], strides = [1]} : vector<16xf32> to vector<1xf32>
      %squeeze3A_1457 = vector.extract %slice3A_1456[0] : f32 from vector<1xf32>
      %get3A_1458 = arith.constant 23 : i32
      %get3A_1459 = arith.index_cast %get3A_1458 : i32 to index
      %get3A_1460 = arith.constant 32 : index
      %get3A_1461 = tpu.vector_load %arg9[%get3A_1459, %get3A_1460] {strides = array<i32>} : memref<64x64xf32, #tpu.memory_space<vmem>>, vector<16xf32>,
      %mul3A_1462 = vector.broadcast %squeeze3A_1457 : f32 to vector<16xf32>
      %mul3A_1463 = arith.mulf %mul3A_1462, %get3A_1461 : vector<16xf32>
      %add3A_1464 = arith.addf %add3A_1455, %mul3A_1463 : vector<16xf32>
      %slice3A_1465 = vector.extract_strided_slice %gather3A_52 {offsets = [8], sizes = [1], strides = [1]} : vector<16xf32> to vector<1xf32>
      %squeeze3A_1466 = vector.extract %slice3A_1465[0] : f32 from vector<1xf32>
      %get3A_1467 = arith.constant 24 : i32
      %get3A_1468 = arith.index_cast %get3A_1467 : i32 to index
      %get3A_1469 = arith.constant 32 : index
      %get3A_1470 = tpu.vector_load %arg9[%get3A_1468, %get3A_1469] {strides = array<i32>} : memref<64x64xf32, #tpu.memory_space<vmem>>, vector<16xf32>,
      %mul3A_1471 = vector.broadcast %squeeze3A_1466 : f32 to vector<16xf32>
      %mul3A_1472 = arith.mulf %mul3A_1471, %get3A_1470 : vector<16xf32>
      %add3A_1473 = arith.addf %add3A_1464, %mul3A_1472 : vector<16xf32>
      %slice3A_1474 = vector.extract_strided_slice %gather3A_52 {offsets = [9], sizes = [1], strides = [1]} : vector<16xf32> to vector<1xf32>
      %squeeze3A_1475 = vector.extract %slice3A_1474[0] : f32 from vector<1xf32>
      %get3A_1476 = arith.constant 25 : i32
      %get3A_1477 = arith.index_cast %get3A_1476 : i32 to index
      %get3A_1478 = arith.constant 32 : index
      %get3A_1479 = tpu.vector_load %arg9[%get3A_1477, %get3A_1478] {strides = array<i32>} : memref<64x64xf32, #tpu.memory_space<vmem>>, vector<16xf32>,
      %mul3A_1480 = vector.broadcast %squeeze3A_1475 : f32 to vector<16xf32>
      %mul3A_1481 = arith.mulf %mul3A_1480, %get3A_1479 : vector<16xf32>
      %add3A_1482 = arith.addf %add3A_1473, %mul3A_1481 : vector<16xf32>
      %slice3A_1483 = vector.extract_strided_slice %gather3A_52 {offsets = [10], sizes = [1], strides = [1]} : vector<16xf32> to vector<1xf32>
      %squeeze3A_1484 = vector.extract %slice3A_1483[0] : f32 from vector<1xf32>
      %get3A_1485 = arith.constant 26 : i32
      %get3A_1486 = arith.index_cast %get3A_1485 : i32 to index
      %get3A_1487 = arith.constant 32 : index
      %get3A_1488 = tpu.vector_load %arg9[%get3A_1486, %get3A_1487] {strides = array<i32>} : memref<64x64xf32, #tpu.memory_space<vmem>>, vector<16xf32>,
      %mul3A_1489 = vector.broadcast %squeeze3A_1484 : f32 to vector<16xf32>
      %mul3A_1490 = arith.mulf %mul3A_1489, %get3A_1488 : vector<16xf32>
      %add3A_1491 = arith.addf %add3A_1482, %mul3A_1490 : vector<16xf32>
      %slice3A_1492 = vector.extract_strided_slice %gather3A_52 {offsets = [11], sizes = [1], strides = [1]} : vector<16xf32> to vector<1xf32>
      %squeeze3A_1493 = vector.extract %slice3A_1492[0] : f32 from vector<1xf32>
      %get3A_1494 = arith.constant 27 : i32
      %get3A_1495 = arith.index_cast %get3A_1494 : i32 to index
      %get3A_1496 = arith.constant 32 : index
      %get3A_1497 = tpu.vector_load %arg9[%get3A_1495, %get3A_1496] {strides = array<i32>} : memref<64x64xf32, #tpu.memory_space<vmem>>, vector<16xf32>,
      %mul3A_1498 = vector.broadcast %squeeze3A_1493 : f32 to vector<16xf32>
      %mul3A_1499 = arith.mulf %mul3A_1498, %get3A_1497 : vector<16xf32>
      %add3A_1500 = arith.addf %add3A_1491, %mul3A_1499 : vector<16xf32>
      %slice3A_1501 = vector.extract_strided_slice %gather3A_52 {offsets = [12], sizes = [1], strides = [1]} : vector<16xf32> to vector<1xf32>
      %squeeze3A_1502 = vector.extract %slice3A_1501[0] : f32 from vector<1xf32>
      %get3A_1503 = arith.constant 28 : i32
      %get3A_1504 = arith.index_cast %get3A_1503 : i32 to index
      %get3A_1505 = arith.constant 32 : index
      %get3A_1506 = tpu.vector_load %arg9[%get3A_1504, %get3A_1505] {strides = array<i32>} : memref<64x64xf32, #tpu.memory_space<vmem>>, vector<16xf32>,
      %mul3A_1507 = vector.broadcast %squeeze3A_1502 : f32 to vector<16xf32>
      %mul3A_1508 = arith.mulf %mul3A_1507, %get3A_1506 : vector<16xf32>
      %add3A_1509 = arith.addf %add3A_1500, %mul3A_1508 : vector<16xf32>
      %slice3A_1510 = vector.extract_strided_slice %gather3A_52 {offsets = [13], sizes = [1], strides = [1]} : vector<16xf32> to vector<1xf32>
      %squeeze3A_1511 = vector.extract %slice3A_1510[0] : f32 from vector<1xf32>
      %get3A_1512 = arith.constant 29 : i32
      %get3A_1513 = arith.index_cast %get3A_1512 : i32 to index
      %get3A_1514 = arith.constant 32 : index
      %get3A_1515 = tpu.vector_load %arg9[%get3A_1513, %get3A_1514] {strides = array<i32>} : memref<64x64xf32, #tpu.memory_space<vmem>>, vector<16xf32>,
      %mul3A_1516 = vector.broadcast %squeeze3A_1511 : f32 to vector<16xf32>
      %mul3A_1517 = arith.mulf %mul3A_1516, %get3A_1515 : vector<16xf32>
      %add3A_1518 = arith.addf %add3A_1509, %mul3A_1517 : vector<16xf32>
      %slice3A_1519 = vector.extract_strided_slice %gather3A_52 {offsets = [14], sizes = [1], strides = [1]} : vector<16xf32> to vector<1xf32>
      %squeeze3A_1520 = vector.extract %slice3A_1519[0] : f32 from vector<1xf32>
      %get3A_1521 = arith.constant 30 : i32
      %get3A_1522 = arith.index_cast %get3A_1521 : i32 to index
      %get3A_1523 = arith.constant 32 : index
      %get3A_1524 = tpu.vector_load %arg9[%get3A_1522, %get3A_1523] {strides = array<i32>} : memref<64x64xf32, #tpu.memory_space<vmem>>, vector<16xf32>,
      %mul3A_1525 = vector.broadcast %squeeze3A_1520 : f32 to vector<16xf32>
      %mul3A_1526 = arith.mulf %mul3A_1525, %get3A_1524 : vector<16xf32>
      %add3A_1527 = arith.addf %add3A_1518, %mul3A_1526 : vector<16xf32>
      %slice3A_1528 = vector.extract_strided_slice %gather3A_52 {offsets = [15], sizes = [1], strides = [1]} : vector<16xf32> to vector<1xf32>
      %squeeze3A_1529 = vector.extract %slice3A_1528[0] : f32 from vector<1xf32>
      %get3A_1530 = arith.constant 31 : i32
      %get3A_1531 = arith.index_cast %get3A_1530 : i32 to index
      %get3A_1532 = arith.constant 32 : index
      %get3A_1533 = tpu.vector_load %arg9[%get3A_1531, %get3A_1532] {strides = array<i32>} : memref<64x64xf32, #tpu.memory_space<vmem>>, vector<16xf32>,
      %mul3A_1534 = vector.broadcast %squeeze3A_1529 : f32 to vector<16xf32>
      %mul3A_1535 = arith.mulf %mul3A_1534, %get3A_1533 : vector<16xf32>
      %add3A_1536 = arith.addf %add3A_1527, %mul3A_1535 : vector<16xf32>
      %slice3A_1537 = vector.extract_strided_slice %gather3A_56 {offsets = [0], sizes = [1], strides = [1]} : vector<16xf32> to vector<1xf32>
      %squeeze3A_1538 = vector.extract %slice3A_1537[0] : f32 from vector<1xf32>
      %get3A_1539 = arith.constant 32 : i32
      %get3A_1540 = arith.index_cast %get3A_1539 : i32 to index
      %get3A_1541 = arith.constant 32 : index
      %get3A_1542 = tpu.vector_load %arg9[%get3A_1540, %get3A_1541] {strides = array<i32>} : memref<64x64xf32, #tpu.memory_space<vmem>>, vector<16xf32>,
      %mul3A_1543 = vector.broadcast %squeeze3A_1538 : f32 to vector<16xf32>
      %mul3A_1544 = arith.mulf %mul3A_1543, %get3A_1542 : vector<16xf32>
      %add3A_1545 = arith.addf %add3A_1536, %mul3A_1544 : vector<16xf32>
      %slice3A_1546 = vector.extract_strided_slice %gather3A_56 {offsets = [1], sizes = [1], strides = [1]} : vector<16xf32> to vector<1xf32>
      %squeeze3A_1547 = vector.extract %slice3A_1546[0] : f32 from vector<1xf32>
      %get3A_1548 = arith.constant 33 : i32
      %get3A_1549 = arith.index_cast %get3A_1548 : i32 to index
      %get3A_1550 = arith.constant 32 : index
      %get3A_1551 = tpu.vector_load %arg9[%get3A_1549, %get3A_1550] {strides = array<i32>} : memref<64x64xf32, #tpu.memory_space<vmem>>, vector<16xf32>,
      %mul3A_1552 = vector.broadcast %squeeze3A_1547 : f32 to vector<16xf32>
      %mul3A_1553 = arith.mulf %mul3A_1552, %get3A_1551 : vector<16xf32>
      %add3A_1554 = arith.addf %add3A_1545, %mul3A_1553 : vector<16xf32>
      %slice3A_1555 = vector.extract_strided_slice %gather3A_56 {offsets = [2], sizes = [1], strides = [1]} : vector<16xf32> to vector<1xf32>
      %squeeze3A_1556 = vector.extract %slice3A_1555[0] : f32 from vector<1xf32>
      %get3A_1557 = arith.constant 34 : i32
      %get3A_1558 = arith.index_cast %get3A_1557 : i32 to index
      %get3A_1559 = arith.constant 32 : index
      %get3A_1560 = tpu.vector_load %arg9[%get3A_1558, %get3A_1559] {strides = array<i32>} : memref<64x64xf32, #tpu.memory_space<vmem>>, vector<16xf32>,
      %mul3A_1561 = vector.broadcast %squeeze3A_1556 : f32 to vector<16xf32>
      %mul3A_1562 = arith.mulf %mul3A_1561, %get3A_1560 : vector<16xf32>
      %add3A_1563 = arith.addf %add3A_1554, %mul3A_1562 : vector<16xf32>
      %slice3A_1564 = vector.extract_strided_slice %gather3A_56 {offsets = [3], sizes = [1], strides = [1]} : vector<16xf32> to vector<1xf32>
      %squeeze3A_1565 = vector.extract %slice3A_1564[0] : f32 from vector<1xf32>
      %get3A_1566 = arith.constant 35 : i32
      %get3A_1567 = arith.index_cast %get3A_1566 : i32 to index
      %get3A_1568 = arith.constant 32 : index
      %get3A_1569 = tpu.vector_load %arg9[%get3A_1567, %get3A_1568] {strides = array<i32>} : memref<64x64xf32, #tpu.memory_space<vmem>>, vector<16xf32>,
      %mul3A_1570 = vector.broadcast %squeeze3A_1565 : f32 to vector<16xf32>
      %mul3A_1571 = arith.mulf %mul3A_1570, %get3A_1569 : vector<16xf32>
      %add3A_1572 = arith.addf %add3A_1563, %mul3A_1571 : vector<16xf32>
      %slice3A_1573 = vector.extract_strided_slice %gather3A_56 {offsets = [4], sizes = [1], strides = [1]} : vector<16xf32> to vector<1xf32>
      %squeeze3A_1574 = vector.extract %slice3A_1573[0] : f32 from vector<1xf32>
      %get3A_1575 = arith.constant 36 : i32
      %get3A_1576 = arith.index_cast %get3A_1575 : i32 to index
      %get3A_1577 = arith.constant 32 : index
      %get3A_1578 = tpu.vector_load %arg9[%get3A_1576, %get3A_1577] {strides = array<i32>} : memref<64x64xf32, #tpu.memory_space<vmem>>, vector<16xf32>,
      %mul3A_1579 = vector.broadcast %squeeze3A_1574 : f32 to vector<16xf32>
      %mul3A_1580 = arith.mulf %mul3A_1579, %get3A_1578 : vector<16xf32>
      %add3A_1581 = arith.addf %add3A_1572, %mul3A_1580 : vector<16xf32>
      %slice3A_1582 = vector.extract_strided_slice %gather3A_56 {offsets = [5], sizes = [1], strides = [1]} : vector<16xf32> to vector<1xf32>
      %squeeze3A_1583 = vector.extract %slice3A_1582[0] : f32 from vector<1xf32>
      %get3A_1584 = arith.constant 37 : i32
      %get3A_1585 = arith.index_cast %get3A_1584 : i32 to index
      %get3A_1586 = arith.constant 32 : index
      %get3A_1587 = tpu.vector_load %arg9[%get3A_1585, %get3A_1586] {strides = array<i32>} : memref<64x64xf32, #tpu.memory_space<vmem>>, vector<16xf32>,
      %mul3A_1588 = vector.broadcast %squeeze3A_1583 : f32 to vector<16xf32>
      %mul3A_1589 = arith.mulf %mul3A_1588, %get3A_1587 : vector<16xf32>
      %add3A_1590 = arith.addf %add3A_1581, %mul3A_1589 : vector<16xf32>
      %slice3A_1591 = vector.extract_strided_slice %gather3A_56 {offsets = [6], sizes = [1], strides = [1]} : vector<16xf32> to vector<1xf32>
      %squeeze3A_1592 = vector.extract %slice3A_1591[0] : f32 from vector<1xf32>
      %get3A_1593 = arith.constant 38 : i32
      %get3A_1594 = arith.index_cast %get3A_1593 : i32 to index
      %get3A_1595 = arith.constant 32 : index
      %get3A_1596 = tpu.vector_load %arg9[%get3A_1594, %get3A_1595] {strides = array<i32>} : memref<64x64xf32, #tpu.memory_space<vmem>>, vector<16xf32>,
      %mul3A_1597 = vector.broadcast %squeeze3A_1592 : f32 to vector<16xf32>
      %mul3A_1598 = arith.mulf %mul3A_1597, %get3A_1596 : vector<16xf32>
      %add3A_1599 = arith.addf %add3A_1590, %mul3A_1598 : vector<16xf32>
      %slice3A_1600 = vector.extract_strided_slice %gather3A_56 {offsets = [7], sizes = [1], strides = [1]} : vector<16xf32> to vector<1xf32>
      %squeeze3A_1601 = vector.extract %slice3A_1600[0] : f32 from vector<1xf32>
      %get3A_1602 = arith.constant 39 : i32
      %get3A_1603 = arith.index_cast %get3A_1602 : i32 to index
      %get3A_1604 = arith.constant 32 : index
      %get3A_1605 = tpu.vector_load %arg9[%get3A_1603, %get3A_1604] {strides = array<i32>} : memref<64x64xf32, #tpu.memory_space<vmem>>, vector<16xf32>,
      %mul3A_1606 = vector.broadcast %squeeze3A_1601 : f32 to vector<16xf32>
      %mul3A_1607 = arith.mulf %mul3A_1606, %get3A_1605 : vector<16xf32>
      %add3A_1608 = arith.addf %add3A_1599, %mul3A_1607 : vector<16xf32>
      %slice3A_1609 = vector.extract_strided_slice %gather3A_56 {offsets = [8], sizes = [1], strides = [1]} : vector<16xf32> to vector<1xf32>
      %squeeze3A_1610 = vector.extract %slice3A_1609[0] : f32 from vector<1xf32>
      %get3A_1611 = arith.constant 40 : i32
      %get3A_1612 = arith.index_cast %get3A_1611 : i32 to index
      %get3A_1613 = arith.constant 32 : index
      %get3A_1614 = tpu.vector_load %arg9[%get3A_1612, %get3A_1613] {strides = array<i32>} : memref<64x64xf32, #tpu.memory_space<vmem>>, vector<16xf32>,
      %mul3A_1615 = vector.broadcast %squeeze3A_1610 : f32 to vector<16xf32>
      %mul3A_1616 = arith.mulf %mul3A_1615, %get3A_1614 : vector<16xf32>
      %add3A_1617 = arith.addf %add3A_1608, %mul3A_1616 : vector<16xf32>
      %slice3A_1618 = vector.extract_strided_slice %gather3A_56 {offsets = [9], sizes = [1], strides = [1]} : vector<16xf32> to vector<1xf32>
      %squeeze3A_1619 = vector.extract %slice3A_1618[0] : f32 from vector<1xf32>
      %get3A_1620 = arith.constant 41 : i32
      %get3A_1621 = arith.index_cast %get3A_1620 : i32 to index
      %get3A_1622 = arith.constant 32 : index
      %get3A_1623 = tpu.vector_load %arg9[%get3A_1621, %get3A_1622] {strides = array<i32>} : memref<64x64xf32, #tpu.memory_space<vmem>>, vector<16xf32>,
      %mul3A_1624 = vector.broadcast %squeeze3A_1619 : f32 to vector<16xf32>
      %mul3A_1625 = arith.mulf %mul3A_1624, %get3A_1623 : vector<16xf32>
      %add3A_1626 = arith.addf %add3A_1617, %mul3A_1625 : vector<16xf32>
      %slice3A_1627 = vector.extract_strided_slice %gather3A_56 {offsets = [10], sizes = [1], strides = [1]} : vector<16xf32> to vector<1xf32>
      %squeeze3A_1628 = vector.extract %slice3A_1627[0] : f32 from vector<1xf32>
      %get3A_1629 = arith.constant 42 : i32
      %get3A_1630 = arith.index_cast %get3A_1629 : i32 to index
      %get3A_1631 = arith.constant 32 : index
      %get3A_1632 = tpu.vector_load %arg9[%get3A_1630, %get3A_1631] {strides = array<i32>} : memref<64x64xf32, #tpu.memory_space<vmem>>, vector<16xf32>,
      %mul3A_1633 = vector.broadcast %squeeze3A_1628 : f32 to vector<16xf32>
      %mul3A_1634 = arith.mulf %mul3A_1633, %get3A_1632 : vector<16xf32>
      %add3A_1635 = arith.addf %add3A_1626, %mul3A_1634 : vector<16xf32>
      %slice3A_1636 = vector.extract_strided_slice %gather3A_56 {offsets = [11], sizes = [1], strides = [1]} : vector<16xf32> to vector<1xf32>
      %squeeze3A_1637 = vector.extract %slice3A_1636[0] : f32 from vector<1xf32>
      %get3A_1638 = arith.constant 43 : i32
      %get3A_1639 = arith.index_cast %get3A_1638 : i32 to index
      %get3A_1640 = arith.constant 32 : index
      %get3A_1641 = tpu.vector_load %arg9[%get3A_1639, %get3A_1640] {strides = array<i32>} : memref<64x64xf32, #tpu.memory_space<vmem>>, vector<16xf32>,
      %mul3A_1642 = vector.broadcast %squeeze3A_1637 : f32 to vector<16xf32>
      %mul3A_1643 = arith.mulf %mul3A_1642, %get3A_1641 : vector<16xf32>
      %add3A_1644 = arith.addf %add3A_1635, %mul3A_1643 : vector<16xf32>
      %slice3A_1645 = vector.extract_strided_slice %gather3A_56 {offsets = [12], sizes = [1], strides = [1]} : vector<16xf32> to vector<1xf32>
      %squeeze3A_1646 = vector.extract %slice3A_1645[0] : f32 from vector<1xf32>
      %get3A_1647 = arith.constant 44 : i32
      %get3A_1648 = arith.index_cast %get3A_1647 : i32 to index
      %get3A_1649 = arith.constant 32 : index
      %get3A_1650 = tpu.vector_load %arg9[%get3A_1648, %get3A_1649] {strides = array<i32>} : memref<64x64xf32, #tpu.memory_space<vmem>>, vector<16xf32>,
      %mul3A_1651 = vector.broadcast %squeeze3A_1646 : f32 to vector<16xf32>
      %mul3A_1652 = arith.mulf %mul3A_1651, %get3A_1650 : vector<16xf32>
      %add3A_1653 = arith.addf %add3A_1644, %mul3A_1652 : vector<16xf32>
      %slice3A_1654 = vector.extract_strided_slice %gather3A_56 {offsets = [13], sizes = [1], strides = [1]} : vector<16xf32> to vector<1xf32>
      %squeeze3A_1655 = vector.extract %slice3A_1654[0] : f32 from vector<1xf32>
      %get3A_1656 = arith.constant 45 : i32
      %get3A_1657 = arith.index_cast %get3A_1656 : i32 to index
      %get3A_1658 = arith.constant 32 : index
      %get3A_1659 = tpu.vector_load %arg9[%get3A_1657, %get3A_1658] {strides = array<i32>} : memref<64x64xf32, #tpu.memory_space<vmem>>, vector<16xf32>,
      %mul3A_1660 = vector.broadcast %squeeze3A_1655 : f32 to vector<16xf32>
      %mul3A_1661 = arith.mulf %mul3A_1660, %get3A_1659 : vector<16xf32>
      %add3A_1662 = arith.addf %add3A_1653, %mul3A_1661 : vector<16xf32>
      %slice3A_1663 = vector.extract_strided_slice %gather3A_56 {offsets = [14], sizes = [1], strides = [1]} : vector<16xf32> to vector<1xf32>
      %squeeze3A_1664 = vector.extract %slice3A_1663[0] : f32 from vector<1xf32>
      %get3A_1665 = arith.constant 46 : i32
      %get3A_1666 = arith.index_cast %get3A_1665 : i32 to index
      %get3A_1667 = arith.constant 32 : index
      %get3A_1668 = tpu.vector_load %arg9[%get3A_1666, %get3A_1667] {strides = array<i32>} : memref<64x64xf32, #tpu.memory_space<vmem>>, vector<16xf32>,
      %mul3A_1669 = vector.broadcast %squeeze3A_1664 : f32 to vector<16xf32>
      %mul3A_1670 = arith.mulf %mul3A_1669, %get3A_1668 : vector<16xf32>
      %add3A_1671 = arith.addf %add3A_1662, %mul3A_1670 : vector<16xf32>
      %slice3A_1672 = vector.extract_strided_slice %gather3A_56 {offsets = [15], sizes = [1], strides = [1]} : vector<16xf32> to vector<1xf32>
      %squeeze3A_1673 = vector.extract %slice3A_1672[0] : f32 from vector<1xf32>
      %get3A_1674 = arith.constant 47 : i32
      %get3A_1675 = arith.index_cast %get3A_1674 : i32 to index
      %get3A_1676 = arith.constant 32 : index
      %get3A_1677 = tpu.vector_load %arg9[%get3A_1675, %get3A_1676] {strides = array<i32>} : memref<64x64xf32, #tpu.memory_space<vmem>>, vector<16xf32>,
      %mul3A_1678 = vector.broadcast %squeeze3A_1673 : f32 to vector<16xf32>
      %mul3A_1679 = arith.mulf %mul3A_1678, %get3A_1677 : vector<16xf32>
      %add3A_1680 = arith.addf %add3A_1671, %mul3A_1679 : vector<16xf32>
      %slice3A_1681 = vector.extract_strided_slice %gather3A_60 {offsets = [0], sizes = [1], strides = [1]} : vector<16xf32> to vector<1xf32>
      %squeeze3A_1682 = vector.extract %slice3A_1681[0] : f32 from vector<1xf32>
      %get3A_1683 = arith.constant 48 : i32
      %get3A_1684 = arith.index_cast %get3A_1683 : i32 to index
      %get3A_1685 = arith.constant 32 : index
      %get3A_1686 = tpu.vector_load %arg9[%get3A_1684, %get3A_1685] {strides = array<i32>} : memref<64x64xf32, #tpu.memory_space<vmem>>, vector<16xf32>,
      %mul3A_1687 = vector.broadcast %squeeze3A_1682 : f32 to vector<16xf32>
      %mul3A_1688 = arith.mulf %mul3A_1687, %get3A_1686 : vector<16xf32>
      %add3A_1689 = arith.addf %add3A_1680, %mul3A_1688 : vector<16xf32>
      %slice3A_1690 = vector.extract_strided_slice %gather3A_60 {offsets = [1], sizes = [1], strides = [1]} : vector<16xf32> to vector<1xf32>
      %squeeze3A_1691 = vector.extract %slice3A_1690[0] : f32 from vector<1xf32>
      %get3A_1692 = arith.constant 49 : i32
      %get3A_1693 = arith.index_cast %get3A_1692 : i32 to index
      %get3A_1694 = arith.constant 32 : index
      %get3A_1695 = tpu.vector_load %arg9[%get3A_1693, %get3A_1694] {strides = array<i32>} : memref<64x64xf32, #tpu.memory_space<vmem>>, vector<16xf32>,
      %mul3A_1696 = vector.broadcast %squeeze3A_1691 : f32 to vector<16xf32>
      %mul3A_1697 = arith.mulf %mul3A_1696, %get3A_1695 : vector<16xf32>
      %add3A_1698 = arith.addf %add3A_1689, %mul3A_1697 : vector<16xf32>
      %slice3A_1699 = vector.extract_strided_slice %gather3A_60 {offsets = [2], sizes = [1], strides = [1]} : vector<16xf32> to vector<1xf32>
      %squeeze3A_1700 = vector.extract %slice3A_1699[0] : f32 from vector<1xf32>
      %get3A_1701 = arith.constant 50 : i32
      %get3A_1702 = arith.index_cast %get3A_1701 : i32 to index
      %get3A_1703 = arith.constant 32 : index
      %get3A_1704 = tpu.vector_load %arg9[%get3A_1702, %get3A_1703] {strides = array<i32>} : memref<64x64xf32, #tpu.memory_space<vmem>>, vector<16xf32>,
      %mul3A_1705 = vector.broadcast %squeeze3A_1700 : f32 to vector<16xf32>
      %mul3A_1706 = arith.mulf %mul3A_1705, %get3A_1704 : vector<16xf32>
      %add3A_1707 = arith.addf %add3A_1698, %mul3A_1706 : vector<16xf32>
      %slice3A_1708 = vector.extract_strided_slice %gather3A_60 {offsets = [3], sizes = [1], strides = [1]} : vector<16xf32> to vector<1xf32>
      %squeeze3A_1709 = vector.extract %slice3A_1708[0] : f32 from vector<1xf32>
      %get3A_1710 = arith.constant 51 : i32
      %get3A_1711 = arith.index_cast %get3A_1710 : i32 to index
      %get3A_1712 = arith.constant 32 : index
      %get3A_1713 = tpu.vector_load %arg9[%get3A_1711, %get3A_1712] {strides = array<i32>} : memref<64x64xf32, #tpu.memory_space<vmem>>, vector<16xf32>,
      %mul3A_1714 = vector.broadcast %squeeze3A_1709 : f32 to vector<16xf32>
      %mul3A_1715 = arith.mulf %mul3A_1714, %get3A_1713 : vector<16xf32>
      %add3A_1716 = arith.addf %add3A_1707, %mul3A_1715 : vector<16xf32>
      %slice3A_1717 = vector.extract_strided_slice %gather3A_60 {offsets = [4], sizes = [1], strides = [1]} : vector<16xf32> to vector<1xf32>
      %squeeze3A_1718 = vector.extract %slice3A_1717[0] : f32 from vector<1xf32>
      %get3A_1719 = arith.constant 52 : i32
      %get3A_1720 = arith.index_cast %get3A_1719 : i32 to index
      %get3A_1721 = arith.constant 32 : index
      %get3A_1722 = tpu.vector_load %arg9[%get3A_1720, %get3A_1721] {strides = array<i32>} : memref<64x64xf32, #tpu.memory_space<vmem>>, vector<16xf32>,
      %mul3A_1723 = vector.broadcast %squeeze3A_1718 : f32 to vector<16xf32>
      %mul3A_1724 = arith.mulf %mul3A_1723, %get3A_1722 : vector<16xf32>
      %add3A_1725 = arith.addf %add3A_1716, %mul3A_1724 : vector<16xf32>
      %slice3A_1726 = vector.extract_strided_slice %gather3A_60 {offsets = [5], sizes = [1], strides = [1]} : vector<16xf32> to vector<1xf32>
      %squeeze3A_1727 = vector.extract %slice3A_1726[0] : f32 from vector<1xf32>
      %get3A_1728 = arith.constant 53 : i32
      %get3A_1729 = arith.index_cast %get3A_1728 : i32 to index
      %get3A_1730 = arith.constant 32 : index
      %get3A_1731 = tpu.vector_load %arg9[%get3A_1729, %get3A_1730] {strides = array<i32>} : memref<64x64xf32, #tpu.memory_space<vmem>>, vector<16xf32>,
      %mul3A_1732 = vector.broadcast %squeeze3A_1727 : f32 to vector<16xf32>
      %mul3A_1733 = arith.mulf %mul3A_1732, %get3A_1731 : vector<16xf32>
      %add3A_1734 = arith.addf %add3A_1725, %mul3A_1733 : vector<16xf32>
      %slice3A_1735 = vector.extract_strided_slice %gather3A_60 {offsets = [6], sizes = [1], strides = [1]} : vector<16xf32> to vector<1xf32>
      %squeeze3A_1736 = vector.extract %slice3A_1735[0] : f32 from vector<1xf32>
      %get3A_1737 = arith.constant 54 : i32
      %get3A_1738 = arith.index_cast %get3A_1737 : i32 to index
      %get3A_1739 = arith.constant 32 : index
      %get3A_1740 = tpu.vector_load %arg9[%get3A_1738, %get3A_1739] {strides = array<i32>} : memref<64x64xf32, #tpu.memory_space<vmem>>, vector<16xf32>,
      %mul3A_1741 = vector.broadcast %squeeze3A_1736 : f32 to vector<16xf32>
      %mul3A_1742 = arith.mulf %mul3A_1741, %get3A_1740 : vector<16xf32>
      %add3A_1743 = arith.addf %add3A_1734, %mul3A_1742 : vector<16xf32>
      %slice3A_1744 = vector.extract_strided_slice %gather3A_60 {offsets = [7], sizes = [1], strides = [1]} : vector<16xf32> to vector<1xf32>
      %squeeze3A_1745 = vector.extract %slice3A_1744[0] : f32 from vector<1xf32>
      %get3A_1746 = arith.constant 55 : i32
      %get3A_1747 = arith.index_cast %get3A_1746 : i32 to index
      %get3A_1748 = arith.constant 32 : index
      %get3A_1749 = tpu.vector_load %arg9[%get3A_1747, %get3A_1748] {strides = array<i32>} : memref<64x64xf32, #tpu.memory_space<vmem>>, vector<16xf32>,
      %mul3A_1750 = vector.broadcast %squeeze3A_1745 : f32 to vector<16xf32>
      %mul3A_1751 = arith.mulf %mul3A_1750, %get3A_1749 : vector<16xf32>
      %add3A_1752 = arith.addf %add3A_1743, %mul3A_1751 : vector<16xf32>
      %slice3A_1753 = vector.extract_strided_slice %gather3A_60 {offsets = [8], sizes = [1], strides = [1]} : vector<16xf32> to vector<1xf32>
      %squeeze3A_1754 = vector.extract %slice3A_1753[0] : f32 from vector<1xf32>
      %get3A_1755 = arith.constant 56 : i32
      %get3A_1756 = arith.index_cast %get3A_1755 : i32 to index
      %get3A_1757 = arith.constant 32 : index
      %get3A_1758 = tpu.vector_load %arg9[%get3A_1756, %get3A_1757] {strides = array<i32>} : memref<64x64xf32, #tpu.memory_space<vmem>>, vector<16xf32>,
      %mul3A_1759 = vector.broadcast %squeeze3A_1754 : f32 to vector<16xf32>
      %mul3A_1760 = arith.mulf %mul3A_1759, %get3A_1758 : vector<16xf32>
      %add3A_1761 = arith.addf %add3A_1752, %mul3A_1760 : vector<16xf32>
      %slice3A_1762 = vector.extract_strided_slice %gather3A_60 {offsets = [9], sizes = [1], strides = [1]} : vector<16xf32> to vector<1xf32>
      %squeeze3A_1763 = vector.extract %slice3A_1762[0] : f32 from vector<1xf32>
      %get3A_1764 = arith.constant 57 : i32
      %get3A_1765 = arith.index_cast %get3A_1764 : i32 to index
      %get3A_1766 = arith.constant 32 : index
      %get3A_1767 = tpu.vector_load %arg9[%get3A_1765, %get3A_1766] {strides = array<i32>} : memref<64x64xf32, #tpu.memory_space<vmem>>, vector<16xf32>,
      %mul3A_1768 = vector.broadcast %squeeze3A_1763 : f32 to vector<16xf32>
      %mul3A_1769 = arith.mulf %mul3A_1768, %get3A_1767 : vector<16xf32>
      %add3A_1770 = arith.addf %add3A_1761, %mul3A_1769 : vector<16xf32>
      %slice3A_1771 = vector.extract_strided_slice %gather3A_60 {offsets = [10], sizes = [1], strides = [1]} : vector<16xf32> to vector<1xf32>
      %squeeze3A_1772 = vector.extract %slice3A_1771[0] : f32 from vector<1xf32>
      %get3A_1773 = arith.constant 58 : i32
      %get3A_1774 = arith.index_cast %get3A_1773 : i32 to index
      %get3A_1775 = arith.constant 32 : index
      %get3A_1776 = tpu.vector_load %arg9[%get3A_1774, %get3A_1775] {strides = array<i32>} : memref<64x64xf32, #tpu.memory_space<vmem>>, vector<16xf32>,
      %mul3A_1777 = vector.broadcast %squeeze3A_1772 : f32 to vector<16xf32>
      %mul3A_1778 = arith.mulf %mul3A_1777, %get3A_1776 : vector<16xf32>
      %add3A_1779 = arith.addf %add3A_1770, %mul3A_1778 : vector<16xf32>
      %slice3A_1780 = vector.extract_strided_slice %gather3A_60 {offsets = [11], sizes = [1], strides = [1]} : vector<16xf32> to vector<1xf32>
      %squeeze3A_1781 = vector.extract %slice3A_1780[0] : f32 from vector<1xf32>
      %get3A_1782 = arith.constant 59 : i32
      %get3A_1783 = arith.index_cast %get3A_1782 : i32 to index
      %get3A_1784 = arith.constant 32 : index
      %get3A_1785 = tpu.vector_load %arg9[%get3A_1783, %get3A_1784] {strides = array<i32>} : memref<64x64xf32, #tpu.memory_space<vmem>>, vector<16xf32>,
      %mul3A_1786 = vector.broadcast %squeeze3A_1781 : f32 to vector<16xf32>
      %mul3A_1787 = arith.mulf %mul3A_1786, %get3A_1785 : vector<16xf32>
      %add3A_1788 = arith.addf %add3A_1779, %mul3A_1787 : vector<16xf32>
      %slice3A_1789 = vector.extract_strided_slice %gather3A_60 {offsets = [12], sizes = [1], strides = [1]} : vector<16xf32> to vector<1xf32>
      %squeeze3A_1790 = vector.extract %slice3A_1789[0] : f32 from vector<1xf32>
      %get3A_1791 = arith.constant 60 : i32
      %get3A_1792 = arith.index_cast %get3A_1791 : i32 to index
      %get3A_1793 = arith.constant 32 : index
      %get3A_1794 = tpu.vector_load %arg9[%get3A_1792, %get3A_1793] {strides = array<i32>} : memref<64x64xf32, #tpu.memory_space<vmem>>, vector<16xf32>,
      %mul3A_1795 = vector.broadcast %squeeze3A_1790 : f32 to vector<16xf32>
      %mul3A_1796 = arith.mulf %mul3A_1795, %get3A_1794 : vector<16xf32>
      %add3A_1797 = arith.addf %add3A_1788, %mul3A_1796 : vector<16xf32>
      %slice3A_1798 = vector.extract_strided_slice %gather3A_60 {offsets = [13], sizes = [1], strides = [1]} : vector<16xf32> to vector<1xf32>
      %squeeze3A_1799 = vector.extract %slice3A_1798[0] : f32 from vector<1xf32>
      %get3A_1800 = arith.constant 61 : i32
      %get3A_1801 = arith.index_cast %get3A_1800 : i32 to index
      %get3A_1802 = arith.constant 32 : index
      %get3A_1803 = tpu.vector_load %arg9[%get3A_1801, %get3A_1802] {strides = array<i32>} : memref<64x64xf32, #tpu.memory_space<vmem>>, vector<16xf32>,
      %mul3A_1804 = vector.broadcast %squeeze3A_1799 : f32 to vector<16xf32>
      %mul3A_1805 = arith.mulf %mul3A_1804, %get3A_1803 : vector<16xf32>
      %add3A_1806 = arith.addf %add3A_1797, %mul3A_1805 : vector<16xf32>
      %slice3A_1807 = vector.extract_strided_slice %gather3A_60 {offsets = [14], sizes = [1], strides = [1]} : vector<16xf32> to vector<1xf32>
      %squeeze3A_1808 = vector.extract %slice3A_1807[0] : f32 from vector<1xf32>
      %get3A_1809 = arith.constant 62 : i32
      %get3A_1810 = arith.index_cast %get3A_1809 : i32 to index
      %get3A_1811 = arith.constant 32 : index
      %get3A_1812 = tpu.vector_load %arg9[%get3A_1810, %get3A_1811] {strides = array<i32>} : memref<64x64xf32, #tpu.memory_space<vmem>>, vector<16xf32>,
      %mul3A_1813 = vector.broadcast %squeeze3A_1808 : f32 to vector<16xf32>
      %mul3A_1814 = arith.mulf %mul3A_1813, %get3A_1812 : vector<16xf32>
      %add3A_1815 = arith.addf %add3A_1806, %mul3A_1814 : vector<16xf32>
      %slice3A_1816 = vector.extract_strided_slice %gather3A_60 {offsets = [15], sizes = [1], strides = [1]} : vector<16xf32> to vector<1xf32>
      %squeeze3A_1817 = vector.extract %slice3A_1816[0] : f32 from vector<1xf32>
      %get3A_1818 = arith.constant 63 : i32
      %get3A_1819 = arith.index_cast %get3A_1818 : i32 to index
      %get3A_1820 = arith.constant 32 : index
      %get3A_1821 = tpu.vector_load %arg9[%get3A_1819, %get3A_1820] {strides = array<i32>} : memref<64x64xf32, #tpu.memory_space<vmem>>, vector<16xf32>,
      %mul3A_1822 = vector.broadcast %squeeze3A_1817 : f32 to vector<16xf32>
      %mul3A_1823 = arith.mulf %mul3A_1822, %get3A_1821 : vector<16xf32>
      %add3A_1824 = arith.addf %add3A_1815, %mul3A_1823 : vector<16xf32>
      %mul3A_1825 = arith.mulf %add3A_1824, %gather3A_72 : vector<16xf32>
      %add3A_1826 = arith.addf %add3A_1246, %mul3A_1825 : vector<16xf32>
      %broadcast_in_dim3A_1827 = arith.constant 0.000000e+00 : f32
      %broadcast_in_dim3A_1828 = vector.broadcast %broadcast_in_dim3A_1827 : f32 to vector<16xf32>
      %slice3A_1829 = vector.extract_strided_slice %gather3A {offsets = [0], sizes = [1], strides = [1]} : vector<16xf32> to vector<1xf32>
      %squeeze3A_1830 = vector.extract %slice3A_1829[0] : f32 from vector<1xf32>
      %get3A_1831 = arith.constant 0 : i32
      %get3A_1832 = arith.index_cast %get3A_1831 : i32 to index
      %get3A_1833 = arith.constant 48 : index
      %get3A_1834 = tpu.vector_load %arg9[%get3A_1832, %get3A_1833] {strides = array<i32>} : memref<64x64xf32, #tpu.memory_space<vmem>>, vector<16xf32>,
      %mul3A_1835 = vector.broadcast %squeeze3A_1830 : f32 to vector<16xf32>
      %mul3A_1836 = arith.mulf %mul3A_1835, %get3A_1834 : vector<16xf32>
      %add3A_1837 = arith.addf %broadcast_in_dim3A_1828, %mul3A_1836 : vector<16xf32>
      %slice3A_1838 = vector.extract_strided_slice %gather3A {offsets = [1], sizes = [1], strides = [1]} : vector<16xf32> to vector<1xf32>
      %squeeze3A_1839 = vector.extract %slice3A_1838[0] : f32 from vector<1xf32>
      %get3A_1840 = arith.constant 1 : i32
      %get3A_1841 = arith.index_cast %get3A_1840 : i32 to index
      %get3A_1842 = arith.constant 48 : index
      %get3A_1843 = tpu.vector_load %arg9[%get3A_1841, %get3A_1842] {strides = array<i32>} : memref<64x64xf32, #tpu.memory_space<vmem>>, vector<16xf32>,
      %mul3A_1844 = vector.broadcast %squeeze3A_1839 : f32 to vector<16xf32>
      %mul3A_1845 = arith.mulf %mul3A_1844, %get3A_1843 : vector<16xf32>
      %add3A_1846 = arith.addf %add3A_1837, %mul3A_1845 : vector<16xf32>
      %slice3A_1847 = vector.extract_strided_slice %gather3A {offsets = [2], sizes = [1], strides = [1]} : vector<16xf32> to vector<1xf32>
      %squeeze3A_1848 = vector.extract %slice3A_1847[0] : f32 from vector<1xf32>
      %get3A_1849 = arith.constant 2 : i32
      %get3A_1850 = arith.index_cast %get3A_1849 : i32 to index
      %get3A_1851 = arith.constant 48 : index
      %get3A_1852 = tpu.vector_load %arg9[%get3A_1850, %get3A_1851] {strides = array<i32>} : memref<64x64xf32, #tpu.memory_space<vmem>>, vector<16xf32>,
      %mul3A_1853 = vector.broadcast %squeeze3A_1848 : f32 to vector<16xf32>
      %mul3A_1854 = arith.mulf %mul3A_1853, %get3A_1852 : vector<16xf32>
      %add3A_1855 = arith.addf %add3A_1846, %mul3A_1854 : vector<16xf32>
      %slice3A_1856 = vector.extract_strided_slice %gather3A {offsets = [3], sizes = [1], strides = [1]} : vector<16xf32> to vector<1xf32>
      %squeeze3A_1857 = vector.extract %slice3A_1856[0] : f32 from vector<1xf32>
      %get3A_1858 = arith.constant 3 : i32
      %get3A_1859 = arith.index_cast %get3A_1858 : i32 to index
      %get3A_1860 = arith.constant 48 : index
      %get3A_1861 = tpu.vector_load %arg9[%get3A_1859, %get3A_1860] {strides = array<i32>} : memref<64x64xf32, #tpu.memory_space<vmem>>, vector<16xf32>,
      %mul3A_1862 = vector.broadcast %squeeze3A_1857 : f32 to vector<16xf32>
      %mul3A_1863 = arith.mulf %mul3A_1862, %get3A_1861 : vector<16xf32>
      %add3A_1864 = arith.addf %add3A_1855, %mul3A_1863 : vector<16xf32>
      %slice3A_1865 = vector.extract_strided_slice %gather3A {offsets = [4], sizes = [1], strides = [1]} : vector<16xf32> to vector<1xf32>
      %squeeze3A_1866 = vector.extract %slice3A_1865[0] : f32 from vector<1xf32>
      %get3A_1867 = arith.constant 4 : i32
      %get3A_1868 = arith.index_cast %get3A_1867 : i32 to index
      %get3A_1869 = arith.constant 48 : index
      %get3A_1870 = tpu.vector_load %arg9[%get3A_1868, %get3A_1869] {strides = array<i32>} : memref<64x64xf32, #tpu.memory_space<vmem>>, vector<16xf32>,
      %mul3A_1871 = vector.broadcast %squeeze3A_1866 : f32 to vector<16xf32>
      %mul3A_1872 = arith.mulf %mul3A_1871, %get3A_1870 : vector<16xf32>
      %add3A_1873 = arith.addf %add3A_1864, %mul3A_1872 : vector<16xf32>
      %slice3A_1874 = vector.extract_strided_slice %gather3A {offsets = [5], sizes = [1], strides = [1]} : vector<16xf32> to vector<1xf32>
      %squeeze3A_1875 = vector.extract %slice3A_1874[0] : f32 from vector<1xf32>
      %get3A_1876 = arith.constant 5 : i32
      %get3A_1877 = arith.index_cast %get3A_1876 : i32 to index
      %get3A_1878 = arith.constant 48 : index
      %get3A_1879 = tpu.vector_load %arg9[%get3A_1877, %get3A_1878] {strides = array<i32>} : memref<64x64xf32, #tpu.memory_space<vmem>>, vector<16xf32>,
      %mul3A_1880 = vector.broadcast %squeeze3A_1875 : f32 to vector<16xf32>
      %mul3A_1881 = arith.mulf %mul3A_1880, %get3A_1879 : vector<16xf32>
      %add3A_1882 = arith.addf %add3A_1873, %mul3A_1881 : vector<16xf32>
      %slice3A_1883 = vector.extract_strided_slice %gather3A {offsets = [6], sizes = [1], strides = [1]} : vector<16xf32> to vector<1xf32>
      %squeeze3A_1884 = vector.extract %slice3A_1883[0] : f32 from vector<1xf32>
      %get3A_1885 = arith.constant 6 : i32
      %get3A_1886 = arith.index_cast %get3A_1885 : i32 to index
      %get3A_1887 = arith.constant 48 : index
      %get3A_1888 = tpu.vector_load %arg9[%get3A_1886, %get3A_1887] {strides = array<i32>} : memref<64x64xf32, #tpu.memory_space<vmem>>, vector<16xf32>,
      %mul3A_1889 = vector.broadcast %squeeze3A_1884 : f32 to vector<16xf32>
      %mul3A_1890 = arith.mulf %mul3A_1889, %get3A_1888 : vector<16xf32>
      %add3A_1891 = arith.addf %add3A_1882, %mul3A_1890 : vector<16xf32>
      %slice3A_1892 = vector.extract_strided_slice %gather3A {offsets = [7], sizes = [1], strides = [1]} : vector<16xf32> to vector<1xf32>
      %squeeze3A_1893 = vector.extract %slice3A_1892[0] : f32 from vector<1xf32>
      %get3A_1894 = arith.constant 7 : i32
      %get3A_1895 = arith.index_cast %get3A_1894 : i32 to index
      %get3A_1896 = arith.constant 48 : index
      %get3A_1897 = tpu.vector_load %arg9[%get3A_1895, %get3A_1896] {strides = array<i32>} : memref<64x64xf32, #tpu.memory_space<vmem>>, vector<16xf32>,
      %mul3A_1898 = vector.broadcast %squeeze3A_1893 : f32 to vector<16xf32>
      %mul3A_1899 = arith.mulf %mul3A_1898, %get3A_1897 : vector<16xf32>
      %add3A_1900 = arith.addf %add3A_1891, %mul3A_1899 : vector<16xf32>
      %slice3A_1901 = vector.extract_strided_slice %gather3A {offsets = [8], sizes = [1], strides = [1]} : vector<16xf32> to vector<1xf32>
      %squeeze3A_1902 = vector.extract %slice3A_1901[0] : f32 from vector<1xf32>
      %get3A_1903 = arith.constant 8 : i32
      %get3A_1904 = arith.index_cast %get3A_1903 : i32 to index
      %get3A_1905 = arith.constant 48 : index
      %get3A_1906 = tpu.vector_load %arg9[%get3A_1904, %get3A_1905] {strides = array<i32>} : memref<64x64xf32, #tpu.memory_space<vmem>>, vector<16xf32>,
      %mul3A_1907 = vector.broadcast %squeeze3A_1902 : f32 to vector<16xf32>
      %mul3A_1908 = arith.mulf %mul3A_1907, %get3A_1906 : vector<16xf32>
      %add3A_1909 = arith.addf %add3A_1900, %mul3A_1908 : vector<16xf32>
      %slice3A_1910 = vector.extract_strided_slice %gather3A {offsets = [9], sizes = [1], strides = [1]} : vector<16xf32> to vector<1xf32>
      %squeeze3A_1911 = vector.extract %slice3A_1910[0] : f32 from vector<1xf32>
      %get3A_1912 = arith.constant 9 : i32
      %get3A_1913 = arith.index_cast %get3A_1912 : i32 to index
      %get3A_1914 = arith.constant 48 : index
      %get3A_1915 = tpu.vector_load %arg9[%get3A_1913, %get3A_1914] {strides = array<i32>} : memref<64x64xf32, #tpu.memory_space<vmem>>, vector<16xf32>,
      %mul3A_1916 = vector.broadcast %squeeze3A_1911 : f32 to vector<16xf32>
      %mul3A_1917 = arith.mulf %mul3A_1916, %get3A_1915 : vector<16xf32>
      %add3A_1918 = arith.addf %add3A_1909, %mul3A_1917 : vector<16xf32>
      %slice3A_1919 = vector.extract_strided_slice %gather3A {offsets = [10], sizes = [1], strides = [1]} : vector<16xf32> to vector<1xf32>
      %squeeze3A_1920 = vector.extract %slice3A_1919[0] : f32 from vector<1xf32>
      %get3A_1921 = arith.constant 10 : i32
      %get3A_1922 = arith.index_cast %get3A_1921 : i32 to index
      %get3A_1923 = arith.constant 48 : index
      %get3A_1924 = tpu.vector_load %arg9[%get3A_1922, %get3A_1923] {strides = array<i32>} : memref<64x64xf32, #tpu.memory_space<vmem>>, vector<16xf32>,
      %mul3A_1925 = vector.broadcast %squeeze3A_1920 : f32 to vector<16xf32>
      %mul3A_1926 = arith.mulf %mul3A_1925, %get3A_1924 : vector<16xf32>
      %add3A_1927 = arith.addf %add3A_1918, %mul3A_1926 : vector<16xf32>
      %slice3A_1928 = vector.extract_strided_slice %gather3A {offsets = [11], sizes = [1], strides = [1]} : vector<16xf32> to vector<1xf32>
      %squeeze3A_1929 = vector.extract %slice3A_1928[0] : f32 from vector<1xf32>
      %get3A_1930 = arith.constant 11 : i32
      %get3A_1931 = arith.index_cast %get3A_1930 : i32 to index
      %get3A_1932 = arith.constant 48 : index
      %get3A_1933 = tpu.vector_load %arg9[%get3A_1931, %get3A_1932] {strides = array<i32>} : memref<64x64xf32, #tpu.memory_space<vmem>>, vector<16xf32>,
      %mul3A_1934 = vector.broadcast %squeeze3A_1929 : f32 to vector<16xf32>
      %mul3A_1935 = arith.mulf %mul3A_1934, %get3A_1933 : vector<16xf32>
      %add3A_1936 = arith.addf %add3A_1927, %mul3A_1935 : vector<16xf32>
      %slice3A_1937 = vector.extract_strided_slice %gather3A {offsets = [12], sizes = [1], strides = [1]} : vector<16xf32> to vector<1xf32>
      %squeeze3A_1938 = vector.extract %slice3A_1937[0] : f32 from vector<1xf32>
      %get3A_1939 = arith.constant 12 : i32
      %get3A_1940 = arith.index_cast %get3A_1939 : i32 to index
      %get3A_1941 = arith.constant 48 : index
      %get3A_1942 = tpu.vector_load %arg9[%get3A_1940, %get3A_1941] {strides = array<i32>} : memref<64x64xf32, #tpu.memory_space<vmem>>, vector<16xf32>,
      %mul3A_1943 = vector.broadcast %squeeze3A_1938 : f32 to vector<16xf32>
      %mul3A_1944 = arith.mulf %mul3A_1943, %get3A_1942 : vector<16xf32>
      %add3A_1945 = arith.addf %add3A_1936, %mul3A_1944 : vector<16xf32>
      %slice3A_1946 = vector.extract_strided_slice %gather3A {offsets = [13], sizes = [1], strides = [1]} : vector<16xf32> to vector<1xf32>
      %squeeze3A_1947 = vector.extract %slice3A_1946[0] : f32 from vector<1xf32>
      %get3A_1948 = arith.constant 13 : i32
      %get3A_1949 = arith.index_cast %get3A_1948 : i32 to index
      %get3A_1950 = arith.constant 48 : index
      %get3A_1951 = tpu.vector_load %arg9[%get3A_1949, %get3A_1950] {strides = array<i32>} : memref<64x64xf32, #tpu.memory_space<vmem>>, vector<16xf32>,
      %mul3A_1952 = vector.broadcast %squeeze3A_1947 : f32 to vector<16xf32>
      %mul3A_1953 = arith.mulf %mul3A_1952, %get3A_1951 : vector<16xf32>
      %add3A_1954 = arith.addf %add3A_1945, %mul3A_1953 : vector<16xf32>
      %slice3A_1955 = vector.extract_strided_slice %gather3A {offsets = [14], sizes = [1], strides = [1]} : vector<16xf32> to vector<1xf32>
      %squeeze3A_1956 = vector.extract %slice3A_1955[0] : f32 from vector<1xf32>
      %get3A_1957 = arith.constant 14 : i32
      %get3A_1958 = arith.index_cast %get3A_1957 : i32 to index
      %get3A_1959 = arith.constant 48 : index
      %get3A_1960 = tpu.vector_load %arg9[%get3A_1958, %get3A_1959] {strides = array<i32>} : memref<64x64xf32, #tpu.memory_space<vmem>>, vector<16xf32>,
      %mul3A_1961 = vector.broadcast %squeeze3A_1956 : f32 to vector<16xf32>
      %mul3A_1962 = arith.mulf %mul3A_1961, %get3A_1960 : vector<16xf32>
      %add3A_1963 = arith.addf %add3A_1954, %mul3A_1962 : vector<16xf32>
      %slice3A_1964 = vector.extract_strided_slice %gather3A {offsets = [15], sizes = [1], strides = [1]} : vector<16xf32> to vector<1xf32>
      %squeeze3A_1965 = vector.extract %slice3A_1964[0] : f32 from vector<1xf32>
      %get3A_1966 = arith.constant 15 : i32
      %get3A_1967 = arith.index_cast %get3A_1966 : i32 to index
      %get3A_1968 = arith.constant 48 : index
      %get3A_1969 = tpu.vector_load %arg9[%get3A_1967, %get3A_1968] {strides = array<i32>} : memref<64x64xf32, #tpu.memory_space<vmem>>, vector<16xf32>,
      %mul3A_1970 = vector.broadcast %squeeze3A_1965 : f32 to vector<16xf32>
      %mul3A_1971 = arith.mulf %mul3A_1970, %get3A_1969 : vector<16xf32>
      %add3A_1972 = arith.addf %add3A_1963, %mul3A_1971 : vector<16xf32>
      %slice3A_1973 = vector.extract_strided_slice %gather3A_52 {offsets = [0], sizes = [1], strides = [1]} : vector<16xf32> to vector<1xf32>
      %squeeze3A_1974 = vector.extract %slice3A_1973[0] : f32 from vector<1xf32>
      %get3A_1975 = arith.constant 16 : i32
      %get3A_1976 = arith.index_cast %get3A_1975 : i32 to index
      %get3A_1977 = arith.constant 48 : index
      %get3A_1978 = tpu.vector_load %arg9[%get3A_1976, %get3A_1977] {strides = array<i32>} : memref<64x64xf32, #tpu.memory_space<vmem>>, vector<16xf32>,
      %mul3A_1979 = vector.broadcast %squeeze3A_1974 : f32 to vector<16xf32>
      %mul3A_1980 = arith.mulf %mul3A_1979, %get3A_1978 : vector<16xf32>
      %add3A_1981 = arith.addf %add3A_1972, %mul3A_1980 : vector<16xf32>
      %slice3A_1982 = vector.extract_strided_slice %gather3A_52 {offsets = [1], sizes = [1], strides = [1]} : vector<16xf32> to vector<1xf32>
      %squeeze3A_1983 = vector.extract %slice3A_1982[0] : f32 from vector<1xf32>
      %get3A_1984 = arith.constant 17 : i32
      %get3A_1985 = arith.index_cast %get3A_1984 : i32 to index
      %get3A_1986 = arith.constant 48 : index
      %get3A_1987 = tpu.vector_load %arg9[%get3A_1985, %get3A_1986] {strides = array<i32>} : memref<64x64xf32, #tpu.memory_space<vmem>>, vector<16xf32>,
      %mul3A_1988 = vector.broadcast %squeeze3A_1983 : f32 to vector<16xf32>
      %mul3A_1989 = arith.mulf %mul3A_1988, %get3A_1987 : vector<16xf32>
      %add3A_1990 = arith.addf %add3A_1981, %mul3A_1989 : vector<16xf32>
      %slice3A_1991 = vector.extract_strided_slice %gather3A_52 {offsets = [2], sizes = [1], strides = [1]} : vector<16xf32> to vector<1xf32>
      %squeeze3A_1992 = vector.extract %slice3A_1991[0] : f32 from vector<1xf32>
      %get3A_1993 = arith.constant 18 : i32
      %get3A_1994 = arith.index_cast %get3A_1993 : i32 to index
      %get3A_1995 = arith.constant 48 : index
      %get3A_1996 = tpu.vector_load %arg9[%get3A_1994, %get3A_1995] {strides = array<i32>} : memref<64x64xf32, #tpu.memory_space<vmem>>, vector<16xf32>,
      %mul3A_1997 = vector.broadcast %squeeze3A_1992 : f32 to vector<16xf32>
      %mul3A_1998 = arith.mulf %mul3A_1997, %get3A_1996 : vector<16xf32>
      %add3A_1999 = arith.addf %add3A_1990, %mul3A_1998 : vector<16xf32>
      %slice3A_2000 = vector.extract_strided_slice %gather3A_52 {offsets = [3], sizes = [1], strides = [1]} : vector<16xf32> to vector<1xf32>
      %squeeze3A_2001 = vector.extract %slice3A_2000[0] : f32 from vector<1xf32>
      %get3A_2002 = arith.constant 19 : i32
      %get3A_2003 = arith.index_cast %get3A_2002 : i32 to index
      %get3A_2004 = arith.constant 48 : index
      %get3A_2005 = tpu.vector_load %arg9[%get3A_2003, %get3A_2004] {strides = array<i32>} : memref<64x64xf32, #tpu.memory_space<vmem>>, vector<16xf32>,
      %mul3A_2006 = vector.broadcast %squeeze3A_2001 : f32 to vector<16xf32>
      %mul3A_2007 = arith.mulf %mul3A_2006, %get3A_2005 : vector<16xf32>
      %add3A_2008 = arith.addf %add3A_1999, %mul3A_2007 : vector<16xf32>
      %slice3A_2009 = vector.extract_strided_slice %gather3A_52 {offsets = [4], sizes = [1], strides = [1]} : vector<16xf32> to vector<1xf32>
      %squeeze3A_2010 = vector.extract %slice3A_2009[0] : f32 from vector<1xf32>
      %get3A_2011 = arith.constant 20 : i32
      %get3A_2012 = arith.index_cast %get3A_2011 : i32 to index
      %get3A_2013 = arith.constant 48 : index
      %get3A_2014 = tpu.vector_load %arg9[%get3A_2012, %get3A_2013] {strides = array<i32>} : memref<64x64xf32, #tpu.memory_space<vmem>>, vector<16xf32>,
      %mul3A_2015 = vector.broadcast %squeeze3A_2010 : f32 to vector<16xf32>
      %mul3A_2016 = arith.mulf %mul3A_2015, %get3A_2014 : vector<16xf32>
      %add3A_2017 = arith.addf %add3A_2008, %mul3A_2016 : vector<16xf32>
      %slice3A_2018 = vector.extract_strided_slice %gather3A_52 {offsets = [5], sizes = [1], strides = [1]} : vector<16xf32> to vector<1xf32>
      %squeeze3A_2019 = vector.extract %slice3A_2018[0] : f32 from vector<1xf32>
      %get3A_2020 = arith.constant 21 : i32
      %get3A_2021 = arith.index_cast %get3A_2020 : i32 to index
      %get3A_2022 = arith.constant 48 : index
      %get3A_2023 = tpu.vector_load %arg9[%get3A_2021, %get3A_2022] {strides = array<i32>} : memref<64x64xf32, #tpu.memory_space<vmem>>, vector<16xf32>,
      %mul3A_2024 = vector.broadcast %squeeze3A_2019 : f32 to vector<16xf32>
      %mul3A_2025 = arith.mulf %mul3A_2024, %get3A_2023 : vector<16xf32>
      %add3A_2026 = arith.addf %add3A_2017, %mul3A_2025 : vector<16xf32>
      %slice3A_2027 = vector.extract_strided_slice %gather3A_52 {offsets = [6], sizes = [1], strides = [1]} : vector<16xf32> to vector<1xf32>
      %squeeze3A_2028 = vector.extract %slice3A_2027[0] : f32 from vector<1xf32>
      %get3A_2029 = arith.constant 22 : i32
      %get3A_2030 = arith.index_cast %get3A_2029 : i32 to index
      %get3A_2031 = arith.constant 48 : index
      %get3A_2032 = tpu.vector_load %arg9[%get3A_2030, %get3A_2031] {strides = array<i32>} : memref<64x64xf32, #tpu.memory_space<vmem>>, vector<16xf32>,
      %mul3A_2033 = vector.broadcast %squeeze3A_2028 : f32 to vector<16xf32>
      %mul3A_2034 = arith.mulf %mul3A_2033, %get3A_2032 : vector<16xf32>
      %add3A_2035 = arith.addf %add3A_2026, %mul3A_2034 : vector<16xf32>
      %slice3A_2036 = vector.extract_strided_slice %gather3A_52 {offsets = [7], sizes = [1], strides = [1]} : vector<16xf32> to vector<1xf32>
      %squeeze3A_2037 = vector.extract %slice3A_2036[0] : f32 from vector<1xf32>
      %get3A_2038 = arith.constant 23 : i32
      %get3A_2039 = arith.index_cast %get3A_2038 : i32 to index
      %get3A_2040 = arith.constant 48 : index
      %get3A_2041 = tpu.vector_load %arg9[%get3A_2039, %get3A_2040] {strides = array<i32>} : memref<64x64xf32, #tpu.memory_space<vmem>>, vector<16xf32>,
      %mul3A_2042 = vector.broadcast %squeeze3A_2037 : f32 to vector<16xf32>
      %mul3A_2043 = arith.mulf %mul3A_2042, %get3A_2041 : vector<16xf32>
      %add3A_2044 = arith.addf %add3A_2035, %mul3A_2043 : vector<16xf32>
      %slice3A_2045 = vector.extract_strided_slice %gather3A_52 {offsets = [8], sizes = [1], strides = [1]} : vector<16xf32> to vector<1xf32>
      %squeeze3A_2046 = vector.extract %slice3A_2045[0] : f32 from vector<1xf32>
      %get3A_2047 = arith.constant 24 : i32
      %get3A_2048 = arith.index_cast %get3A_2047 : i32 to index
      %get3A_2049 = arith.constant 48 : index
      %get3A_2050 = tpu.vector_load %arg9[%get3A_2048, %get3A_2049] {strides = array<i32>} : memref<64x64xf32, #tpu.memory_space<vmem>>, vector<16xf32>,
      %mul3A_2051 = vector.broadcast %squeeze3A_2046 : f32 to vector<16xf32>
      %mul3A_2052 = arith.mulf %mul3A_2051, %get3A_2050 : vector<16xf32>
      %add3A_2053 = arith.addf %add3A_2044, %mul3A_2052 : vector<16xf32>
      %slice3A_2054 = vector.extract_strided_slice %gather3A_52 {offsets = [9], sizes = [1], strides = [1]} : vector<16xf32> to vector<1xf32>
      %squeeze3A_2055 = vector.extract %slice3A_2054[0] : f32 from vector<1xf32>
      %get3A_2056 = arith.constant 25 : i32
      %get3A_2057 = arith.index_cast %get3A_2056 : i32 to index
      %get3A_2058 = arith.constant 48 : index
      %get3A_2059 = tpu.vector_load %arg9[%get3A_2057, %get3A_2058] {strides = array<i32>} : memref<64x64xf32, #tpu.memory_space<vmem>>, vector<16xf32>,
      %mul3A_2060 = vector.broadcast %squeeze3A_2055 : f32 to vector<16xf32>
      %mul3A_2061 = arith.mulf %mul3A_2060, %get3A_2059 : vector<16xf32>
      %add3A_2062 = arith.addf %add3A_2053, %mul3A_2061 : vector<16xf32>
      %slice3A_2063 = vector.extract_strided_slice %gather3A_52 {offsets = [10], sizes = [1], strides = [1]} : vector<16xf32> to vector<1xf32>
      %squeeze3A_2064 = vector.extract %slice3A_2063[0] : f32 from vector<1xf32>
      %get3A_2065 = arith.constant 26 : i32
      %get3A_2066 = arith.index_cast %get3A_2065 : i32 to index
      %get3A_2067 = arith.constant 48 : index
      %get3A_2068 = tpu.vector_load %arg9[%get3A_2066, %get3A_2067] {strides = array<i32>} : memref<64x64xf32, #tpu.memory_space<vmem>>, vector<16xf32>,
      %mul3A_2069 = vector.broadcast %squeeze3A_2064 : f32 to vector<16xf32>
      %mul3A_2070 = arith.mulf %mul3A_2069, %get3A_2068 : vector<16xf32>
      %add3A_2071 = arith.addf %add3A_2062, %mul3A_2070 : vector<16xf32>
      %slice3A_2072 = vector.extract_strided_slice %gather3A_52 {offsets = [11], sizes = [1], strides = [1]} : vector<16xf32> to vector<1xf32>
      %squeeze3A_2073 = vector.extract %slice3A_2072[0] : f32 from vector<1xf32>
      %get3A_2074 = arith.constant 27 : i32
      %get3A_2075 = arith.index_cast %get3A_2074 : i32 to index
      %get3A_2076 = arith.constant 48 : index
      %get3A_2077 = tpu.vector_load %arg9[%get3A_2075, %get3A_2076] {strides = array<i32>} : memref<64x64xf32, #tpu.memory_space<vmem>>, vector<16xf32>,
      %mul3A_2078 = vector.broadcast %squeeze3A_2073 : f32 to vector<16xf32>
      %mul3A_2079 = arith.mulf %mul3A_2078, %get3A_2077 : vector<16xf32>
      %add3A_2080 = arith.addf %add3A_2071, %mul3A_2079 : vector<16xf32>
      %slice3A_2081 = vector.extract_strided_slice %gather3A_52 {offsets = [12], sizes = [1], strides = [1]} : vector<16xf32> to vector<1xf32>
      %squeeze3A_2082 = vector.extract %slice3A_2081[0] : f32 from vector<1xf32>
      %get3A_2083 = arith.constant 28 : i32
      %get3A_2084 = arith.index_cast %get3A_2083 : i32 to index
      %get3A_2085 = arith.constant 48 : index
      %get3A_2086 = tpu.vector_load %arg9[%get3A_2084, %get3A_2085] {strides = array<i32>} : memref<64x64xf32, #tpu.memory_space<vmem>>, vector<16xf32>,
      %mul3A_2087 = vector.broadcast %squeeze3A_2082 : f32 to vector<16xf32>
      %mul3A_2088 = arith.mulf %mul3A_2087, %get3A_2086 : vector<16xf32>
      %add3A_2089 = arith.addf %add3A_2080, %mul3A_2088 : vector<16xf32>
      %slice3A_2090 = vector.extract_strided_slice %gather3A_52 {offsets = [13], sizes = [1], strides = [1]} : vector<16xf32> to vector<1xf32>
      %squeeze3A_2091 = vector.extract %slice3A_2090[0] : f32 from vector<1xf32>
      %get3A_2092 = arith.constant 29 : i32
      %get3A_2093 = arith.index_cast %get3A_2092 : i32 to index
      %get3A_2094 = arith.constant 48 : index
      %get3A_2095 = tpu.vector_load %arg9[%get3A_2093, %get3A_2094] {strides = array<i32>} : memref<64x64xf32, #tpu.memory_space<vmem>>, vector<16xf32>,
      %mul3A_2096 = vector.broadcast %squeeze3A_2091 : f32 to vector<16xf32>
      %mul3A_2097 = arith.mulf %mul3A_2096, %get3A_2095 : vector<16xf32>
      %add3A_2098 = arith.addf %add3A_2089, %mul3A_2097 : vector<16xf32>
      %slice3A_2099 = vector.extract_strided_slice %gather3A_52 {offsets = [14], sizes = [1], strides = [1]} : vector<16xf32> to vector<1xf32>
      %squeeze3A_2100 = vector.extract %slice3A_2099[0] : f32 from vector<1xf32>
      %get3A_2101 = arith.constant 30 : i32
      %get3A_2102 = arith.index_cast %get3A_2101 : i32 to index
      %get3A_2103 = arith.constant 48 : index
      %get3A_2104 = tpu.vector_load %arg9[%get3A_2102, %get3A_2103] {strides = array<i32>} : memref<64x64xf32, #tpu.memory_space<vmem>>, vector<16xf32>,
      %mul3A_2105 = vector.broadcast %squeeze3A_2100 : f32 to vector<16xf32>
      %mul3A_2106 = arith.mulf %mul3A_2105, %get3A_2104 : vector<16xf32>
      %add3A_2107 = arith.addf %add3A_2098, %mul3A_2106 : vector<16xf32>
      %slice3A_2108 = vector.extract_strided_slice %gather3A_52 {offsets = [15], sizes = [1], strides = [1]} : vector<16xf32> to vector<1xf32>
      %squeeze3A_2109 = vector.extract %slice3A_2108[0] : f32 from vector<1xf32>
      %get3A_2110 = arith.constant 31 : i32
      %get3A_2111 = arith.index_cast %get3A_2110 : i32 to index
      %get3A_2112 = arith.constant 48 : index
      %get3A_2113 = tpu.vector_load %arg9[%get3A_2111, %get3A_2112] {strides = array<i32>} : memref<64x64xf32, #tpu.memory_space<vmem>>, vector<16xf32>,
      %mul3A_2114 = vector.broadcast %squeeze3A_2109 : f32 to vector<16xf32>
      %mul3A_2115 = arith.mulf %mul3A_2114, %get3A_2113 : vector<16xf32>
      %add3A_2116 = arith.addf %add3A_2107, %mul3A_2115 : vector<16xf32>
      %slice3A_2117 = vector.extract_strided_slice %gather3A_56 {offsets = [0], sizes = [1], strides = [1]} : vector<16xf32> to vector<1xf32>
      %squeeze3A_2118 = vector.extract %slice3A_2117[0] : f32 from vector<1xf32>
      %get3A_2119 = arith.constant 32 : i32
      %get3A_2120 = arith.index_cast %get3A_2119 : i32 to index
      %get3A_2121 = arith.constant 48 : index
      %get3A_2122 = tpu.vector_load %arg9[%get3A_2120, %get3A_2121] {strides = array<i32>} : memref<64x64xf32, #tpu.memory_space<vmem>>, vector<16xf32>,
      %mul3A_2123 = vector.broadcast %squeeze3A_2118 : f32 to vector<16xf32>
      %mul3A_2124 = arith.mulf %mul3A_2123, %get3A_2122 : vector<16xf32>
      %add3A_2125 = arith.addf %add3A_2116, %mul3A_2124 : vector<16xf32>
      %slice3A_2126 = vector.extract_strided_slice %gather3A_56 {offsets = [1], sizes = [1], strides = [1]} : vector<16xf32> to vector<1xf32>
      %squeeze3A_2127 = vector.extract %slice3A_2126[0] : f32 from vector<1xf32>
      %get3A_2128 = arith.constant 33 : i32
      %get3A_2129 = arith.index_cast %get3A_2128 : i32 to index
      %get3A_2130 = arith.constant 48 : index
      %get3A_2131 = tpu.vector_load %arg9[%get3A_2129, %get3A_2130] {strides = array<i32>} : memref<64x64xf32, #tpu.memory_space<vmem>>, vector<16xf32>,
      %mul3A_2132 = vector.broadcast %squeeze3A_2127 : f32 to vector<16xf32>
      %mul3A_2133 = arith.mulf %mul3A_2132, %get3A_2131 : vector<16xf32>
      %add3A_2134 = arith.addf %add3A_2125, %mul3A_2133 : vector<16xf32>
      %slice3A_2135 = vector.extract_strided_slice %gather3A_56 {offsets = [2], sizes = [1], strides = [1]} : vector<16xf32> to vector<1xf32>
      %squeeze3A_2136 = vector.extract %slice3A_2135[0] : f32 from vector<1xf32>
      %get3A_2137 = arith.constant 34 : i32
      %get3A_2138 = arith.index_cast %get3A_2137 : i32 to index
      %get3A_2139 = arith.constant 48 : index
      %get3A_2140 = tpu.vector_load %arg9[%get3A_2138, %get3A_2139] {strides = array<i32>} : memref<64x64xf32, #tpu.memory_space<vmem>>, vector<16xf32>,
      %mul3A_2141 = vector.broadcast %squeeze3A_2136 : f32 to vector<16xf32>
      %mul3A_2142 = arith.mulf %mul3A_2141, %get3A_2140 : vector<16xf32>
      %add3A_2143 = arith.addf %add3A_2134, %mul3A_2142 : vector<16xf32>
      %slice3A_2144 = vector.extract_strided_slice %gather3A_56 {offsets = [3], sizes = [1], strides = [1]} : vector<16xf32> to vector<1xf32>
      %squeeze3A_2145 = vector.extract %slice3A_2144[0] : f32 from vector<1xf32>
      %get3A_2146 = arith.constant 35 : i32
      %get3A_2147 = arith.index_cast %get3A_2146 : i32 to index
      %get3A_2148 = arith.constant 48 : index
      %get3A_2149 = tpu.vector_load %arg9[%get3A_2147, %get3A_2148] {strides = array<i32>} : memref<64x64xf32, #tpu.memory_space<vmem>>, vector<16xf32>,
      %mul3A_2150 = vector.broadcast %squeeze3A_2145 : f32 to vector<16xf32>
      %mul3A_2151 = arith.mulf %mul3A_2150, %get3A_2149 : vector<16xf32>
      %add3A_2152 = arith.addf %add3A_2143, %mul3A_2151 : vector<16xf32>
      %slice3A_2153 = vector.extract_strided_slice %gather3A_56 {offsets = [4], sizes = [1], strides = [1]} : vector<16xf32> to vector<1xf32>
      %squeeze3A_2154 = vector.extract %slice3A_2153[0] : f32 from vector<1xf32>
      %get3A_2155 = arith.constant 36 : i32
      %get3A_2156 = arith.index_cast %get3A_2155 : i32 to index
      %get3A_2157 = arith.constant 48 : index
      %get3A_2158 = tpu.vector_load %arg9[%get3A_2156, %get3A_2157] {strides = array<i32>} : memref<64x64xf32, #tpu.memory_space<vmem>>, vector<16xf32>,
      %mul3A_2159 = vector.broadcast %squeeze3A_2154 : f32 to vector<16xf32>
      %mul3A_2160 = arith.mulf %mul3A_2159, %get3A_2158 : vector<16xf32>
      %add3A_2161 = arith.addf %add3A_2152, %mul3A_2160 : vector<16xf32>
      %slice3A_2162 = vector.extract_strided_slice %gather3A_56 {offsets = [5], sizes = [1], strides = [1]} : vector<16xf32> to vector<1xf32>
      %squeeze3A_2163 = vector.extract %slice3A_2162[0] : f32 from vector<1xf32>
      %get3A_2164 = arith.constant 37 : i32
      %get3A_2165 = arith.index_cast %get3A_2164 : i32 to index
      %get3A_2166 = arith.constant 48 : index
      %get3A_2167 = tpu.vector_load %arg9[%get3A_2165, %get3A_2166] {strides = array<i32>} : memref<64x64xf32, #tpu.memory_space<vmem>>, vector<16xf32>,
      %mul3A_2168 = vector.broadcast %squeeze3A_2163 : f32 to vector<16xf32>
      %mul3A_2169 = arith.mulf %mul3A_2168, %get3A_2167 : vector<16xf32>
      %add3A_2170 = arith.addf %add3A_2161, %mul3A_2169 : vector<16xf32>
      %slice3A_2171 = vector.extract_strided_slice %gather3A_56 {offsets = [6], sizes = [1], strides = [1]} : vector<16xf32> to vector<1xf32>
      %squeeze3A_2172 = vector.extract %slice3A_2171[0] : f32 from vector<1xf32>
      %get3A_2173 = arith.constant 38 : i32
      %get3A_2174 = arith.index_cast %get3A_2173 : i32 to index
      %get3A_2175 = arith.constant 48 : index
      %get3A_2176 = tpu.vector_load %arg9[%get3A_2174, %get3A_2175] {strides = array<i32>} : memref<64x64xf32, #tpu.memory_space<vmem>>, vector<16xf32>,
      %mul3A_2177 = vector.broadcast %squeeze3A_2172 : f32 to vector<16xf32>
      %mul3A_2178 = arith.mulf %mul3A_2177, %get3A_2176 : vector<16xf32>
      %add3A_2179 = arith.addf %add3A_2170, %mul3A_2178 : vector<16xf32>
      %slice3A_2180 = vector.extract_strided_slice %gather3A_56 {offsets = [7], sizes = [1], strides = [1]} : vector<16xf32> to vector<1xf32>
      %squeeze3A_2181 = vector.extract %slice3A_2180[0] : f32 from vector<1xf32>
      %get3A_2182 = arith.constant 39 : i32
      %get3A_2183 = arith.index_cast %get3A_2182 : i32 to index
      %get3A_2184 = arith.constant 48 : index
      %get3A_2185 = tpu.vector_load %arg9[%get3A_2183, %get3A_2184] {strides = array<i32>} : memref<64x64xf32, #tpu.memory_space<vmem>>, vector<16xf32>,
      %mul3A_2186 = vector.broadcast %squeeze3A_2181 : f32 to vector<16xf32>
      %mul3A_2187 = arith.mulf %mul3A_2186, %get3A_2185 : vector<16xf32>
      %add3A_2188 = arith.addf %add3A_2179, %mul3A_2187 : vector<16xf32>
      %slice3A_2189 = vector.extract_strided_slice %gather3A_56 {offsets = [8], sizes = [1], strides = [1]} : vector<16xf32> to vector<1xf32>
      %squeeze3A_2190 = vector.extract %slice3A_2189[0] : f32 from vector<1xf32>
      %get3A_2191 = arith.constant 40 : i32
      %get3A_2192 = arith.index_cast %get3A_2191 : i32 to index
      %get3A_2193 = arith.constant 48 : index
      %get3A_2194 = tpu.vector_load %arg9[%get3A_2192, %get3A_2193] {strides = array<i32>} : memref<64x64xf32, #tpu.memory_space<vmem>>, vector<16xf32>,
      %mul3A_2195 = vector.broadcast %squeeze3A_2190 : f32 to vector<16xf32>
      %mul3A_2196 = arith.mulf %mul3A_2195, %get3A_2194 : vector<16xf32>
      %add3A_2197 = arith.addf %add3A_2188, %mul3A_2196 : vector<16xf32>
      %slice3A_2198 = vector.extract_strided_slice %gather3A_56 {offsets = [9], sizes = [1], strides = [1]} : vector<16xf32> to vector<1xf32>
      %squeeze3A_2199 = vector.extract %slice3A_2198[0] : f32 from vector<1xf32>
      %get3A_2200 = arith.constant 41 : i32
      %get3A_2201 = arith.index_cast %get3A_2200 : i32 to index
      %get3A_2202 = arith.constant 48 : index
      %get3A_2203 = tpu.vector_load %arg9[%get3A_2201, %get3A_2202] {strides = array<i32>} : memref<64x64xf32, #tpu.memory_space<vmem>>, vector<16xf32>,
      %mul3A_2204 = vector.broadcast %squeeze3A_2199 : f32 to vector<16xf32>
      %mul3A_2205 = arith.mulf %mul3A_2204, %get3A_2203 : vector<16xf32>
      %add3A_2206 = arith.addf %add3A_2197, %mul3A_2205 : vector<16xf32>
      %slice3A_2207 = vector.extract_strided_slice %gather3A_56 {offsets = [10], sizes = [1], strides = [1]} : vector<16xf32> to vector<1xf32>
      %squeeze3A_2208 = vector.extract %slice3A_2207[0] : f32 from vector<1xf32>
      %get3A_2209 = arith.constant 42 : i32
      %get3A_2210 = arith.index_cast %get3A_2209 : i32 to index
      %get3A_2211 = arith.constant 48 : index
      %get3A_2212 = tpu.vector_load %arg9[%get3A_2210, %get3A_2211] {strides = array<i32>} : memref<64x64xf32, #tpu.memory_space<vmem>>, vector<16xf32>,
      %mul3A_2213 = vector.broadcast %squeeze3A_2208 : f32 to vector<16xf32>
      %mul3A_2214 = arith.mulf %mul3A_2213, %get3A_2212 : vector<16xf32>
      %add3A_2215 = arith.addf %add3A_2206, %mul3A_2214 : vector<16xf32>
      %slice3A_2216 = vector.extract_strided_slice %gather3A_56 {offsets = [11], sizes = [1], strides = [1]} : vector<16xf32> to vector<1xf32>
      %squeeze3A_2217 = vector.extract %slice3A_2216[0] : f32 from vector<1xf32>
      %get3A_2218 = arith.constant 43 : i32
      %get3A_2219 = arith.index_cast %get3A_2218 : i32 to index
      %get3A_2220 = arith.constant 48 : index
      %get3A_2221 = tpu.vector_load %arg9[%get3A_2219, %get3A_2220] {strides = array<i32>} : memref<64x64xf32, #tpu.memory_space<vmem>>, vector<16xf32>,
      %mul3A_2222 = vector.broadcast %squeeze3A_2217 : f32 to vector<16xf32>
      %mul3A_2223 = arith.mulf %mul3A_2222, %get3A_2221 : vector<16xf32>
      %add3A_2224 = arith.addf %add3A_2215, %mul3A_2223 : vector<16xf32>
      %slice3A_2225 = vector.extract_strided_slice %gather3A_56 {offsets = [12], sizes = [1], strides = [1]} : vector<16xf32> to vector<1xf32>
      %squeeze3A_2226 = vector.extract %slice3A_2225[0] : f32 from vector<1xf32>
      %get3A_2227 = arith.constant 44 : i32
      %get3A_2228 = arith.index_cast %get3A_2227 : i32 to index
      %get3A_2229 = arith.constant 48 : index
      %get3A_2230 = tpu.vector_load %arg9[%get3A_2228, %get3A_2229] {strides = array<i32>} : memref<64x64xf32, #tpu.memory_space<vmem>>, vector<16xf32>,
      %mul3A_2231 = vector.broadcast %squeeze3A_2226 : f32 to vector<16xf32>
      %mul3A_2232 = arith.mulf %mul3A_2231, %get3A_2230 : vector<16xf32>
      %add3A_2233 = arith.addf %add3A_2224, %mul3A_2232 : vector<16xf32>
      %slice3A_2234 = vector.extract_strided_slice %gather3A_56 {offsets = [13], sizes = [1], strides = [1]} : vector<16xf32> to vector<1xf32>
      %squeeze3A_2235 = vector.extract %slice3A_2234[0] : f32 from vector<1xf32>
      %get3A_2236 = arith.constant 45 : i32
      %get3A_2237 = arith.index_cast %get3A_2236 : i32 to index
      %get3A_2238 = arith.constant 48 : index
      %get3A_2239 = tpu.vector_load %arg9[%get3A_2237, %get3A_2238] {strides = array<i32>} : memref<64x64xf32, #tpu.memory_space<vmem>>, vector<16xf32>,
      %mul3A_2240 = vector.broadcast %squeeze3A_2235 : f32 to vector<16xf32>
      %mul3A_2241 = arith.mulf %mul3A_2240, %get3A_2239 : vector<16xf32>
      %add3A_2242 = arith.addf %add3A_2233, %mul3A_2241 : vector<16xf32>
      %slice3A_2243 = vector.extract_strided_slice %gather3A_56 {offsets = [14], sizes = [1], strides = [1]} : vector<16xf32> to vector<1xf32>
      %squeeze3A_2244 = vector.extract %slice3A_2243[0] : f32 from vector<1xf32>
      %get3A_2245 = arith.constant 46 : i32
      %get3A_2246 = arith.index_cast %get3A_2245 : i32 to index
      %get3A_2247 = arith.constant 48 : index
      %get3A_2248 = tpu.vector_load %arg9[%get3A_2246, %get3A_2247] {strides = array<i32>} : memref<64x64xf32, #tpu.memory_space<vmem>>, vector<16xf32>,
      %mul3A_2249 = vector.broadcast %squeeze3A_2244 : f32 to vector<16xf32>
      %mul3A_2250 = arith.mulf %mul3A_2249, %get3A_2248 : vector<16xf32>
      %add3A_2251 = arith.addf %add3A_2242, %mul3A_2250 : vector<16xf32>
      %slice3A_2252 = vector.extract_strided_slice %gather3A_56 {offsets = [15], sizes = [1], strides = [1]} : vector<16xf32> to vector<1xf32>
      %squeeze3A_2253 = vector.extract %slice3A_2252[0] : f32 from vector<1xf32>
      %get3A_2254 = arith.constant 47 : i32
      %get3A_2255 = arith.index_cast %get3A_2254 : i32 to index
      %get3A_2256 = arith.constant 48 : index
      %get3A_2257 = tpu.vector_load %arg9[%get3A_2255, %get3A_2256] {strides = array<i32>} : memref<64x64xf32, #tpu.memory_space<vmem>>, vector<16xf32>,
      %mul3A_2258 = vector.broadcast %squeeze3A_2253 : f32 to vector<16xf32>
      %mul3A_2259 = arith.mulf %mul3A_2258, %get3A_2257 : vector<16xf32>
      %add3A_2260 = arith.addf %add3A_2251, %mul3A_2259 : vector<16xf32>
      %slice3A_2261 = vector.extract_strided_slice %gather3A_60 {offsets = [0], sizes = [1], strides = [1]} : vector<16xf32> to vector<1xf32>
      %squeeze3A_2262 = vector.extract %slice3A_2261[0] : f32 from vector<1xf32>
      %get3A_2263 = arith.constant 48 : i32
      %get3A_2264 = arith.index_cast %get3A_2263 : i32 to index
      %get3A_2265 = arith.constant 48 : index
      %get3A_2266 = tpu.vector_load %arg9[%get3A_2264, %get3A_2265] {strides = array<i32>} : memref<64x64xf32, #tpu.memory_space<vmem>>, vector<16xf32>,
      %mul3A_2267 = vector.broadcast %squeeze3A_2262 : f32 to vector<16xf32>
      %mul3A_2268 = arith.mulf %mul3A_2267, %get3A_2266 : vector<16xf32>
      %add3A_2269 = arith.addf %add3A_2260, %mul3A_2268 : vector<16xf32>
      %slice3A_2270 = vector.extract_strided_slice %gather3A_60 {offsets = [1], sizes = [1], strides = [1]} : vector<16xf32> to vector<1xf32>
      %squeeze3A_2271 = vector.extract %slice3A_2270[0] : f32 from vector<1xf32>
      %get3A_2272 = arith.constant 49 : i32
      %get3A_2273 = arith.index_cast %get3A_2272 : i32 to index
      %get3A_2274 = arith.constant 48 : index
      %get3A_2275 = tpu.vector_load %arg9[%get3A_2273, %get3A_2274] {strides = array<i32>} : memref<64x64xf32, #tpu.memory_space<vmem>>, vector<16xf32>,
      %mul3A_2276 = vector.broadcast %squeeze3A_2271 : f32 to vector<16xf32>
      %mul3A_2277 = arith.mulf %mul3A_2276, %get3A_2275 : vector<16xf32>
      %add3A_2278 = arith.addf %add3A_2269, %mul3A_2277 : vector<16xf32>
      %slice3A_2279 = vector.extract_strided_slice %gather3A_60 {offsets = [2], sizes = [1], strides = [1]} : vector<16xf32> to vector<1xf32>
      %squeeze3A_2280 = vector.extract %slice3A_2279[0] : f32 from vector<1xf32>
      %get3A_2281 = arith.constant 50 : i32
      %get3A_2282 = arith.index_cast %get3A_2281 : i32 to index
      %get3A_2283 = arith.constant 48 : index
      %get3A_2284 = tpu.vector_load %arg9[%get3A_2282, %get3A_2283] {strides = array<i32>} : memref<64x64xf32, #tpu.memory_space<vmem>>, vector<16xf32>,
      %mul3A_2285 = vector.broadcast %squeeze3A_2280 : f32 to vector<16xf32>
      %mul3A_2286 = arith.mulf %mul3A_2285, %get3A_2284 : vector<16xf32>
      %add3A_2287 = arith.addf %add3A_2278, %mul3A_2286 : vector<16xf32>
      %slice3A_2288 = vector.extract_strided_slice %gather3A_60 {offsets = [3], sizes = [1], strides = [1]} : vector<16xf32> to vector<1xf32>
      %squeeze3A_2289 = vector.extract %slice3A_2288[0] : f32 from vector<1xf32>
      %get3A_2290 = arith.constant 51 : i32
      %get3A_2291 = arith.index_cast %get3A_2290 : i32 to index
      %get3A_2292 = arith.constant 48 : index
      %get3A_2293 = tpu.vector_load %arg9[%get3A_2291, %get3A_2292] {strides = array<i32>} : memref<64x64xf32, #tpu.memory_space<vmem>>, vector<16xf32>,
      %mul3A_2294 = vector.broadcast %squeeze3A_2289 : f32 to vector<16xf32>
      %mul3A_2295 = arith.mulf %mul3A_2294, %get3A_2293 : vector<16xf32>
      %add3A_2296 = arith.addf %add3A_2287, %mul3A_2295 : vector<16xf32>
      %slice3A_2297 = vector.extract_strided_slice %gather3A_60 {offsets = [4], sizes = [1], strides = [1]} : vector<16xf32> to vector<1xf32>
      %squeeze3A_2298 = vector.extract %slice3A_2297[0] : f32 from vector<1xf32>
      %get3A_2299 = arith.constant 52 : i32
      %get3A_2300 = arith.index_cast %get3A_2299 : i32 to index
      %get3A_2301 = arith.constant 48 : index
      %get3A_2302 = tpu.vector_load %arg9[%get3A_2300, %get3A_2301] {strides = array<i32>} : memref<64x64xf32, #tpu.memory_space<vmem>>, vector<16xf32>,
      %mul3A_2303 = vector.broadcast %squeeze3A_2298 : f32 to vector<16xf32>
      %mul3A_2304 = arith.mulf %mul3A_2303, %get3A_2302 : vector<16xf32>
      %add3A_2305 = arith.addf %add3A_2296, %mul3A_2304 : vector<16xf32>
      %slice3A_2306 = vector.extract_strided_slice %gather3A_60 {offsets = [5], sizes = [1], strides = [1]} : vector<16xf32> to vector<1xf32>
      %squeeze3A_2307 = vector.extract %slice3A_2306[0] : f32 from vector<1xf32>
      %get3A_2308 = arith.constant 53 : i32
      %get3A_2309 = arith.index_cast %get3A_2308 : i32 to index
      %get3A_2310 = arith.constant 48 : index
      %get3A_2311 = tpu.vector_load %arg9[%get3A_2309, %get3A_2310] {strides = array<i32>} : memref<64x64xf32, #tpu.memory_space<vmem>>, vector<16xf32>,
      %mul3A_2312 = vector.broadcast %squeeze3A_2307 : f32 to vector<16xf32>
      %mul3A_2313 = arith.mulf %mul3A_2312, %get3A_2311 : vector<16xf32>
      %add3A_2314 = arith.addf %add3A_2305, %mul3A_2313 : vector<16xf32>
      %slice3A_2315 = vector.extract_strided_slice %gather3A_60 {offsets = [6], sizes = [1], strides = [1]} : vector<16xf32> to vector<1xf32>
      %squeeze3A_2316 = vector.extract %slice3A_2315[0] : f32 from vector<1xf32>
      %get3A_2317 = arith.constant 54 : i32
      %get3A_2318 = arith.index_cast %get3A_2317 : i32 to index
      %get3A_2319 = arith.constant 48 : index
      %get3A_2320 = tpu.vector_load %arg9[%get3A_2318, %get3A_2319] {strides = array<i32>} : memref<64x64xf32, #tpu.memory_space<vmem>>, vector<16xf32>,
      %mul3A_2321 = vector.broadcast %squeeze3A_2316 : f32 to vector<16xf32>
      %mul3A_2322 = arith.mulf %mul3A_2321, %get3A_2320 : vector<16xf32>
      %add3A_2323 = arith.addf %add3A_2314, %mul3A_2322 : vector<16xf32>
      %slice3A_2324 = vector.extract_strided_slice %gather3A_60 {offsets = [7], sizes = [1], strides = [1]} : vector<16xf32> to vector<1xf32>
      %squeeze3A_2325 = vector.extract %slice3A_2324[0] : f32 from vector<1xf32>
      %get3A_2326 = arith.constant 55 : i32
      %get3A_2327 = arith.index_cast %get3A_2326 : i32 to index
      %get3A_2328 = arith.constant 48 : index
      %get3A_2329 = tpu.vector_load %arg9[%get3A_2327, %get3A_2328] {strides = array<i32>} : memref<64x64xf32, #tpu.memory_space<vmem>>, vector<16xf32>,
      %mul3A_2330 = vector.broadcast %squeeze3A_2325 : f32 to vector<16xf32>
      %mul3A_2331 = arith.mulf %mul3A_2330, %get3A_2329 : vector<16xf32>
      %add3A_2332 = arith.addf %add3A_2323, %mul3A_2331 : vector<16xf32>
      %slice3A_2333 = vector.extract_strided_slice %gather3A_60 {offsets = [8], sizes = [1], strides = [1]} : vector<16xf32> to vector<1xf32>
      %squeeze3A_2334 = vector.extract %slice3A_2333[0] : f32 from vector<1xf32>
      %get3A_2335 = arith.constant 56 : i32
      %get3A_2336 = arith.index_cast %get3A_2335 : i32 to index
      %get3A_2337 = arith.constant 48 : index
      %get3A_2338 = tpu.vector_load %arg9[%get3A_2336, %get3A_2337] {strides = array<i32>} : memref<64x64xf32, #tpu.memory_space<vmem>>, vector<16xf32>,
      %mul3A_2339 = vector.broadcast %squeeze3A_2334 : f32 to vector<16xf32>
      %mul3A_2340 = arith.mulf %mul3A_2339, %get3A_2338 : vector<16xf32>
      %add3A_2341 = arith.addf %add3A_2332, %mul3A_2340 : vector<16xf32>
      %slice3A_2342 = vector.extract_strided_slice %gather3A_60 {offsets = [9], sizes = [1], strides = [1]} : vector<16xf32> to vector<1xf32>
      %squeeze3A_2343 = vector.extract %slice3A_2342[0] : f32 from vector<1xf32>
      %get3A_2344 = arith.constant 57 : i32
      %get3A_2345 = arith.index_cast %get3A_2344 : i32 to index
      %get3A_2346 = arith.constant 48 : index
      %get3A_2347 = tpu.vector_load %arg9[%get3A_2345, %get3A_2346] {strides = array<i32>} : memref<64x64xf32, #tpu.memory_space<vmem>>, vector<16xf32>,
      %mul3A_2348 = vector.broadcast %squeeze3A_2343 : f32 to vector<16xf32>
      %mul3A_2349 = arith.mulf %mul3A_2348, %get3A_2347 : vector<16xf32>
      %add3A_2350 = arith.addf %add3A_2341, %mul3A_2349 : vector<16xf32>
      %slice3A_2351 = vector.extract_strided_slice %gather3A_60 {offsets = [10], sizes = [1], strides = [1]} : vector<16xf32> to vector<1xf32>
      %squeeze3A_2352 = vector.extract %slice3A_2351[0] : f32 from vector<1xf32>
      %get3A_2353 = arith.constant 58 : i32
      %get3A_2354 = arith.index_cast %get3A_2353 : i32 to index
      %get3A_2355 = arith.constant 48 : index
      %get3A_2356 = tpu.vector_load %arg9[%get3A_2354, %get3A_2355] {strides = array<i32>} : memref<64x64xf32, #tpu.memory_space<vmem>>, vector<16xf32>,
      %mul3A_2357 = vector.broadcast %squeeze3A_2352 : f32 to vector<16xf32>
      %mul3A_2358 = arith.mulf %mul3A_2357, %get3A_2356 : vector<16xf32>
      %add3A_2359 = arith.addf %add3A_2350, %mul3A_2358 : vector<16xf32>
      %slice3A_2360 = vector.extract_strided_slice %gather3A_60 {offsets = [11], sizes = [1], strides = [1]} : vector<16xf32> to vector<1xf32>
      %squeeze3A_2361 = vector.extract %slice3A_2360[0] : f32 from vector<1xf32>
      %get3A_2362 = arith.constant 59 : i32
      %get3A_2363 = arith.index_cast %get3A_2362 : i32 to index
      %get3A_2364 = arith.constant 48 : index
      %get3A_2365 = tpu.vector_load %arg9[%get3A_2363, %get3A_2364] {strides = array<i32>} : memref<64x64xf32, #tpu.memory_space<vmem>>, vector<16xf32>,
      %mul3A_2366 = vector.broadcast %squeeze3A_2361 : f32 to vector<16xf32>
      %mul3A_2367 = arith.mulf %mul3A_2366, %get3A_2365 : vector<16xf32>
      %add3A_2368 = arith.addf %add3A_2359, %mul3A_2367 : vector<16xf32>
      %slice3A_2369 = vector.extract_strided_slice %gather3A_60 {offsets = [12], sizes = [1], strides = [1]} : vector<16xf32> to vector<1xf32>
      %squeeze3A_2370 = vector.extract %slice3A_2369[0] : f32 from vector<1xf32>
      %get3A_2371 = arith.constant 60 : i32
      %get3A_2372 = arith.index_cast %get3A_2371 : i32 to index
      %get3A_2373 = arith.constant 48 : index
      %get3A_2374 = tpu.vector_load %arg9[%get3A_2372, %get3A_2373] {strides = array<i32>} : memref<64x64xf32, #tpu.memory_space<vmem>>, vector<16xf32>,
      %mul3A_2375 = vector.broadcast %squeeze3A_2370 : f32 to vector<16xf32>
      %mul3A_2376 = arith.mulf %mul3A_2375, %get3A_2374 : vector<16xf32>
      %add3A_2377 = arith.addf %add3A_2368, %mul3A_2376 : vector<16xf32>
      %slice3A_2378 = vector.extract_strided_slice %gather3A_60 {offsets = [13], sizes = [1], strides = [1]} : vector<16xf32> to vector<1xf32>
      %squeeze3A_2379 = vector.extract %slice3A_2378[0] : f32 from vector<1xf32>
      %get3A_2380 = arith.constant 61 : i32
      %get3A_2381 = arith.index_cast %get3A_2380 : i32 to index
      %get3A_2382 = arith.constant 48 : index
      %get3A_2383 = tpu.vector_load %arg9[%get3A_2381, %get3A_2382] {strides = array<i32>} : memref<64x64xf32, #tpu.memory_space<vmem>>, vector<16xf32>,
      %mul3A_2384 = vector.broadcast %squeeze3A_2379 : f32 to vector<16xf32>
      %mul3A_2385 = arith.mulf %mul3A_2384, %get3A_2383 : vector<16xf32>
      %add3A_2386 = arith.addf %add3A_2377, %mul3A_2385 : vector<16xf32>
      %slice3A_2387 = vector.extract_strided_slice %gather3A_60 {offsets = [14], sizes = [1], strides = [1]} : vector<16xf32> to vector<1xf32>
      %squeeze3A_2388 = vector.extract %slice3A_2387[0] : f32 from vector<1xf32>
      %get3A_2389 = arith.constant 62 : i32
      %get3A_2390 = arith.index_cast %get3A_2389 : i32 to index
      %get3A_2391 = arith.constant 48 : index
      %get3A_2392 = tpu.vector_load %arg9[%get3A_2390, %get3A_2391] {strides = array<i32>} : memref<64x64xf32, #tpu.memory_space<vmem>>, vector<16xf32>,
      %mul3A_2393 = vector.broadcast %squeeze3A_2388 : f32 to vector<16xf32>
      %mul3A_2394 = arith.mulf %mul3A_2393, %get3A_2392 : vector<16xf32>
      %add3A_2395 = arith.addf %add3A_2386, %mul3A_2394 : vector<16xf32>
      %slice3A_2396 = vector.extract_strided_slice %gather3A_60 {offsets = [15], sizes = [1], strides = [1]} : vector<16xf32> to vector<1xf32>
      %squeeze3A_2397 = vector.extract %slice3A_2396[0] : f32 from vector<1xf32>
      %get3A_2398 = arith.constant 63 : i32
      %get3A_2399 = arith.index_cast %get3A_2398 : i32 to index
      %get3A_2400 = arith.constant 48 : index
      %get3A_2401 = tpu.vector_load %arg9[%get3A_2399, %get3A_2400] {strides = array<i32>} : memref<64x64xf32, #tpu.memory_space<vmem>>, vector<16xf32>,
      %mul3A_2402 = vector.broadcast %squeeze3A_2397 : f32 to vector<16xf32>
      %mul3A_2403 = arith.mulf %mul3A_2402, %get3A_2401 : vector<16xf32>
      %add3A_2404 = arith.addf %add3A_2395, %mul3A_2403 : vector<16xf32>
      %mul3A_2405 = arith.mulf %add3A_2404, %gather3A_76 : vector<16xf32>
      %add3A_2406 = arith.addf %add3A_1826, %mul3A_2405 : vector<16xf32>
      %xor3A = arith.constant 8 : i32
      %xor3A_2407 = vector.broadcast %xor3A : i32 to vector<16xi32>
      %xor3A_2408 = arith.xori %iota3A, %xor3A_2407 : vector<16xi32>
      %broadcast_in_dim3A_2409 = vector.shape_cast %xor3A_2408 : vector<16xi32> to vector<16x1xi32>
      %gather3A_2410 = vector.shape_cast %broadcast_in_dim3A_2409 : vector<16x1xi32> to vector<16xi32>
      %gather3A_2411 = tpu.dynamic_gather %add3A_2406[%gather3A_2410] in [0] : vector<16xf32>, vector<16xi32> -> vector<16xf32>
      %add3A_2412 = arith.addf %add3A_2406, %gather3A_2411 : vector<16xf32>
      %xor3A_2413 = arith.constant 4 : i32
      %xor3A_2414 = vector.broadcast %xor3A_2413 : i32 to vector<16xi32>
      %xor3A_2415 = arith.xori %iota3A, %xor3A_2414 : vector<16xi32>
      %broadcast_in_dim3A_2416 = vector.shape_cast %xor3A_2415 : vector<16xi32> to vector<16x1xi32>
      %gather3A_2417 = vector.shape_cast %broadcast_in_dim3A_2416 : vector<16x1xi32> to vector<16xi32>
      %gather3A_2418 = tpu.dynamic_gather %add3A_2412[%gather3A_2417] in [0] : vector<16xf32>, vector<16xi32> -> vector<16xf32>
      %add3A_2419 = arith.addf %add3A_2412, %gather3A_2418 : vector<16xf32>
      %xor3A_2420 = arith.constant 2 : i32
      %xor3A_2421 = vector.broadcast %xor3A_2420 : i32 to vector<16xi32>
      %xor3A_2422 = arith.xori %iota3A, %xor3A_2421 : vector<16xi32>
      %broadcast_in_dim3A_2423 = vector.shape_cast %xor3A_2422 : vector<16xi32> to vector<16x1xi32>
      %gather3A_2424 = vector.shape_cast %broadcast_in_dim3A_2423 : vector<16x1xi32> to vector<16xi32>
      %gather3A_2425 = tpu.dynamic_gather %add3A_2419[%gather3A_2424] in [0] : vector<16xf32>, vector<16xi32> -> vector<16xf32>
      %add3A_2426 = arith.addf %add3A_2419, %gather3A_2425 : vector<16xf32>
      %xor3A_2427 = arith.constant 1 : i32
      %xor3A_2428 = vector.broadcast %xor3A_2427 : i32 to vector<16xi32>
      %xor3A_2429 = arith.xori %iota3A, %xor3A_2428 : vector<16xi32>
      %broadcast_in_dim3A_2430 = vector.shape_cast %xor3A_2429 : vector<16xi32> to vector<16x1xi32>
      %gather3A_2431 = vector.shape_cast %broadcast_in_dim3A_2430 : vector<16x1xi32> to vector<16xi32>
      %gather3A_2432 = tpu.dynamic_gather %add3A_2426[%gather3A_2431] in [0] : vector<16xf32>, vector<16xi32> -> vector<16xf32>
      %add3A_2433 = arith.addf %add3A_2426, %gather3A_2432 : vector<16xf32>
      %swap3A = arith.constant 0 : index
      %swap3A_2434 = tpu.vector_load %arg10[%swap3A] {strides = array<i32>} : memref<16xf32, #tpu.memory_space<vmem>>, vector<16xf32>,
      tpu.vector_store %arg10[%swap3A], %add3A_2433 {strides = array<i32>} : memref<16xf32, #tpu.memory_space<vmem>>, vector<16xf32>,
      "tpu.region"() ({
        %run_scoped3A = tpu.sem_alloc : memref<!tpu.dma_semaphore, #tpu.memory_space<semaphore_mem>>
        tpu.enqueue_dma source(%arg10 : memref<16xf32, #tpu.memory_space<vmem>>) target(%arg5 : memref<16xf32, #tpu.memory_space<hbm>>) target_semaphore(%run_scoped3A : memref<!tpu.dma_semaphore, #tpu.memory_space<semaphore_mem>>)
        tpu.wait_dma2 semaphore(%run_scoped3A : memref<!tpu.dma_semaphore, #tpu.memory_space<semaphore_mem>>) src(%arg10 : memref<16xf32, #tpu.memory_space<vmem>>) dst(%arg5 : memref<16xf32, #tpu.memory_space<hbm>>)
        tpu.yield
      }) : () -> ()
    } else {
    }
    return
  }
}

</mosaic_0001>

<sc_bundles>
// kernel: kernel.3.cloned.1.call-start
scs
__scs_entry_jumppad:
0x0: {  	(pc) =	sbr.rel $0x88, $3  }
0x1: {  	(tag) =	ssettag $0x0;
	lr =	simm.s32 $0x1  }
0x2: {  	[smem:$0x3F9E] =	sst lr;
	_ =	strace $0xD0000000  }
0x3: {  	_ = 	snop  }
0x4: {  	_ = 	snop  }
0x5: {  	_ = 	snop  }
0x6: {  	_ = 	snop  }
0x7: {  	_ = 	snop  }
__scs_overlays_trampoline_lowered:
0x8: {  	[smem:$0x3FAD] =	sst s0  }
0x9: {  	[smem:$0x3FAE] =	sst s1  }
0xa: {  	[smem:$0x3FAF] =	sst s2  }
0xb: {  	[smem:$0x3FB0] =	sst s3  }
0xc: {  	[smem:$0x3FB1] =	sst s4  }
0xd: {  	[smem:$0x3FB2] =	sst s5  }
0xe: {  	[smem:$0x3FB3] =	sst s6  }
0xf: {  	[smem:$0x3FB4] =	sst s7  }
0x10: {  	[smem:$0x3FB5] =	sst s8  }
0x11: {  	[smem:$0x3FB6] =	sst s9;
	s0 =	simm.s32 @!p0 $0x0  }
0x12: {  	s1 =	sld [smem:$0x3F9C];
	s0 =	simm.s32 @p0 $0x1  }
0x13: {  	[smem:$0x3FB7] =	sst s0;
	s0 =	simm.s32 @!p1 $0x0  }
0x14: {  	s2 =	sld [smem:$0x3F9B];
	s0 =	simm.s32 @p1 $0x1  }
0x15: {  	[smem:$0x3FB8] =	sst s0;
	s0 =	simm.s32 @!p2 $0x0  }
0x16: {  	s3 =	sld [smem:$0x3FDB];
	s0 =	simm.s32 @p2 $0x1  }
0x17: {  	s4 =	simm.s32 $0x1BF5;
	[smem:$0x3FBA] =	sst s0  }
0x18: {  	s0 =	sld [smem:$0x3F9D];
	_ =	swait.ge [sflag:s4], $0x0  }
0x19: {  	s7 =	sld [smem:$0x3F9E]  }
0x1a: {  	s8 =	sadd.s32 $0xFFFFE003, lr  }
0x1b: {  	s9 =	sadd.s32 $0xFFFFFEF7, lr;
	s5 =	simm.s32 $0xFFFFFFFF;
	p2 =	slt.u32 s8, $0xFFFFF086  }
0x1c: {  	p1 =	slt.u32 s9, $0xF7A;
	s5 =	simm.s32 @!p2 $0x0  }
0x1d: {  	s5 =	simm.s32 @p1 $0x1;
	p0 =	seq.s32 s7, s2  }
0x1e: {  	s7 =	smul.u32 @!p0 $0xF7A, s2;
	p2 =	seq.s32 @!p0 s5, $0x0  }
0x1f: {  	s9 =	smul.u32 $0xF7A, s1;
	s8 =	simm.s32 @!p0 $0x1BF5;
	p2 =	por !p2, p0  }
0x20: {  	[sflag:s8] =	ssyncset.s32 @!p0 $0xFFFFF086;
	s6 =	sadd.s32 @!p0 s3, s7;
	s7 =	simm.s32 @!p0 $0x108  }
0x21: {  	s3 =	sadd.s32 s3, s9;
	s6 =	sadd.s32 @!p0 $0x88, s6;
	s7 =	simm.s32 @p2 $0x1082  }
0x22: {  	[simem:s7], [sflag:s8] =	dma.local @!p0 [hbm:s6], $0xF7A  }
0x23: {  	s9 =	sor.u32 $0xD0000000, s2;
	s6 =	simm.s32 $0x108;
	_ =	swait.ge @!p0 [sflag:s8], $0x0  }
0x24: {  	s3 =	sadd.s32 $0x88, s3;
	s6 =	simm.s32 @!p1 $0x1082;
	[sflag:s4] =	ssyncset.s32 $0xFFFFF086  }
0x25: {  	[simem:s6], [sflag:s4] =	dma.local [hbm:s3], $0xF7A  }
0x26: {  	[smem:$0x3F9E] =	sst s1;
	(tag) =	ssettag s2;
	_ =	strace s9  }
0x27: {  	s1 =	sld [smem:$0x3FAE]  }
0x28: {  	s2 =	sld [smem:$0x3FAF]  }
0x29: {  	s4 =	sld [smem:$0x3FB1]  }
0x2a: {  	p0 =	seq.s32 s5, $0x0;
	s5 =	sld [smem:$0x3FB2]  }
0x2b: {  	s6 =	sld [smem:$0x3FB3]  }
0x2c: {  	s7 =	sld [smem:$0x3FB4]  }
0x2d: {  	s3 =	simm.s32 $0x108;
	s8 =	sld [smem:$0x3FB5]  }
0x2e: {  	s3 =	simm.s32 @!p0 $0x1082;
	s9 =	sld [smem:$0x3FB6]  }
0x2f: {  	lr =	sadd.s32 s0, s3;
	s0 =	sld [smem:$0x3FAD]  }
0x30: {  	s3 =	sld [smem:$0x3FB0]  }
0x31: {  	[smem:$0x3FB9] =	sst s10  }
0x32: {  	s10 =	sld [smem:$0x3FB7];
	_ =	sdelay $0x3  }
0x33: {  	p0 =	seq.s32 s10, $0x1;
	s10 =	sld [smem:$0x3FB9];
	_ =	sdelay $0x3  }
0x34: {  	[smem:$0x3FB9] =	sst s10  }
0x35: {  	s10 =	sld [smem:$0x3FB8];
	_ =	sdelay $0x3  }
0x36: {  	p1 =	seq.s32 s10, $0x1;
	s10 =	sld [smem:$0x3FB9];
	_ =	sdelay $0x3  }
0x37: {  	[smem:$0x3FB9] =	sst s10  }
0x38: {  	s10 =	sld [smem:$0x3FBA]  }
0x39: {  	_ = 	snop;
	(pc) =	sbr.ind lr, $3  }
0x3a: {  	_ = 	snop  }
0x3b: {  	_ = 	snop  }
0x3c: {  	p2 =	seq.s32 s10, $0x1;
	s10 =	sld [smem:$0x3FB9]  }
0x3d: {  	_ =	shalt  }
0x3e: {  	_ =	shalt  }
0x3f: {  	_ =	shalt  }
0x40: {  	_ =	shalt  }
0x41: {  	_ =	shalt  }
0x42: {  	_ =	shalt  }
0x43: {  	_ =	shalt  }
0x44: {  	_ =	shalt  }
0x45: {  	_ =	shalt  }
0x46: {  	_ =	shalt  }
0x47: {  	_ =	shalt  }
0x48: {  	_ =	shalt  }
0x49: {  	_ =	shalt  }
0x4a: {  	_ =	shalt  }
0x4b: {  	_ =	shalt  }
0x4c: {  	_ =	shalt  }
0x4d: {  	_ =	shalt  }
0x4e: {  	_ =	shalt  }
0x4f: {  	_ =	shalt  }
0x50: {  	_ =	shalt  }
0x51: {  	_ =	shalt  }
0x52: {  	_ =	shalt  }
0x53: {  	_ =	shalt  }
0x54: {  	_ =	shalt  }
0x55: {  	_ =	shalt  }
0x56: {  	_ =	shalt  }
0x57: {  	_ =	shalt  }
0x58: {  	_ =	shalt  }
0x59: {  	_ =	shalt  }
0x5a: {  	_ =	shalt  }
0x5b: {  	_ =	shalt  }
0x5c: {  	_ =	shalt  }
0x5d: {  	_ =	shalt  }
0x5e: {  	_ =	shalt  }
0x5f: {  	_ =	shalt  }
0x60: {  	_ =	shalt  }
0x61: {  	_ =	shalt  }
0x62: {  	_ =	shalt  }
0x63: {  	_ =	shalt  }
0x64: {  	_ =	shalt  }
0x65: {  	_ =	shalt  }
0x66: {  	_ =	shalt  }
0x67: {  	_ =	shalt  }
0x68: {  	_ =	shalt  }
0x69: {  	_ =	shalt  }
0x6a: {  	_ =	shalt  }
0x6b: {  	_ =	shalt  }
0x6c: {  	_ =	shalt  }
0x6d: {  	_ =	shalt  }
0x6e: {  	_ =	shalt  }
0x6f: {  	_ =	shalt  }
0x70: {  	_ =	shalt  }
0x71: {  	_ =	shalt  }
0x72: {  	_ =	shalt  }
0x73: {  	_ =	shalt  }
0x74: {  	_ =	shalt  }
0x75: {  	_ =	shalt  }
0x76: {  	_ =	shalt  }
0x77: {  	_ =	shalt  }
0x78: {  	_ =	shalt  }
0x79: {  	_ =	shalt  }
0x7a: {  	_ =	shalt  }
0x7b: {  	_ =	shalt  }
0x7c: {  	_ =	shalt  }
0x7d: {  	_ =	shalt  }
0x7e: {  	_ =	shalt  }
0x7f: {  	_ =	shalt  }
0x80: {  	_ =	shalt  }
0x81: {  	_ =	shalt  }
0x82: {  	_ =	shalt  }
0x83: {  	_ =	shalt  }
0x84: {  	_ =	shalt  }
0x85: {  	_ =	shalt  }
0x86: {  	_ =	shalt  }
0x87: {  	_ =	shalt  }
.Lfunc_end0:
.L_simem_size_0:
called_computation_lowered:
.L_overlay_start_0:
0x88: {  	s0 =	sld [smem:$0x3FD9]  }
0x89: {  	s1 =	sld [smem:$0x3FFE];
	_ =	sdelay $0x3  }
0x8a: {  	s0 =	sadd.s32 s1, s0  }
0x8b: {  	[smem:$0x3FC5] =	sst s0  }
0x8c: {  	_ = 	snop  }
0x8d: {  	s0 =	sld [smem:$0x3FC8]  }
0x8e: {  	s16 =	sld [smem:$0x3FC7]  }
0x8f: {  	s2 =	sld [smem:$0x3FD0];
	(tm) =	ssettm $0x1  }
0x90: {  	s3 =	sld [smem:$0x3FFB];
	_ =	sdelay $0x3  }
0x91: {  	_ =	strace s3  }
0x92: {  	s3 =	sld [smem:$0x3FFC];
	_ =	sdelay $0x3  }
0x93: {  	_ =	strace s3  }
0x94: {  	s3 =	sld [smem:$0x3FFD];
	_ =	sdelay $0x3  }
0x95: {  	_ =	strace s3  }
0x96: {  	_ =	strace $0x8FFFFFFF  }
0x97: {  	s17 =	sld [smem:$0x3FDB];
	_ =	sdelay $0x1  }
0x98: {  	s4 =	simm.s32 $_scs_section_size  }
0x99: {  	s5 =	simm.s32 $_size__tile_overlayer_lowered;
	s6 =	simm.s32 $_tile_overlayer_lowered  }
0x9a: {  	s20 =	simm.s32 $0x1BFF;
	s19 =	sshll.u32 s6, $0x1;
	s3 =	sadd.s32 s4, s17  }
0x9b: {  	s7 =	simm.s32 $0x0;
	s18 =	sshll.u32 s5, $0x1;
	s5 =	sadd.s32 s19, s3  }
0x9c: {  	[timem:s7], [sflag:s20] =	dma.local [hbm:s5], s18  }
0x9d: {  	_ =	swait.ge [sflag:s20], s18  }
0x9e: {  	s4 =	ssub.s32 $0x0, s18;
	[sflag:s20] =	ssyncset.done $0x0  }
0x9f: {  	[sflag:s20] =	ssyncadd.s32 s4;
	_ =	sdelay $0x1  }
0xa0: {  	s21 =	simm.s32 $0x1B8B  }
0xa1: {  	_ =	swait.ge [sflag:s21], $0x1  }
0xa2: {  	[sflag:s21] =	ssyncset.done $0x0  }
0xa3: {  	s23 =	simm.s32 $0x1B8E;
	s22 =	sld [smem:$0x3FFE];
	[sflag:s21] =	ssyncadd.s32 $0xFFFFFFFF  }
0xa4: {  	s24 =	simm.s32 $execute0_lowered;
	[smem:$0x3FD2] =	sst s23  }
0xa5: {  	s5 =	sshll.u32 s24, $0x1;
	_ =	strace $0x80000046;
	[dreg:$0x1] =	wrdreg $0xFFFFFFFF  }
0xa6: {  	s25 =	simm.s32 $_size_execute0_lowered;
	s3 =	sadd.s32 s3, s5;
	[dreg:$0x0] =	wrdreg $0x0  }
0xa7: {  	s5 =	sshll.u32 s25, $0x1;
	[dreg:$0x2] =	wrdreg s3  }
0xa8: {  	[dreg:$0x3] =	wrdreg s5  }
0xa9: {  	[dreg:$0x4] =	wrdreg $0xC0  }
0xaa: {  	_ =	task [dreg:s7], $0x5FFFF  }
0xab: {  	[dreg:$0x1] =	wrdreg $0xFFFFFFFF  }
0xac: {  	[dreg:$0x0] =	wrdreg $0x60  }
0xad: {  	[dreg:$0x2] =	wrdreg s22  }
0xae: {  	[dreg:$0x3] =	wrdreg s0  }
0xaf: {  	[dreg:$0x4] =	wrdreg s16  }
0xb0: {  	[dreg:$0x5] =	wrdreg s2  }
0xb1: {  	[dreg:$0x6] =	wrdreg $0x9  }
0xb2: {  	_ =	task.clear_ibuf [dreg:s7], $0x7FFFF;
	_ =	strace $0x90000046  }
0xb3: {  	s26 =	simm.s32 $0x9;
	_ =	strace $0x80000048  }
0xb4: {  	_ =	swait.ge [sflag:s26], $0x1  }
0xb5: {  	[sflag:s26] =	ssyncadd.s32 $0xFFFFFFFF  }
0xb6: {  	_ =	strace $0x90000048  }
0xb7: {  	_ =	sfence  }
0xb8: {  	s28 =	sld [smem:$0x0];
	_ =	sdelay $0x1  }
0xb9: {  	s29 =	srdreg.scid  }
0xba: {  	s30 =	sshll.u32 s29, $0xD;
	s31 =	sshrl.u32 s29, $0x2  }
0xbb: {  	s1 =	sand.u32 $0x1, s29;
	s2 =	sand.u32 $0x4000, s30;
	s0 =	sadd.s32 s31, s28  }
0xbc: {  	s1 =	sor.u32 s2, s1;
	s0 =	sshll.u32 s0, $0x11  }
0xbd: {  	s0 =	sor.u32 s0, s1  }
0xbe: {  	s0 =	sadd.s32 $0x8F2B, s0  }
0xbf: {  	[sflag:s0] =	ssyncadd.remote.s32 $0x1  }
0xc0: {  	_ =	sfence.sel $0xFFFF  }
0xc1: {  	[dreg:$0x0] =	wrdreg $0xFFFFFFFF;
	(pc) =	sbr.abs _section_cstart, $3  }
0xc2: {  	[dreg:$0x1] =	wrdreg $0xFFFFFFFF  }
0xc3: {  	_ =	task.clear_ibuf [dreg:s7], $0x2FFFF;
	_ =	strace $0x9FFFFFFF  }
0xc4: {  	(tm) =	ssettm $0x7FFFFFFF  }
0xc5: {  	_ =	shalt  }
tec
execute0_lowered:
.L_overlay_start_1:
0x0: {  	(tag) =	ssettag $0x1  }
0x1: {  	s3 =	rddreg [dreg:$0x0]  }
0x2: {  	s4 =	rddreg [dreg:$0x1]  }
0x3: {  	s5 =	rddreg [dreg:$0x2]  }
0x4: {  	s1 =	rddreg [dreg:$0x3];
	s2 =	simm.s32 $0x0  }
0x5: {  	s6 =	stileid.u32;
	[smem:$0x7FF] =	sst s2  }
0x6: {  	s0 =	rddreg [dreg:$0x4];
	p0 =	sne.s32 s6, $0x0;
	_ =	strace $0x80000047  }
0x7: {  	_ =	sfence.sel @p0 $0x180000  }
0x8: {  	[bflag:$0x0] =	sbarrier.arrive @p0 $0xFFFF  }
0x9: {  	_ =	strace @p0 $0x90000047  }
0xa: {  	[bflag:$0x2] =	sbarrier.arrive @p0 $0xFFFF  }
0xb: {  	_ =	shalt @p0  }
.LBB2_1:
0xc: {  	[tilespmem:s2], [sflag:$0x4] =	stream.linear.gather [hbm4b:s3+s2], $0x80, $0x38;
	[tilespmem:$0x6100] =	vst v63  }
0xd: {  	s20 =	simm.s32 $0x4  }
0xe: {  	_ =	swait.ge [sflag:s20], $0x80  }
0xf: {  	[sflag:s20] =	ssyncset.done $0x0  }
0x10: {  	[sflag:s20] =	ssyncadd.s32 $0xFFFFFF80  }
0x11: {  	v0 =	vld [tilespmem:$0x0];
	_ =	sdelay $0x4  }
0x12: {  	(v2sf) =	vpush v0, $0x2;
	_ =	sdelay $0x1  }
0x13: {  	(v2sf) =	vpush v0, $0x0  }
0x14: {  	(v2sf) =	vpush v0, $0x1;
	_ =	sdelay $0xb  }
0x15: {  	s6 =	spop (v2sf)  }
0x16: {  	s21 =	simm.s32 $0x4080;
	s8 =	simm.s32 $0x400;
	s6 =	sshll.u32 s6, $0xA  }
0x17: {  	s9 =	simm.s32 $0x7A1400;
	s7 =	spop (v2sf);
	s6 =	sand.u32 $0x1FFFFC00, s6  }
0x18: {  	s22 =	sand.u32 $0xFFFFF80, s7;
	s23 =	spop (v2sf);
	s5 =	sadd.s32 s5, s6  }
0x19: {  	[tilespmem:s21], [sflag:$0x3] =	stream.linear.gather [hbm4b:s5+s2], $0x2000, $0x38;
	[tilespmem:$0x6100] =	vst v63  }
0x1a: {  	s10 =	simm.s32 $0x80;
	s24 =	sand.u32 $0xFFFFF80, s23;
	s5 =	sadd.s32 s4, s22  }
0x1b: {  	v24 =	vlaneseq.u32;
	[tilespmem:s10], [sflag:$0x1] =	stream.strided.gather [hbm4b:s5+s8], $0x2000, s9, s8, $0x38;
	[tilespmem:$0x6100] =	vst v63  }
0x1c: {  	s26 =	simm.s32 $0x2080;
	s28 =	simm.s32 $0x1;
	v0 =	vmul.u32 $0x80, v24;
	s25 =	sadd.s32 s4, s24  }
0x1d: {  	[tilespmem:s26], [sflag:$0x2] =	stream.strided.gather [hbm4b:s25+s8], $0x2000, s9, s8, $0x38;
	[tilespmem:$0x6100] =	vst v63  }
0x1e: {  	v2 =	vor.u32 $0x800, v0;
	v4 =	vor.u32 $0x1000, v0;
	s7 =	sand.u32 $0x7F, s7;
	s6 =	sand.u32 $0x7F, s23;
	_ =	swait.ge [sflag:s28], $0x2000  }
0x1f: {  	v6 =	vor.u32 $0x1800, v0;
	v1 =	vor.u32 s7, v0;
	v0 =	vor.u32 s6, v0;
	[sflag:s28] =	ssyncset.done $0x0  }
0x20: {  	s29 =	simm.s32 $0x2;
	v25 =	vor.u32 s6, v2;
	[sflag:s28] =	ssyncadd.s32 $0xFFFFE000  }
0x21: {  	v26 =	vor.u32 s6, v4;
	_ =	swait.ge [sflag:s29], $0x2000  }
0x22: {  	v27 =	vor.u32 s6, v6;
	[sflag:s29] =	ssyncset.done $0x0  }
0x23: {  	[sflag:s29] =	ssyncadd.s32 $0xFFFFE000  }
0x24: {  	v0 =	vld.idx.msk [tilespmem:v0+s26+$0x0], $0xffff  }
0x25: {  	v28 =	vld.idx.msk [tilespmem:v25+s26+$0x0], $0xffff  }
0x26: {  	v3 =	vor.u32 s7, v2;
	v29 =	vld.idx.msk [tilespmem:v26+s26+$0x0], $0xffff  }
0x27: {  	v5 =	vor.u32 s7, v4;
	v30 =	vld.idx.msk [tilespmem:v27+s26+$0x0], $0xffff  }
0x28: {  	v7 =	vor.u32 s7, v6  }
0x29: {  	[tilespmem:$0x1FFC0] =	vst v0  }
0x2a: {  	v16 =	vld.idx.msk [tilespmem:v1+s10+$0x0], $0xffff;
	[tilespmem:$0x1FFD0] =	vst v28  }
0x2b: {  	v19 =	vld.idx.msk [tilespmem:v3+s10+$0x0], $0xffff;
	[tilespmem:$0x1FFE0] =	vst v29  }
0x2c: {  	s30 =	simm.s32 $0x3;
	v52 =	vld.idx.msk [tilespmem:v5+s10+$0x0], $0xffff;
	[tilespmem:$0x1FFF0] =	vst v30  }
0x2d: {  	v4 =	vld.idx.msk [tilespmem:v7+s10+$0x0], $0xffff;
	_ =	swait.ge [sflag:s30], $0x2000  }
0x2e: {  	[sflag:s30] =	ssyncset.done $0x0  }
0x2f: {  	[sflag:s30] =	ssyncadd.s32 $0xFFFFE000  }
0x30: {  	v31 =	vld [tilespmem:$0x4080]  }
0x31: {  	v32 =	vld [tilespmem:$0x4100]  }
0x32: {  	v3 =	vld [tilespmem:$0x4180]  }
0x33: {  	v5 =	vld [tilespmem:$0x4200]  }
0x34: {  	v6 =	vld [tilespmem:$0x4280]  }
0x35: {  	v33 =	vld [tilespmem:$0x4300]  }
0x36: {  	v8 =	vld [tilespmem:$0x4380]  }
0x37: {  	v9 =	vld [tilespmem:$0x4400]  }
0x38: {  	v10 =	vld [tilespmem:$0x4480]  }
0x39: {  	v12 =	vld [tilespmem:$0x4500]  }
0x3a: {  	v13 =	vld [tilespmem:$0x4580]  }
0x3b: {  	v14 =	vld [tilespmem:$0x4600]  }
0x3c: {  	v15 =	vld [tilespmem:$0x4680]  }
0x3d: {  	v17 =	vld [tilespmem:$0x4700]  }
0x3e: {  	v18 =	vld [tilespmem:$0x4780]  }
0x3f: {  	v20 =	vbroadcast v16, $0x0;
	v25 =	vld [tilespmem:$0x4800]  }
0x40: {  	v51 =	vld [tilespmem:$0x5300]  }
0x41: {  	v23 =	vbroadcast v16, $0x1;
	v46 =	vld [tilespmem:$0x4880];
	v11 =	vmul.f32 v31, v20  }
0x42: {  	v47 =	vld [tilespmem:$0x4900]  }
0x43: {  	v24 =	vbroadcast v16, $0x2;
	v48 =	vld [tilespmem:$0x4980];
	v30 =	vmul.f32 v32, v23;
	v11 =	vadd.f32 $0.0e+00, v11  }
0x44: {  	v61 =	vld [tilespmem:$0x4A00]  }
0x45: {  	v26 =	vbroadcast v16, $0x3;
	v59 =	vld [tilespmem:$0x4A80];
	[tilespmem:$0x1FC20] =	vst v51;
	v51 =	vmul.f32 v3, v24;
	v11 =	vadd.f32 v30, v11  }
0x46: {  	v28 =	vld [tilespmem:$0x5780]  }
0x47: {  	v27 =	vbroadcast v16, $0x4;
	v60 =	vld [tilespmem:$0x4B00];
	v22 =	vmul.f32 v5, v26;
	v11 =	vadd.f32 v51, v11  }
0x48: {  	v29 =	vld [tilespmem:$0x5800]  }
0x49: {  	v42 =	vld [tilespmem:$0x4B80];
	v6 =	vmul.f32 v6, v27;
	v51 =	vadd.f32 v22, v11;
	v11 =	vbroadcast v16, $0x5  }
0x4a: {  	v57 =	vld [tilespmem:$0x4C00]  }
0x4b: {  	v36 =	vld [tilespmem:$0x4C80];
	[tilespmem:$0x1FCB0] =	vst v28;
	v28 =	vbroadcast v16, $0x6;
	v51 =	vadd.f32 v6, v51;
	v7 =	vmul.f32 v33, v11  }
0x4c: {  	v30 =	vld [tilespmem:$0x5880]  }
0x4d: {  	v37 =	vld [tilespmem:$0x4D00];
	[tilespmem:$0x1FCC0] =	vst v29;
	v29 =	vbroadcast v16, $0x7;
	v8 =	vmul.f32 v8, v28;
	v51 =	vadd.f32 v7, v51  }
0x4e: {  	v38 =	vld [tilespmem:$0x4D80]  }
0x4f: {  	v45 =	vld [tilespmem:$0x4E00];
	v9 =	vmul.f32 v9, v29;
	v51 =	vadd.f32 v8, v51;
	v8 =	vbroadcast v16, $0x8  }
0x50: {  	v39 =	vld [tilespmem:$0x4E80]  }
0x51: {  	v40 =	vld [tilespmem:$0x4F00];
	[tilespmem:$0x1FCD0] =	vst v30;
	v30 =	vbroadcast v16, $0x9;
	v51 =	vadd.f32 v9, v51;
	v10 =	vmul.f32 v10, v8  }
0x52: {  	v31 =	vld [tilespmem:$0x5900]  }
0x53: {  	v53 =	vld [tilespmem:$0x5380];
	v12 =	vmul.f32 v12, v30;
	v51 =	vadd.f32 v10, v51;
	v10 =	vbroadcast v16, $0xA  }
0x54: {  	v54 =	vld [tilespmem:$0x5400]  }
0x55: {  	v55 =	vld [tilespmem:$0x5480];
	v51 =	vadd.f32 v12, v51;
	v13 =	vmul.f32 v13, v10;
	v12 =	vbroadcast v16, $0xB  }
0x56: {  	v32 =	vld [tilespmem:$0x5980]  }
0x57: {  	v56 =	vld [tilespmem:$0x5500];
	[tilespmem:$0x1FD00] =	vst v31;
	v31 =	vbroadcast v16, $0xC;
	v51 =	vadd.f32 v13, v51;
	v14 =	vmul.f32 v14, v12  }
0x58: {  	v58 =	vld [tilespmem:$0x5580]  }
0x59: {  	v63 =	vld [tilespmem:$0x5680];
	[tilespmem:$0x1FC30] =	vst v53;
	v15 =	vmul.f32 v15, v31;
	v51 =	vadd.f32 v14, v51;
	v14 =	vbroadcast v16, $0xD  }
0x5a: {  	v62 =	vld [tilespmem:$0x5600];
	[tilespmem:$0x1FC40] =	vst v54  }
0x5b: {  	v53 =	vld [tilespmem:$0x5C80];
	[tilespmem:$0x1FD30] =	vst v32;
	v32 =	vbroadcast v16, $0xE;
	v51 =	vadd.f32 v15, v51;
	v17 =	vmul.f32 v17, v14  }
0x5c: {  	[tilespmem:$0x1FC50] =	vst v55;
	v54 =	vld [tilespmem:$0x5D00]  }
0x5d: {  	[tilespmem:$0x1FC60] =	vst v56;
	v55 =	vld [tilespmem:$0x5D80];
	v18 =	vmul.f32 v18, v32;
	v16 =	vbroadcast v16, $0xF;
	v17 =	vadd.f32 v17, v51  }
0x5e: {  	[tilespmem:$0x1FC90] =	vst v63;
	v63 =	vld [tilespmem:$0x5F80]  }
0x5f: {  	[tilespmem:$0x1FC80] =	vst v62;
	v62 =	vld [tilespmem:$0x5F00];
	v25 =	vmul.f32 v25, v16;
	v18 =	vadd.f32 v18, v17;
	v17 =	vbroadcast v19, $0x0  }
0x60: {  	[tilespmem:$0x1FE40] =	vst v53;
	v33 =	vld [tilespmem:$0x5A00]  }
0x61: {  	[tilespmem:$0x1FE70] =	vst v54;
	v53 =	vld [tilespmem:$0x4090];
	v25 =	vadd.f32 v25, v18;
	v46 =	vmul.f32 v46, v17;
	v18 =	vbroadcast v19, $0x1  }
0x62: {  	v56 =	vld [tilespmem:$0x5E00];
	[tilespmem:$0x1FEA0] =	vst v55  }
0x63: {  	[tilespmem:$0x1FF60] =	vst v63;
	v54 =	vld [tilespmem:$0x4110];
	v63 =	vbroadcast v19, $0x2;
	v25 =	vadd.f32 v46, v25;
	v6 =	vmul.f32 v47, v18  }
0x64: {  	v50 =	vld [tilespmem:$0x5280];
	[tilespmem:$0x1FF30] =	vst v62  }
0x65: {  	v55 =	vld [tilespmem:$0x4190];
	v62 =	vbroadcast v19, $0x3;
	[tilespmem:$0x1FD50] =	vst v33;
	v33 =	vmul.f32 v48, v63;
	v25 =	vadd.f32 v6, v25  }
0x66: {  	[tilespmem:$0x1FC70] =	vst v58;
	v58 =	vld [tilespmem:$0x5E80];
	v7 =	vmul.f32 v53, v20  }
0x67: {  	[tilespmem:$0x1FED0] =	vst v56;
	v56 =	vld [tilespmem:$0x4210];
	v9 =	vmul.f32 v61, v62;
	v61 =	vbroadcast v19, $0x4;
	v25 =	vadd.f32 v33, v25  }
0x68: {  	v21 =	vld [tilespmem:$0x5700];
	v48 =	vadd.f32 $0.0e+00, v7;
	v13 =	vmul.f32 v54, v23  }
0x69: {  	v15 =	vmul.f32 v59, v61;
	v59 =	vbroadcast v19, $0x5;
	v51 =	vld [tilespmem:$0x4290];
	v25 =	vadd.f32 v9, v25  }
0x6a: {  	v49 =	vld [tilespmem:$0x5200];
	v48 =	vadd.f32 v13, v48;
	v9 =	vmul.f32 v55, v24  }
0x6b: {  	[tilespmem:$0x1FF00] =	vst v58;
	v58 =	vld [tilespmem:$0x4310];
	v13 =	vmul.f32 v60, v59;
	v60 =	vbroadcast v19, $0x6;
	v25 =	vadd.f32 v15, v25  }
0x6c: {  	[tilespmem:$0x1FC10] =	vst v50;
	v50 =	vld [tilespmem:$0x5C00];
	v48 =	vadd.f32 v9, v48;
	v15 =	vmul.f32 v56, v26  }
0x6d: {  	[tilespmem:$0x1FCA0] =	vst v21;
	v21 =	vld [tilespmem:$0x4390];
	v33 =	vmul.f32 v42, v60;
	v56 =	vbroadcast v19, $0x7;
	v25 =	vadd.f32 v13, v25  }
0x6e: {  	v41 =	vld [tilespmem:$0x4F80];
	v54 =	vmul.f32 v51, v27;
	v53 =	vadd.f32 v15, v48  }
0x6f: {  	v22 =	vld [tilespmem:$0x4410];
	v55 =	vmul.f32 v57, v56;
	v57 =	vbroadcast v19, $0x8;
	v25 =	vadd.f32 v33, v25  }
0x70: {  	v43 =	vld [tilespmem:$0x5000];
	v58 =	vmul.f32 v58, v11;
	v42 =	vadd.f32 v54, v53  }
0x71: {  	[tilespmem:$0x1FE10] =	vst v50;
	v50 =	vld [tilespmem:$0x4490];
	v33 =	vmul.f32 v36, v57;
	v54 =	vbroadcast v19, $0x9;
	v25 =	vadd.f32 v55, v25  }
0x72: {  	[tilespmem:$0x1FC00] =	vst v49;
	v49 =	vld [tilespmem:$0x5B80];
	v42 =	vadd.f32 v58, v42;
	v58 =	vmul.f32 v21, v28  }
0x73: {  	v44 =	vld [tilespmem:$0x5080];
	v37 =	vmul.f32 v37, v54;
	v55 =	vbroadcast v19, $0xA;
	v33 =	vadd.f32 v33, v25  }
0x74: {  	v34 =	vld [tilespmem:$0x5100];
	v42 =	vadd.f32 v58, v42;
	v58 =	vmul.f32 v22, v29  }
0x75: {  	v35 =	vld [tilespmem:$0x5180];
	v53 =	vbroadcast v19, $0xB;
	v38 =	vmul.f32 v38, v55;
	v37 =	vadd.f32 v37, v33  }
0x76: {  	v0 =	vld [tilespmem:$0x4610];
	v48 =	vadd.f32 v58, v42;
	v58 =	vmul.f32 v50, v8  }
0x77: {  	[tilespmem:$0x1FDE0] =	vst v49;
	v49 =	vld [tilespmem:$0x4510];
	v50 =	vbroadcast v19, $0xC;
	v37 =	vadd.f32 v38, v37;
	v38 =	vmul.f32 v45, v53  }
0x78: {  	v47 =	vld [tilespmem:$0x4590]  }
0x79: {  	v37 =	vadd.f32 v38, v37;
	v38 =	vmul.f32 v39, v50;
	v39 =	vld [tilespmem:$0x5090]  }
0x7a: {  	v1 =	vld [tilespmem:$0x4710]  }
0x7b: {  	v2 =	vld [tilespmem:$0x4790]  }
0x7c: {  	[tilespmem:$0x1FBE0] =	vst v34;
	v34 =	vld [tilespmem:$0x5A80];
	v49 =	vmul.f32 v49, v30;
	v48 =	vadd.f32 v58, v48  }
0x7d: {  	v46 =	vld [tilespmem:$0x4690]  }
0x7e: {  	v47 =	vmul.f32 v47, v10;
	[tilespmem:$0x1FCE0] =	vst v39;
	v39 =	vadd.f32 v49, v48;
	v49 =	vld [tilespmem:$0x5190]  }
0x7f: {  	[tilespmem:$0x1FBF0] =	vst v35;
	v35 =	vld [tilespmem:$0x5B00]  }
0x80: {  	v5 =	vld [tilespmem:$0x6000];
	v0 =	vmul.f32 v0, v12;
	v39 =	vadd.f32 v47, v39  }
0x81: {  	v48 =	vld [tilespmem:$0x5110]  }
0x82: {  	v0 =	vadd.f32 v0, v39;
	v39 =	vmul.f32 v46, v31;
	v46 =	vld [tilespmem:$0x5390]  }
0x83: {  	[tilespmem:$0x1FD10] =	vst v49;
	v49 =	vld [tilespmem:$0x5210]  }
0x84: {  	v3 =	vld [tilespmem:$0x4810];
	v51 =	vbroadcast v19, $0xD  }
0x85: {  	[tilespmem:$0x1FF90] =	vst v5;
	v37 =	vadd.f32 v38, v37;
	v47 =	vld [tilespmem:$0x5310]  }
0x86: {  	v38 =	vmul.f32 v40, v51;
	[tilespmem:$0x1FCF0] =	vst v48;
	v48 =	vbroadcast v19, $0xE;
	v0 =	vadd.f32 v39, v0;
	v39 =	vld [tilespmem:$0x5510]  }
0x87: {  	[tilespmem:$0x1FD60] =	vst v46;
	v46 =	vld [tilespmem:$0x5410]  }
0x88: {  	v5 =	vld [tilespmem:$0x4890];
	v37 =	vadd.f32 v38, v37;
	v38 =	vmul.f32 v41, v48;
	[tilespmem:$0x1FD20] =	vst v49;
	v49 =	vbroadcast v19, $0xF  }
0x89: {  	[tilespmem:$0x1FD80] =	vst v34;
	v41 =	vld [tilespmem:$0x1FBE0]  }
0x8a: {  	v34 =	vld [tilespmem:$0x4990];
	[tilespmem:$0x1FD40] =	vst v47;
	v47 =	vbroadcast v52, $0x0;
	v37 =	vadd.f32 v38, v37;
	v38 =	vmul.f32 v43, v49  }
0x8b: {  	v6 =	vld [tilespmem:$0x4910];
	[tilespmem:$0x1FDA0] =	vst v39  }
0x8c: {  	v39 =	vld [tilespmem:$0x5610];
	v43 =	vmul.f32 v44, v47;
	[tilespmem:$0x1FD70] =	vst v46;
	v37 =	vadd.f32 v38, v37;
	v46 =	vbroadcast v52, $0x1  }
0x8d: {  	v1 =	vmul.f32 v1, v14;
	v44 =	vld [tilespmem:$0x5490]  }
0x8e: {  	v40 =	vadd.f32 v43, v37;
	v37 =	vmul.f32 v41, v46;
	v43 =	vld [tilespmem:$0x5590]  }
0x8f: {  	v0 =	vadd.f32 v1, v0;
	v1 =	vmul.f32 v2, v32;
	v41 =	vld [tilespmem:$0x5690]  }
0x90: {  	v2 =	vadd.f32 v37, v40;
	v37 =	vld [tilespmem:$0x5710]  }
0x91: {  	[tilespmem:$0x1FDB0] =	vst v35;
	v0 =	vadd.f32 v1, v0;
	v1 =	vmul.f32 v3, v16;
	v40 =	vld [tilespmem:$0x1FBF0]  }
0x92: {  	v38 =	vld [tilespmem:$0x1FC00];
	[tilespmem:$0x1FDD0] =	vst v39  }
0x93: {  	v0 =	vadd.f32 v1, v0;
	v1 =	vmul.f32 v5, v17;
	v39 =	vld [tilespmem:$0x5790];
	[tilespmem:$0x1FD90] =	vst v44  }
0x94: {  	v44 =	vbroadcast v52, $0x2;
	[tilespmem:$0x1FDF0] =	vst v41;
	v41 =	vld [tilespmem:$0x5810]  }
0x95: {  	v0 =	vadd.f32 v1, v0;
	v1 =	vmul.f32 v6, v18;
	[tilespmem:$0x1FE00] =	vst v37;
	v37 =	vld [tilespmem:$0x1FC10]  }
0x96: {  	v35 =	vld [tilespmem:$0x4C10];
	[tilespmem:$0x1FDC0] =	vst v43;
	v43 =	vbroadcast v52, $0x3;
	v3 =	vmul.f32 v40, v44  }
0x97: {  	v0 =	vadd.f32 v1, v0;
	v1 =	vmul.f32 v34, v63;
	v34 =	vld [tilespmem:$0x1FC20]  }
0x98: {  	v7 =	vld [tilespmem:$0x4A10];
	v40 =	vbroadcast v52, $0x4;
	v2 =	vadd.f32 v3, v2;
	v3 =	vmul.f32 v38, v43  }
0x99: {  	[tilespmem:$0x1FE20] =	vst v39;
	v39 =	vld [tilespmem:$0x5910]  }
0x9a: {  	[tilespmem:$0x1FE30] =	vst v41;
	v41 =	vbroadcast v52, $0x5;
	v2 =	vadd.f32 v3, v2;
	v3 =	vmul.f32 v37, v40;
	v37 =	vld [tilespmem:$0x5990]  }
0x9b: {  	v9 =	vld [tilespmem:$0x4A90]  }
0x9c: {  	v2 =	vadd.f32 v3, v2;
	v3 =	vmul.f32 v34, v41;
	v34 =	vld [tilespmem:$0x1FC30]  }
0x9d: {  	v38 =	vld [tilespmem:$0x5890]  }
0x9e: {  	v13 =	vld [tilespmem:$0x4B10];
	[tilespmem:$0x1FE60] =	vst v39  }
0x9f: {  	v39 =	vbroadcast v52, $0x6;
	[tilespmem:$0x1FE80] =	vst v37;
	v37 =	vld [tilespmem:$0x5A90]  }
0xa0: {  	v15 =	vld [tilespmem:$0x4B90]  }
0xa1: {  	v2 =	vadd.f32 v3, v2;
	v3 =	vmul.f32 v34, v39;
	v34 =	vmul.f32 v9, v61;
	v9 =	vld [tilespmem:$0x5B90]  }
0xa2: {  	[tilespmem:$0x1FE50] =	vst v38;
	v38 =	vld [tilespmem:$0x5A10]  }
0xa3: {  	v0 =	vadd.f32 v1, v0;
	v1 =	vmul.f32 v7, v62;
	v7 =	vld [tilespmem:$0x1FC40]  }
0xa4: {  	[tilespmem:$0x1FEB0] =	vst v37;
	v37 =	vld [tilespmem:$0x5B10]  }
0xa5: {  	v36 =	vld [tilespmem:$0x4C90]  }
0xa6: {  	[tilespmem:$0x1FEE0] =	vst v9;
	v9 =	vld [tilespmem:$0x1FC50]  }
0xa7: {  	v21 =	vld [tilespmem:$0x4D10];
	[tilespmem:$0x1FE90] =	vst v38;
	v38 =	vbroadcast v52, $0x7  }
0xa8: {  	v25 =	vld [tilespmem:$0x4D90];
	v0 =	vadd.f32 v1, v0;
	v1 =	vmul.f32 v13, v59  }
0xa9: {  	v13 =	vld [tilespmem:$0x5C90];
	v2 =	vadd.f32 v3, v2;
	v3 =	vmul.f32 v7, v38;
	[tilespmem:$0x1FEC0] =	vst v37;
	v37 =	vbroadcast v52, $0x8  }
0xaa: {  	v22 =	vld [tilespmem:$0x4E10]  }
0xab: {  	v0 =	vadd.f32 v34, v0;
	v2 =	vadd.f32 v3, v2;
	v3 =	vmul.f32 v9, v37;
	v9 =	vld [tilespmem:$0x5D10]  }
0xac: {  	v34 =	vld [tilespmem:$0x5C10]  }
0xad: {  	v0 =	vadd.f32 v1, v0;
	v1 =	vmul.f32 v15, v60;
	v15 =	vld [tilespmem:$0x5D90]  }
0xae: {  	[tilespmem:$0x1FF10] =	vst v13;
	v13 =	vld [tilespmem:$0x1FC60]  }
0xaf: {  	v33 =	vld [tilespmem:$0x4E90]  }
0xb0: {  	[tilespmem:$0x1FF20] =	vst v9;
	v9 =	vld [tilespmem:$0x1FC70]  }
0xb1: {  	v42 =	vld [tilespmem:$0x4F10];
	[tilespmem:$0x1FEF0] =	vst v34;
	v34 =	vbroadcast v52, $0x9  }
0xb2: {  	v0 =	vadd.f32 v1, v0;
	v1 =	vmul.f32 v35, v56;
	[tilespmem:$0x1FF40] =	vst v15;
	v15 =	vld [tilespmem:$0x5E90]  }
0xb3: {  	v35 =	vld [tilespmem:$0x5E10];
	v2 =	vadd.f32 v3, v2;
	v3 =	vmul.f32 v13, v34;
	v13 =	vbroadcast v52, $0xA  }
0xb4: {  	v0 =	vadd.f32 v1, v0;
	v1 =	vmul.f32 v36, v57;
	v36 =	vld [tilespmem:$0x5F90]  }
0xb5: {  	v2 =	vadd.f32 v3, v2;
	v3 =	vmul.f32 v9, v13;
	v9 =	vld [tilespmem:$0x5F10]  }
0xb6: {  	v45 =	vld [tilespmem:$0x4F90]  }
0xb7: {  	[tilespmem:$0x1FF70] =	vst v15;
	v15 =	vld [tilespmem:$0x1FC80]  }
0xb8: {  	v58 =	vld [tilespmem:$0x5010];
	[tilespmem:$0x1FF50] =	vst v35  }
0xb9: {  	[tilespmem:$0x1FFA0] =	vst v36;
	v36 =	vld [tilespmem:$0x6010]  }
0xba: {  	v0 =	vadd.f32 v1, v0;
	v35 =	vbroadcast v52, $0xB;
	[tilespmem:$0x1FF80] =	vst v9;
	v9 =	vmul.f32 v21, v54;
	v21 =	vld [tilespmem:$0x1FC90]  }
0xbb: {  	v5 =	vld [tilespmem:$0x40A0];
	v2 =	vadd.f32 v3, v2  }
0xbc: {  	v3 =	vmul.f32 v15, v35;
	v0 =	vadd.f32 v9, v0;
	v9 =	vmul.f32 v25, v55;
	v25 =	vld [tilespmem:$0x1FCA0]  }
0xbd: {  	v6 =	vld [tilespmem:$0x4120];
	v15 =	vbroadcast v52, $0xC  }
0xbe: {  	v19 =	vld [tilespmem:$0x5290];
	[tilespmem:$0x1FFB0] =	vst v36;
	v36 =	vmul.f32 v22, v53;
	v2 =	vadd.f32 v3, v2  }
0xbf: {  	v0 =	vadd.f32 v9, v0;
	v9 =	vld [tilespmem:$0x41A0];
	v3 =	vmul.f32 v21, v15;
	v21 =	vbroadcast v52, $0xD  }
0xc0: {  	v33 =	vmul.f32 v33, v50;
	v5 =	vmul.f32 v5, v20;
	v7 =	vld [tilespmem:$0x40B0]  }
0xc1: {  	v0 =	vadd.f32 v36, v0;
	v36 =	vld [tilespmem:$0x1FCB0];
	v2 =	vadd.f32 v3, v2;
	v3 =	vmul.f32 v25, v21  }
0xc2: {  	v5 =	vadd.f32 $0.0e+00, v5;
	v6 =	vmul.f32 v6, v23;
	v25 =	vld [tilespmem:$0x4130]  }
0xc3: {  	v0 =	vadd.f32 v33, v0;
	v33 =	vmul.f32 v42, v51;
	v2 =	vadd.f32 v3, v2;
	v3 =	vld [tilespmem:$0x4220]  }
0xc4: {  	v5 =	vadd.f32 v6, v5;
	v22 =	vbroadcast v52, $0xE;
	v6 =	vmul.f32 v9, v24;
	v9 =	vld [tilespmem:$0x4230]  }
0xc5: {  	v0 =	vadd.f32 v33, v0;
	v33 =	vld [tilespmem:$0x43A0]  }
0xc6: {  	v1 =	vmul.f32 v36, v22;
	v36 =	vld [tilespmem:$0x41B0]  }
0xc7: {  	v5 =	vadd.f32 v6, v5;
	v6 =	vld [tilespmem:$0x42B0]  }
0xc8: {  	v1 =	vadd.f32 v1, v2;
	v2 =	vmul.f32 v7, v20;
	v7 =	vld [tilespmem:$0x42A0]  }
0xc9: {  	v20 =	vmul.f32 v25, v23;
	v25 =	vld [tilespmem:$0x4320]  }
0xca: {  	v3 =	vmul.f32 v3, v26;
	v9 =	vmul.f32 v9, v26;
	v26 =	vld [tilespmem:$0x4420]  }
0xcb: {  	v2 =	vadd.f32 $0.0e+00, v2;
	v42 =	vmul.f32 v36, v24;
	v36 =	vld [tilespmem:$0x1FCC0]  }
0xcc: {  	v24 =	vld [tilespmem:$0x4330]  }
0xcd: {  	v2 =	vadd.f32 v20, v2;
	v20 =	vld [tilespmem:$0x44B0]  }
0xce: {  	v3 =	vadd.f32 v3, v5;
	v6 =	vmul.f32 v6, v27;
	v7 =	vmul.f32 v7, v27;
	v27 =	vld [tilespmem:$0x1FCF0]  }
0xcf: {  	v2 =	vadd.f32 v42, v2;
	v42 =	vmul.f32 v45, v48;
	v45 =	vmul.f32 v25, v11;
	v25 =	vld [tilespmem:$0x45A0]  }
0xd0: {  	v3 =	vadd.f32 v7, v3;
	v7 =	vld [tilespmem:$0x43B0]  }
0xd1: {  	v52 =	vbroadcast v52, $0xF;
	v33 =	vmul.f32 v33, v28;
	v2 =	vadd.f32 v9, v2;
	v9 =	vld [tilespmem:$0x44A0]  }
0xd2: {  	v0 =	vadd.f32 v42, v0;
	v42 =	vmul.f32 v24, v11;
	v24 =	vld [tilespmem:$0x4520];
	v3 =	vadd.f32 v45, v3  }
0xd3: {  	v58 =	vmul.f32 v58, v49;
	v5 =	vmul.f32 v36, v52;
	v36 =	vld [tilespmem:$0x4430];
	v2 =	vadd.f32 v6, v2  }
0xd4: {  	v45 =	vmul.f32 v26, v29;
	v3 =	vadd.f32 v33, v3;
	v33 =	vld [tilespmem:$0x1FCE0]  }
0xd5: {  	v26 =	vld [tilespmem:$0x4530];
	v0 =	vadd.f32 v58, v0;
	v2 =	vadd.f32 v42, v2  }
0xd6: {  	v58 =	vmul.f32 v7, v28;
	v28 =	vld [tilespmem:$0x1FCD0];
	v3 =	vadd.f32 v45, v3;
	v9 =	vmul.f32 v9, v8  }
0xd7: {  	v45 =	vmul.f32 v24, v30;
	v24 =	vld [tilespmem:$0x1FD40]  }
0xd8: {  	v36 =	vmul.f32 v36, v29;
	v2 =	vadd.f32 v58, v2;
	v42 =	vadd.f32 v9, v3;
	v9 =	vld [tilespmem:$0x45B0]  }
0xd9: {  	v11 =	vbroadcast v4, $0x0;
	v1 =	vadd.f32 v5, v1;
	v5 =	vmul.f32 v33, v47;
	v33 =	vld [tilespmem:$0x4630]  }
0xda: {  	v2 =	vadd.f32 v36, v2;
	v36 =	vmul.f32 v26, v30;
	v26 =	vld [tilespmem:$0x1FD10]  }
0xdb: {  	v7 =	vmul.f32 v28, v11;
	v28 =	vld [tilespmem:$0x46A0]  }
0xdc: {  	v3 =	vadd.f32 v45, v42;
	v42 =	vld [tilespmem:$0x1FD00]  }
0xdd: {  	v29 =	vmul.f32 v25, v10;
	v45 =	vld [tilespmem:$0x46B0]  }
0xde: {  	v58 =	vmul.f32 v20, v8;
	v25 =	vmul.f32 v24, v41;
	v24 =	vld [tilespmem:$0x4BA0]  }
0xdf: {  	v8 =	vmul.f32 v27, v46;
	v5 =	vadd.f32 v5, v0;
	v1 =	vadd.f32 v7, v1;
	v7 =	vld [tilespmem:$0x4620]  }
0xe0: {  	v2 =	vadd.f32 v58, v2;
	v3 =	vadd.f32 v29, v3;
	v29 =	vld [tilespmem:$0x4730]  }
0xe1: {  	v5 =	vadd.f32 v8, v5;
	v8 =	vld [tilespmem:$0x4720]  }
0xe2: {  	v2 =	vadd.f32 v36, v2;
	v58 =	vmul.f32 v9, v10;
	v10 =	vld [tilespmem:$0x47A0]  }
0xe3: {  	v0 =	vbroadcast v4, $0x1;
	v30 =	vmul.f32 v33, v12;
	v33 =	vld [tilespmem:$0x1FD20]  }
0xe4: {  	v9 =	vmul.f32 v26, v44;
	v2 =	vadd.f32 v58, v2;
	v58 =	vld [tilespmem:$0x48A0]  }
0xe5: {  	v23 =	vmul.f32 v42, v0;
	v42 =	vld [tilespmem:$0x47B0]  }
0xe6: {  	v5 =	vadd.f32 v9, v5;
	v9 =	vld [tilespmem:$0x4820];
	v7 =	vmul.f32 v7, v12  }
0xe7: {  	v45 =	vmul.f32 v45, v31;
	v2 =	vadd.f32 v30, v2;
	v30 =	vld [tilespmem:$0x4920]  }
0xe8: {  	v28 =	vmul.f32 v28, v31;
	v27 =	vadd.f32 v7, v3;
	v36 =	vmul.f32 v33, v43;
	v33 =	vld [tilespmem:$0x48B0]  }
0xe9: {  	v2 =	vadd.f32 v45, v2;
	v45 =	vmul.f32 v58, v17;
	v58 =	vld [tilespmem:$0x4930]  }
0xea: {  	v3 =	vadd.f32 v28, v27;
	v27 =	vld [tilespmem:$0x4830]  }
0xeb: {  	v8 =	vmul.f32 v8, v14;
	v28 =	vmul.f32 v29, v14;
	v29 =	vld [tilespmem:$0x1FD30]  }
0xec: {  	v31 =	vmul.f32 v19, v40;
	v5 =	vadd.f32 v36, v5;
	v36 =	vmul.f32 v42, v32;
	v42 =	vld [tilespmem:$0x49A0]  }
0xed: {  	v26 =	vmul.f32 v10, v32;
	v3 =	vadd.f32 v8, v3;
	v2 =	vadd.f32 v28, v2;
	v28 =	vld [tilespmem:$0x49B0]  }
0xee: {  	v5 =	vadd.f32 v31, v5;
	v31 =	vld [tilespmem:$0x1FD50]  }
0xef: {  	v3 =	vadd.f32 v26, v3;
	v26 =	vld [tilespmem:$0x4A20]  }
0xf0: {  	v23 =	vadd.f32 v23, v1;
	v6 =	vadd.f32 v36, v2;
	v36 =	vld [tilespmem:$0x1FD60]  }
0xf1: {  	v1 =	vbroadcast v4, $0x2;
	v9 =	vmul.f32 v9, v16;
	v5 =	vadd.f32 v25, v5;
	v25 =	vld [tilespmem:$0x1FD70]  }
0xf2: {  	v10 =	vmul.f32 v27, v16;
	v27 =	vmul.f32 v30, v18;
	v30 =	vld [tilespmem:$0x4AA0]  }
0xf3: {  	v7 =	vmul.f32 v29, v1;
	v29 =	vmul.f32 v33, v17;
	v33 =	vld [tilespmem:$0x4A30]  }
0xf4: {  	v2 =	vbroadcast v4, $0x3;
	v32 =	vmul.f32 v42, v63;
	v42 =	vld [tilespmem:$0x4B20]  }
0xf5: {  	v3 =	vadd.f32 v9, v3;
	v9 =	vmul.f32 v58, v18;
	v58 =	vld [tilespmem:$0x4AB0]  }
0xf6: {  	v6 =	vadd.f32 v10, v6;
	v8 =	vmul.f32 v31, v2;
	v31 =	vld [tilespmem:$0x4BB0]  }
0xf7: {  	v7 =	vadd.f32 v7, v23;
	v23 =	vmul.f32 v28, v63;
	v63 =	vld [tilespmem:$0x4CB0]  }
0xf8: {  	v6 =	vadd.f32 v29, v6;
	v29 =	vld [tilespmem:$0x4C20]  }
0xf9: {  	v3 =	vadd.f32 v45, v3;
	v10 =	vmul.f32 v36, v39;
	v36 =	vld [tilespmem:$0x4CA0]  }
0xfa: {  	v45 =	vmul.f32 v26, v62;
	v26 =	vmul.f32 v25, v38;
	v25 =	vld [tilespmem:$0x1FDA0]  }
0xfb: {  	v3 =	vadd.f32 v27, v3;
	v27 =	vld [tilespmem:$0x4B30]  }
0xfc: {  	v28 =	vmul.f32 v33, v62;
	v33 =	vld [tilespmem:$0x1FD80]  }
0xfd: {  	v14 =	vmul.f32 v30, v61;
	v30 =	vmul.f32 v42, v59;
	v42 =	vld [tilespmem:$0x1FD90];
	v5 =	vadd.f32 v10, v5  }
0xfe: {  	v10 =	vmul.f32 v24, v60;
	v3 =	vadd.f32 v32, v3;
	v24 =	vmul.f32 v31, v60;
	v31 =	vld [tilespmem:$0x4DB0]  }
0xff: {  	v7 =	vadd.f32 v8, v7;
	v5 =	vadd.f32 v26, v5;
	v26 =	vld [tilespmem:$0x4DA0]  }
0x100: {  	v6 =	vadd.f32 v9, v6;
	v8 =	vadd.f32 v45, v3;
	v45 =	vld [tilespmem:$0x4C30]  }
0x101: {  	v62 =	vmul.f32 v29, v56;
	v29 =	vld [tilespmem:$0x4E20]  }
0x102: {  	v32 =	vmul.f32 v58, v61;
	v6 =	vadd.f32 v23, v6;
	v18 =	vmul.f32 v36, v57;
	v36 =	vld [tilespmem:$0x4EA0]  }
0x103: {  	v3 =	vbroadcast v4, $0x4;
	v58 =	vmul.f32 v27, v59;
	v59 =	vld [tilespmem:$0x4D20]  }
0x104: {  	v6 =	vadd.f32 v28, v6;
	v27 =	vld [tilespmem:$0x4D30]  }
0x105: {  	v16 =	vmul.f32 v33, v3;
	v33 =	vld [tilespmem:$0x1FDC0]  }
0x106: {  	v6 =	vadd.f32 v32, v6;
	v32 =	vmul.f32 v63, v57;
	v57 =	vld [tilespmem:$0x4F20]  }
0x107: {  	v8 =	vadd.f32 v14, v8;
	v63 =	vld [tilespmem:$0x4F30]  }
0x108: {  	v60 =	vmul.f32 v31, v55;
	v31 =	vld [tilespmem:$0x4FB0]  }
0x109: {  	v12 =	vmul.f32 v42, v37;
	v8 =	vadd.f32 v30, v8;
	v30 =	vld [tilespmem:$0x1FDB0]  }
0x10a: {  	v42 =	vmul.f32 v26, v55;
	v55 =	vld [tilespmem:$0x50B0]  }
0x10b: {  	v14 =	vmul.f32 v25, v34;
	v12 =	vadd.f32 v12, v5;
	v28 =	vmul.f32 v45, v56;
	v45 =	vld [tilespmem:$0x4E30]  }
0x10c: {  	v6 =	vadd.f32 v58, v6;
	v58 =	vld [tilespmem:$0x1FDD0]  }
0x10d: {  	v12 =	vadd.f32 v14, v12;
	v14 =	vmul.f32 v29, v53;
	v29 =	vld [tilespmem:$0x5020]  }
0x10e: {  	v7 =	vadd.f32 v16, v7;
	v61 =	vadd.f32 v10, v8;
	v16 =	vmul.f32 v59, v54;
	v59 =	vld [tilespmem:$0x4EB0]  }
0x10f: {  	v56 =	vmul.f32 v27, v54;
	v27 =	vld [tilespmem:$0x5F20]  }
0x110: {  	v6 =	vadd.f32 v24, v6;
	v8 =	vadd.f32 v62, v61;
	v61 =	vld [tilespmem:$0x4FA0]  }
0x111: {  	v10 =	vmul.f32 v33, v13;
	v62 =	vmul.f32 v36, v50;
	v36 =	vld [tilespmem:$0x50A0]  }
0x112: {  	v5 =	vbroadcast v4, $0x5;
	v6 =	vadd.f32 v28, v6;
	v28 =	vld [tilespmem:$0x1FDE0]  }
0x113: {  	v10 =	vadd.f32 v10, v12;
	v12 =	vmul.f32 v57, v51;
	v57 =	vld [tilespmem:$0x51A0]  }
0x114: {  	v8 =	vadd.f32 v18, v8;
	v18 =	vmul.f32 v30, v5;
	v30 =	vld [tilespmem:$0x1FDF0]  }
0x115: {  	v17 =	vmul.f32 v45, v53;
	v45 =	vld [tilespmem:$0x5030]  }
0x116: {  	v53 =	vld [tilespmem:$0x5120]  }
0x117: {  	v54 =	vmul.f32 v29, v49;
	v29 =	vld [tilespmem:$0x52A0]  }
0x118: {  	v33 =	vmul.f32 v59, v50;
	v50 =	vld [tilespmem:$0x1FE00]  }
0x119: {  	v6 =	vadd.f32 v32, v6;
	v59 =	vld [tilespmem:$0x5130]  }
0x11a: {  	v8 =	vadd.f32 v16, v8;
	v16 =	vmul.f32 v58, v35;
	v58 =	vld [tilespmem:$0x1FE10]  }
0x11b: {  	v9 =	vadd.f32 v56, v6;
	v56 =	vmul.f32 v31, v48;
	v31 =	vld [tilespmem:$0x5230]  }
0x11c: {  	v8 =	vadd.f32 v42, v8;
	v42 =	vmul.f32 v61, v48;
	v61 =	vld [tilespmem:$0x5220]  }
0x11d: {  	v10 =	vadd.f32 v16, v10;
	v16 =	vmul.f32 v63, v51;
	v63 =	vld [tilespmem:$0x51B0]  }
0x11e: {  	v48 =	vld [tilespmem:$0x5330]  }
0x11f: {  	v7 =	vadd.f32 v18, v7;
	v6 =	vbroadcast v4, $0x6;
	v18 =	vmul.f32 v57, v44;
	v57 =	vld [tilespmem:$0x5430]  }
0x120: {  	v9 =	vadd.f32 v60, v9;
	v60 =	vld [tilespmem:$0x1FE20]  }
0x121: {  	v19 =	vmul.f32 v28, v6;
	v28 =	vmul.f32 v55, v47;
	v55 =	vld [tilespmem:$0x54A0]  }
0x122: {  	v8 =	vadd.f32 v14, v8;
	v14 =	vmul.f32 v30, v15;
	v30 =	vld [tilespmem:$0x1FE30]  }
0x123: {  	v51 =	vmul.f32 v50, v21;
	v50 =	vld [tilespmem:$0x5420]  }
0x124: {  	v32 =	vadd.f32 v17, v9;
	v17 =	vmul.f32 v36, v47;
	v47 =	vld [tilespmem:$0x1FE50]  }
0x125: {  	v10 =	vadd.f32 v14, v10;
	v14 =	vmul.f32 v45, v49;
	v45 =	vld [tilespmem:$0x1FE40]  }
0x126: {  	v8 =	vadd.f32 v62, v8;
	v62 =	vmul.f32 v53, v46;
	v53 =	vld [tilespmem:$0x53B0]  }
0x127: {  	v9 =	vadd.f32 v33, v32;
	v33 =	vld [tilespmem:$0x5320]  }
0x128: {  	v32 =	vmul.f32 v59, v46;
	v46 =	vld [tilespmem:$0x53A0]  }
0x129: {  	v59 =	vld [tilespmem:$0x1FE70]  }
0x12a: {  	v19 =	vadd.f32 v19, v7;
	v7 =	vbroadcast v4, $0x7;
	v36 =	vmul.f32 v61, v43;
	v61 =	vld [tilespmem:$0x54B0]  }
0x12b: {  	v49 =	vmul.f32 v31, v43;
	v43 =	vld [tilespmem:$0x5720]  }
0x12c: {  	v31 =	vmul.f32 v57, v38;
	v8 =	vadd.f32 v12, v8;
	v12 =	vmul.f32 v58, v7;
	v58 =	vld [tilespmem:$0x5520]  }
0x12d: {  	v9 =	vadd.f32 v16, v9;
	v16 =	vmul.f32 v60, v22;
	v60 =	vmul.f32 v50, v38;
	v38 =	vld [tilespmem:$0x55B0]  }
0x12e: {  	v50 =	vld [tilespmem:$0x1FEC0]  }
0x12f: {  	v8 =	vadd.f32 v42, v8;
	v42 =	vld [tilespmem:$0x52B0]  }
0x130: {  	v12 =	vadd.f32 v12, v19;
	v19 =	vmul.f32 v63, v44;
	v63 =	vld [tilespmem:$0x55A0]  }
0x131: {  	v10 =	vadd.f32 v51, v10;
	v44 =	vld [tilespmem:$0x1FEB0]  }
0x132: {  	v26 =	vmul.f32 v47, v11;
	v47 =	vld [tilespmem:$0x57A0]  }
0x133: {  	v10 =	vadd.f32 v16, v10;
	v16 =	vmul.f32 v29, v40;
	v29 =	vld [tilespmem:$0x5530]  }
0x134: {  	v9 =	vadd.f32 v56, v9;
	v8 =	vadd.f32 v54, v8;
	v54 =	vld [tilespmem:$0x1FE60]  }
0x135: {  	v23 =	vmul.f32 v53, v39;
	v51 =	vmul.f32 v33, v41;
	v33 =	vld [tilespmem:$0x1FE90]  }
0x136: {  	v56 =	vmul.f32 v46, v39;
	v39 =	vld [tilespmem:$0x56A0];
	v9 =	vadd.f32 v14, v9;
	v8 =	vadd.f32 v17, v8  }
0x137: {  	v20 =	vmul.f32 v30, v52;
	v46 =	vld [tilespmem:$0x56B0]  }
0x138: {  	v53 =	vmul.f32 v43, v21;
	v43 =	vld [tilespmem:$0x5BA0];
	v9 =	vadd.f32 v28, v9;
	v17 =	vadd.f32 v62, v8  }
0x139: {  	v10 =	vadd.f32 v20, v10;
	v20 =	vmul.f32 v42, v40;
	v42 =	vld [tilespmem:$0x1FEA0];
	v8 =	vbroadcast v4, $0x8  }
0x13a: {  	v28 =	vmul.f32 v55, v37;
	v55 =	vld [tilespmem:$0x58A0];
	v9 =	vadd.f32 v32, v9;
	v17 =	vadd.f32 v18, v17  }
0x13b: {  	v40 =	vmul.f32 v63, v13;
	v63 =	vld [tilespmem:$0x59A0];
	v14 =	vmul.f32 v45, v8  }
0x13c: {  	v13 =	vmul.f32 v38, v13;
	v38 =	vld [tilespmem:$0x5A30];
	v9 =	vadd.f32 v19, v9;
	v17 =	vadd.f32 v36, v17  }
0x13d: {  	v57 =	vmul.f32 v47, v22;
	v47 =	vld [tilespmem:$0x5C20];
	v12 =	vadd.f32 v14, v12  }
0x13e: {  	v62 =	vld [tilespmem:$0x1FE80];
	v14 =	vadd.f32 v49, v9;
	v16 =	vadd.f32 v16, v17  }
0x13f: {  	v24 =	vmul.f32 v54, v0;
	v32 =	vld [tilespmem:$0x5620]  }
0x140: {  	v54 =	vld [tilespmem:$0x57B0];
	v18 =	vmul.f32 v48, v41;
	v14 =	vadd.f32 v20, v14;
	v16 =	vadd.f32 v51, v16  }
0x141: {  	v10 =	vadd.f32 v26, v10;
	v25 =	vmul.f32 v33, v2;
	v33 =	vld [tilespmem:$0x59B0]  }
0x142: {  	v26 =	vbroadcast v4, $0xB;
	v41 =	vld [tilespmem:$0x5630];
	v14 =	vadd.f32 v18, v14;
	v16 =	vadd.f32 v56, v16  }
0x143: {  	v48 =	vmul.f32 v39, v15;
	v39 =	vld [tilespmem:$0x5B20];
	v9 =	vbroadcast v4, $0x9  }
0x144: {  	v19 =	vmul.f32 v61, v37;
	v61 =	vld [tilespmem:$0x58B0];
	v30 =	vadd.f32 v23, v14;
	v16 =	vadd.f32 v60, v16  }
0x145: {  	v10 =	vadd.f32 v24, v10;
	v36 =	vmul.f32 v58, v34;
	v58 =	vld [tilespmem:$0x5830];
	v24 =	vmul.f32 v59, v9  }
0x146: {  	v37 =	vmul.f32 v63, v1;
	v63 =	vld [tilespmem:$0x1FF70];
	v14 =	vadd.f32 v31, v30;
	v16 =	vadd.f32 v28, v16  }
0x147: {  	v15 =	vmul.f32 v46, v15;
	v49 =	vld [tilespmem:$0x5730];
	v18 =	vmul.f32 v62, v1;
	v12 =	vadd.f32 v24, v12  }
0x148: {  	v59 =	vld [tilespmem:$0x1FEE0];
	v24 =	vmul.f32 v29, v34;
	v14 =	vadd.f32 v19, v14;
	v16 =	vadd.f32 v36, v16  }
0x149: {  	v46 =	vmul.f32 v38, v2;
	v45 =	vmul.f32 v32, v35;
	v51 =	vld [tilespmem:$0x5820];
	v18 =	vadd.f32 v18, v10  }
0x14a: {  	v62 =	vmul.f32 v54, v22;
	v34 =	vld [tilespmem:$0x1FF00];
	v14 =	vadd.f32 v24, v14;
	v16 =	vadd.f32 v40, v16  }
0x14b: {  	v29 =	vmul.f32 v55, v11;
	v11 =	vmul.f32 v61, v11;
	v54 =	vld [tilespmem:$0x5D20];
	v18 =	vadd.f32 v25, v18  }
0x14c: {  	v55 =	vld [tilespmem:$0x1FF50];
	v25 =	vmul.f32 v41, v35;
	v13 =	vadd.f32 v13, v14;
	v16 =	vadd.f32 v45, v16  }
0x14d: {  	v1 =	vmul.f32 v33, v1;
	v20 =	vmul.f32 v49, v21;
	v60 =	vld [tilespmem:$0x5920]  }
0x14e: {  	v21 =	vbroadcast v4, $0xD;
	v30 =	vld [tilespmem:$0x5930];
	v13 =	vadd.f32 v25, v13;
	v16 =	vadd.f32 v48, v16  }
0x14f: {  	v10 =	vbroadcast v4, $0xA;
	v31 =	vld [tilespmem:$0x5A20];
	v28 =	vmul.f32 v44, v3  }
0x150: {  	v38 =	vmul.f32 v27, v21;
	v35 =	vld [tilespmem:$0x5AA0];
	v13 =	vadd.f32 v15, v13;
	v16 =	vadd.f32 v53, v16  }
0x151: {  	v41 =	vld [tilespmem:$0x5AB0];
	v19 =	vmul.f32 v42, v10;
	v18 =	vadd.f32 v28, v18;
	v24 =	vmul.f32 v50, v5  }
0x152: {  	v56 =	vld [tilespmem:$0x1FED0];
	v14 =	vmul.f32 v51, v52;
	v13 =	vadd.f32 v20, v13;
	v16 =	vadd.f32 v57, v16  }
0x153: {  	v28 =	vld [tilespmem:$0x1FEF0];
	v12 =	vadd.f32 v19, v12;
	v19 =	vmul.f32 v58, v52;
	v32 =	vmul.f32 v60, v0  }
0x154: {  	v58 =	vld [tilespmem:$0x5DA0];
	v0 =	vmul.f32 v30, v0;
	v13 =	vadd.f32 v62, v13;
	v14 =	vadd.f32 v14, v16  }
0x155: {  	v40 =	vmul.f32 v31, v2;
	v44 =	vmul.f32 v35, v3;
	v51 =	vld [tilespmem:$0x5CA0]  }
0x156: {  	v3 =	vmul.f32 v41, v3;
	v52 =	vld [tilespmem:$0x5C30];
	v13 =	vadd.f32 v19, v13;
	v14 =	vadd.f32 v29, v14  }
0x157: {  	v2 =	vmul.f32 v47, v7;
	v18 =	vadd.f32 v24, v18;
	v24 =	vmul.f32 v56, v26;
	v45 =	vld [tilespmem:$0x5B30]  }
0x158: {  	v61 =	vld [tilespmem:$0x1FF60];
	v22 =	vmul.f32 v28, v7;
	v11 =	vadd.f32 v11, v13;
	v14 =	vadd.f32 v32, v14  }
0x159: {  	v36 =	vld [tilespmem:$0x1FF10];
	v23 =	vmul.f32 v58, v10;
	v15 =	vmul.f32 v59, v6  }
0x15a: {  	v48 =	vld [tilespmem:$0x1FF30];
	v59 =	vmul.f32 v51, v8;
	v0 =	vadd.f32 v0, v11;
	v14 =	vadd.f32 v37, v14  }
0x15b: {  	v49 =	vld [tilespmem:$0x5BB0];
	v7 =	vmul.f32 v52, v7;
	v15 =	vadd.f32 v15, v18;
	v18 =	vbroadcast v4, $0xC  }
0x15c: {  	v42 =	vld [tilespmem:$0x1FF20];
	v53 =	vmul.f32 v45, v5;
	v0 =	vadd.f32 v1, v0;
	v14 =	vadd.f32 v40, v14  }
0x15d: {  	v50 =	vld [tilespmem:$0x1FF40];
	v12 =	vadd.f32 v24, v12;
	v57 =	vbroadcast v4, $0xE;
	v4 =	vbroadcast v4, $0xF  }
0x15e: {  	v60 =	vld [tilespmem:$0x5D30];
	v13 =	vmul.f32 v39, v5;
	v0 =	vadd.f32 v46, v0;
	v14 =	vadd.f32 v44, v14  }
0x15f: {  	v24 =	vld [tilespmem:$0x5E30];
	v15 =	vadd.f32 v22, v15;
	v22 =	vmul.f32 v36, v8;
	v20 =	vmul.f32 v48, v21  }
0x160: {  	v31 =	vld [tilespmem:$0x5FA0];
	v11 =	vmul.f32 v43, v6;
	v0 =	vadd.f32 v3, v0;
	v13 =	vadd.f32 v13, v14  }
0x161: {  	v56 =	vld [tilespmem:$0x5CB0];
	v19 =	vmul.f32 v34, v18;
	v15 =	vadd.f32 v22, v15;
	v22 =	vmul.f32 v42, v9  }
0x162: {  	v35 =	vld [tilespmem:$0x1FFA0];
	v6 =	vmul.f32 v49, v6;
	v0 =	vadd.f32 v53, v0;
	v11 =	vadd.f32 v11, v13  }
0x163: {  	v62 =	vld [tilespmem:$0x5E20];
	v17 =	vmul.f32 v63, v18;
	v12 =	vadd.f32 v19, v12;
	v15 =	vadd.f32 v22, v15  }
0x164: {  	v36 =	vmul.f32 v24, v26;
	v19 =	vld [tilespmem:$0x5DB0];
	v0 =	vadd.f32 v6, v0;
	v2 =	vadd.f32 v2, v11  }
0x165: {  	v5 =	vmul.f32 v54, v9;
	v22 =	vld [tilespmem:$0x5EA0];
	v12 =	vadd.f32 v20, v12;
	v1 =	vmul.f32 v50, v10  }
0x166: {  	v25 =	vld [tilespmem:$0x1FF80];
	v20 =	vmul.f32 v56, v8;
	v0 =	vadd.f32 v7, v0;
	v2 =	vadd.f32 v59, v2  }
0x167: {  	v42 =	vmul.f32 v31, v57;
	v32 =	vld [tilespmem:$0x1FF90];
	v1 =	vadd.f32 v1, v15;
	v15 =	vmul.f32 v55, v26  }
0x168: {  	v41 =	vld [tilespmem:$0x1FFB0];
	v9 =	vmul.f32 v60, v9;
	v0 =	vadd.f32 v20, v0;
	v2 =	vadd.f32 v5, v2  }
0x169: {  	v29 =	vld [tilespmem:$0x5EB0];
	v28 =	vmul.f32 v62, v26;
	v30 =	vmul.f32 v19, v10;
	v1 =	vadd.f32 v15, v1  }
0x16a: {  	v34 =	vld [tilespmem:$0x5F30];
	v33 =	vmul.f32 v22, v18;
	v0 =	vadd.f32 v9, v0;
	v2 =	vadd.f32 v23, v2  }
0x16b: {  	v37 =	vld [tilespmem:$0x6020];
	v1 =	vadd.f32 v17, v1;
	v6 =	vmul.f32 v61, v57;
	v7 =	vmul.f32 v25, v21  }
0x16c: {  	v10 =	vmul.f32 v32, v4;
	v44 =	vld [tilespmem:$0x1FFC0];
	v0 =	vadd.f32 v30, v0;
	v2 =	vadd.f32 v28, v2  }
0x16d: {  	v39 =	vld [tilespmem:$0x5FB0];
	v6 =	vadd.f32 v6, v12;
	v1 =	vadd.f32 v7, v1;
	v7 =	vmul.f32 v35, v57  }
0x16e: {  	v47 =	vld [tilespmem:$0x1FFD0];
	v40 =	vmul.f32 v29, v18;
	v0 =	vadd.f32 v36, v0;
	v2 =	vadd.f32 v33, v2  }
0x16f: {  	v43 =	vld [tilespmem:$0x6030];
	v11 =	vmul.f32 v41, v4;
	v6 =	vadd.f32 v10, v6;
	v1 =	vadd.f32 v7, v1  }
0x170: {  	v45 =	vmul.f32 v34, v21;
	v0 =	vadd.f32 v40, v0;
	v2 =	vadd.f32 v38, v2  }
0x171: {  	v50 =	vld [tilespmem:$0x1FFE0];
	v46 =	vmul.f32 v37, v4;
	v6 =	vmul.f32 v6, v44;
	v1 =	vadd.f32 v11, v1  }
0x172: {  	v3 =	vmul.f32 v39, v57;
	v0 =	vadd.f32 v45, v0;
	v2 =	vadd.f32 v42, v2  }
0x173: {  	v51 =	vimm.s32 $0xFEDCBA98;
	v53 =	vld [tilespmem:$0x1FFF0];
	v48 =	vadd.f32 $0.0e+00, v6;
	v1 =	vmul.f32 v1, v47  }
0x174: {  	v49 =	vmul.f32 v43, v4;
	v0 =	vadd.f32 v3, v0;
	v2 =	vadd.f32 v46, v2  }
0x175: {  	v52 =	vimm.s32 $0x76543210;
	v4 =	vunpack.c.l.s4.s8 v51;
	v1 =	vadd.f32 v1, v48  }
0x176: {  	v3 =	vunpack.c.l.s4.s8 v52;
	v0 =	vadd.f32 v49, v0;
	v2 =	vmul.f32 v2, v50  }
0x177: {  	v54 =	vunpack.c.0.s8.s32 v4  }
0x178: {  	v3 =	vunpack.c.0.s8.s32 v3;
	v0 =	vmul.f32 v0, v53;
	v1 =	vadd.f32 v2, v1  }
0x179: {  	v56 =	vimm.s32 $0xBA98FEDC;
	v55 =	vand.u32 $0xF, v54  }
0x17a: {  	v57 =	vimm.s32 $0x32107654;
	v0 =	vadd.f32 v0, v1;
	v1 =	vcombine.low v55, v3  }
0x17b: {  	v2 =	vunpack.c.l.s4.s8 v56;
	v3 =	vunpack.c.l.s4.s8 v57  }
0x17c: {  	v1 =	vperm.xlane v0, v1  }
0x17d: {  	v2 =	vunpack.c.0.s8.s32 v2;
	v3 =	vunpack.c.0.s8.s32 v3  }
0x17e: {  	v60 =	vimm.s32 $0x54761032;
	v59 =	vimm.s32 $0xDCFE98BA;
	v0 =	vadd.f32 v0, v1  }
0x17f: {  	v58 =	vcombine.low v3, v2;
	v2 =	vunpack.c.l.s4.s8 v59;
	v3 =	vunpack.c.l.s4.s8 v60  }
0x180: {  	v62 =	vimm.s32 $0x67452301  }
0x181: {  	v1 =	vperm.xlane v0, v58;
	v2 =	vunpack.c.0.s8.s32 v2;
	v3 =	vunpack.c.0.s8.s32 v3  }
0x182: {  	v63 =	vunpack.c.l.s4.s8 v62;
	v61 =	vimm.s32 $0xEFCDAB89  }
0x183: {  	v0 =	vadd.f32 v0, v1;
	v2 =	vcombine.low v3, v2;
	v1 =	vunpack.c.l.s4.s8 v61;
	_ =	sdelay $0x1  }
0x184: {  	v3 =	vunpack.c.0.s8.s32 v63;
	v2 =	vperm.xlane v0, v2;
	v1 =	vunpack.c.0.s8.s32 v1;
	_ =	sdelay $0x1  }
0x185: {  	v0 =	vadd.f32 v0, v2;
	v1 =	vcombine.low v3, v1;
	_ =	sdelay $0x1  }
0x186: {  	v1 =	vperm.xlane v0, v1;
	_ =	sdelay $0x1  }
0x187: {  	v0 =	vadd.f32 v0, v1;
	_ =	sdelay $0x1  }
0x188: {  	s31 =	simm.s32 $0x6080;
	[tilespmem:$0x6080] =	vst v0  }
0x189: {  	[hbm4b:s1+s2] =	stream.linear.scatter [tilespmem:s31], [sflag:$0x4], $0x80, $0x38;
	[tilespmem:$0x6100] =	vst v63  }
0x18a: {  	_ =	swait.ge [sflag:s20], $0x80  }
0x18b: {  	[sflag:s20] =	ssyncset.done $0x0  }
0x18c: {  	[sflag:s20] =	ssyncadd.s32 $0xFFFFFF80  }
0x18d: {  	_ =	sfence.sel $0x180000  }
0x18e: {  	[bflag:$0x0] =	sbarrier.arrive $0xFFFF  }
0x18f: {  	_ =	strace $0x90000047  }
0x190: {  	s0 =	sadd.s32 $0x100000, s0;
	[bflag:$0x2] =	sbarrier.arrive $0xFFFF  }
0x191: {  	[sflag:s0] =	ssyncadd.tile.s32 $0x1;
	_ =	shalt  }
.Lfunc_end2:
_tile_overlayer_lowered:
.L_overlay_start_2:
0x192: {  	(tag) =	ssettag $0x2  }
0x193: {  	s0 =	rddreg [dreg:$0x0];
	s2 =	stileid.u32  }
0x194: {  	s1 =	rddreg [dreg:$0x1];
	p0 =	sne.s32 s2, $0x0  }
0x195: {  	s3 =	rddreg [dreg:$0x2];
	[bflag:$0x3] =	sbarrier.arrive $0xFFFF;
	s2 =	simm.s32 @!p0 $0x1C04  }
0x196: {  	[timem:s3], [sflag:s2] =	dma.local @!p0 [hbm:s0], s1  }
0x197: {  	s0 =	simm.s32 @!p0 $0x4  }
0x198: {  	_ =	swait.ge @!p0 [sflag:s0], s1  }
0x199: {  	s1 =	ssub.s32 @!p0 $0x0, s1;
	[sflag:s0] =	ssyncset.done @!p0 $0x0  }
0x19a: {  	[sflag:s0] =	ssyncadd.s32 @!p0 s1  }
0x19b: {  	[bflag:$0x3] =	sbarrier.arrive $0xFFFF  }
0x19c: {  	_ =	shalt  }

</sc_bundles>
